<compile_context>
chip_gen: v7x
topology: tpu7x:2x2x1
jax: 0.10.2.dev20260603
libtpu: 0.0.44.dev20260713+nightly
codegen_flags: <defaults>
</compile_context>

<pallas_src>
import jax
import jax.numpy as jnp
from jax import lax
from jax.experimental import pallas as pl
from jax.experimental.pallas import tpu as pltpu
from jax.experimental.pallas import tpu_sc as plsc

_N = 10000
_D = 128
_E = 320000
_C = 384
_ROWS = -(-_E // _C)
_EPAD = _ROWS * _C
_NC = 2
_NS = 16
_NW = _NC * _NS
_RPW = _ROWS // _NW
_EXTRA = _ROWS - _RPW * _NW
_ZCH = 80
_LANES = 8


def _layer_body(h_hbm, src_hbm, dst_hbm, w_hbm, out_hbm,
                partial, gbuf, src_v, dst_v, w_v):
    zbuf = gbuf
    c = lax.axis_index("c")
    s = lax.axis_index("s")
    wid = s * _NC + c

    def _zrow(i, carry):
        for j in range(_LANES):
            zbuf[i, pl.ds(j * 16, 16)] = jnp.zeros((16,), jnp.float32)
        return carry
    lax.fori_loop(0, _ZCH, _zrow, 0)

    zbase = s * 640
    nz = jnp.where(s < _NS - 1, 8, 5)

    def _zchunk(k, carry):
        pltpu.sync_copy(zbuf.at[pl.ds(0, _ZCH), :],
                        partial.at[pl.ds(zbase + k * _ZCH, _ZCH), :])
        return carry
    lax.fori_loop(0, nz, _zchunk, 0)

    plsc.subcore_barrier()

    nrows = _RPW + jnp.where(wid < _EXTRA, 1, 0)
    rbase = wid * _RPW + jnp.minimum(wid, _EXTRA)

    def _erow(r, carry):
        row = rbase + r
        pltpu.sync_copy(src_hbm.at[row], src_v)
        pltpu.sync_copy(dst_hbm.at[row], dst_v)
        pltpu.sync_copy(w_hbm.at[row], w_v.at[pl.ds(0, _C)])
        pltpu.sync_copy(h_hbm.at[src_v], gbuf)

        def _scale(e, carry2):
            w = w_v[pl.ds(e, 16)][0]
            for j in range(_LANES):
                gbuf[e, pl.ds(j * 16, 16)] = gbuf[e, pl.ds(j * 16, 16)] * w
            return carry2
        lax.fori_loop(0, _C, _scale, 0)

        pltpu.sync_copy(gbuf, partial.at[dst_v], add=True)
        return carry
    lax.fori_loop(0, nrows, _erow, 0)

    plsc.subcore_barrier()

    def _wchunk(k, carry):
        rows = pl.ds(zbase + k * _ZCH, _ZCH)
        pltpu.sync_copy(partial.at[rows, :], out_hbm.at[c, rows, :])
        return carry
    lax.fori_loop(0, nz, _wchunk, 0)


_layer = pl.kernel(
    _layer_body,
    out_type=jax.ShapeDtypeStruct((_NC, _N, _D), jnp.float32),
    mesh=plsc.VectorSubcoreMesh(
        core_axis_name="c", subcore_axis_name="s",
        num_cores=_NC, num_subcores=_NS),
    scratch_types=[
        pltpu.VMEM_SHARED((_N, _D), jnp.float32),
        pltpu.VMEM((_C, _D), jnp.float32),
        pltpu.VMEM((_C,), jnp.int32),
        pltpu.VMEM((_C,), jnp.int32),
        pltpu.VMEM((_C + 16,), jnp.float32),
    ],
)


@jax.jit
def _lgcn(x, src2d, dst2d, w2d):
    feats = [x]
    h = x
    for _ in range(3):
        p = _layer(h, src2d, dst2d, w2d)
        h = p[0] + p[1]
        feats.append(h)
    return jnp.concatenate(feats, axis=1)


def kernel(x, edge_index, edge_weight, edge_type):
    del edge_type
    npad = _EPAD - _E
    zi = jnp.zeros((npad,), jnp.int32)
    src = jnp.concatenate([edge_index[0].astype(jnp.int32), zi]).reshape(
        _ROWS, _C)
    dst = jnp.concatenate([edge_index[1].astype(jnp.int32), zi]).reshape(
        _ROWS, _C)
    w = jnp.concatenate([0.5 * edge_weight.astype(jnp.float32),
                         jnp.zeros((npad,), jnp.float32)]).reshape(_ROWS, _C)
    return _lgcn(x, src, dst, w)

# --- scband reference (transcript-rebuilt; emitter-appended) ---
"""Pipeline reference for scband-hg-lgcn-vanilla-1279900254484 (READ-ONLY COPY).

The authoritative reference and input builder live on the scoring server;
editing this copy changes nothing except your own understanding.
"""

import jax, jax.numpy as jnp
import numpy as np

N = 10000
E = 320000
D = 128
NUM_LAYERS = 3


def setup_inputs(seed: int = 0) -> dict:
    key = jax.random.key(seed)
    k1, k2, k3, k4 = jax.random.split(key, 4)
    x = jax.random.normal(k1, (N, D), dtype=jnp.float32)
    edge_index = jax.random.randint(k2, (2, E), 0, N).astype(jnp.int64)
    edge_weight = jax.random.uniform(k3, (E,), dtype=jnp.float32)
    edge_type = jax.random.randint(k4, (E,), 0, 2).astype(jnp.int64)
    return {"x": x, "edge_index": edge_index, "edge_weight": edge_weight, "edge_type": edge_type}


def _modified_lightgcn_conv(x, edge_index, edge_weight, edge_type):
    # Parameter-free LightGCN-style propagation with edge weights;
    # intra-group (edge_type==0) and inter-group (edge_type==1) messages
    # are aggregated separately and averaged.
    src = edge_index[0]
    dst = edge_index[1]
    msg = jnp.take(x, src, axis=0) * edge_weight[:, None]
    intra_mask = (edge_type == 0).astype(x.dtype)
    agg_intra = jax.ops.segment_sum(msg * intra_mask[:, None], dst, num_segments=N)
    agg_inter = jax.ops.segment_sum(msg * (1.0 - intra_mask)[:, None], dst, num_segments=N)
    return 0.5 * (agg_intra + agg_inter)


def reference(x, edge_index, edge_weight, edge_type):
    all_features = [x]
    h = x
    for _ in range(NUM_LAYERS):
        h = _modified_lightgcn_conv(h, edge_index, edge_weight, edge_type)
        all_features.append(h)
    total_features = jnp.concatenate(all_features, axis=1)
    return total_features

if __name__ == "__main__":
    import jax
    _d = setup_inputs()
    print(jax.jit(kernel)(*tuple(_d.values())))

</pallas_src>

<mosaic_0001>
#map = affine_map<(d0, d1) -> (0, 0)>
#map1 = affine_map<(d0, d1) -> (0, 0, 0)>
module attributes {stable_mosaic.version = 14 : i64} {
  func.func @_layer_body(%arg0: i32, %arg1: i32, %arg2: memref<10000x128xf32, #tpu.memory_space<hbm>>, %arg3: memref<834x384xi32, #tpu.memory_space<hbm>>, %arg4: memref<834x384xi32, #tpu.memory_space<hbm>>, %arg5: memref<834x384xf32, #tpu.memory_space<hbm>>, %arg6: memref<2x10000x128xf32, #tpu.memory_space<hbm>>, %arg7: memref<10000x128xf32, #tpu.memory_space<vmem_shared>>, %arg8: memref<384x128xf32, #tpu.memory_space<vmem>>, %arg9: memref<384xi32, #tpu.memory_space<vmem>>, %arg10: memref<384xi32, #tpu.memory_space<vmem>>, %arg11: memref<400xf32, #tpu.memory_space<vmem>>) attributes {dimension_semantics = [#tpu.dimension_semantics<core_parallel>, #tpu.dimension_semantics<subcore_parallel>], iteration_bounds = array<i64: 2, 16>, scalar_prefetch = 0 : i64, scratch_operands = 5 : i64, tpu.core_type = #tpu.core_type<sc_vector_subcore>, window_params = [{transform_indices = #map}, {transform_indices = #map}, {transform_indices = #map}, {transform_indices = #map}, {transform_indices = #map1}]} {
    %mul3A = arith.constant 2 : i32
    %mul3A_0 = arith.muli %arg1, %mul3A : i32
    %add3A = arith.addi %mul3A_0, %arg0 : i32
    %scan3A = arith.constant 0 : i32
    %scan3A_1 = arith.constant 0 : i32
    %scan3A_2 = arith.constant 80 : i32
    %scan3A_3 = arith.addi %scan3A_1, %scan3A_2 : i32
    %scan3A_4 = arith.constant 1 : i32
    scf.for %scan3A_51 = %scan3A_1 to %scan3A_3 step %scan3A_4  : i32 {
      %broadcast_in_dim3A = arith.constant 0.000000e+00 : f32
      %broadcast_in_dim3A_52 = vector.broadcast %broadcast_in_dim3A : f32 to vector<16xf32>
      %swap3A = arith.index_cast %scan3A_51 : i32 to index
      %swap3A_53 = arith.constant 0 : index
      %swap3A_54 = tpu.vector_load %arg8[%swap3A, %swap3A_53] {strides = array<i32>} : memref<384x128xf32, #tpu.memory_space<vmem>>, vector<1x16xf32>,
      %swap3A_55 = vector.shape_cast %swap3A_54 : vector<1x16xf32> to vector<16xf32>
      %swap3A_56 = vector.shape_cast %broadcast_in_dim3A_52 : vector<16xf32> to vector<1x16xf32>
      tpu.vector_store %arg8[%swap3A, %swap3A_53], %swap3A_56 {strides = array<i32>} : memref<384x128xf32, #tpu.memory_space<vmem>>, vector<1x16xf32>,
      %broadcast_in_dim3A_57 = arith.constant 0.000000e+00 : f32
      %broadcast_in_dim3A_58 = vector.broadcast %broadcast_in_dim3A_57 : f32 to vector<16xf32>
      %swap3A_59 = arith.index_cast %scan3A_51 : i32 to index
      %swap3A_60 = arith.constant 16 : index
      %swap3A_61 = tpu.vector_load %arg8[%swap3A_59, %swap3A_60] {strides = array<i32>} : memref<384x128xf32, #tpu.memory_space<vmem>>, vector<1x16xf32>,
      %swap3A_62 = vector.shape_cast %swap3A_61 : vector<1x16xf32> to vector<16xf32>
      %swap3A_63 = vector.shape_cast %broadcast_in_dim3A_58 : vector<16xf32> to vector<1x16xf32>
      tpu.vector_store %arg8[%swap3A_59, %swap3A_60], %swap3A_63 {strides = array<i32>} : memref<384x128xf32, #tpu.memory_space<vmem>>, vector<1x16xf32>,
      %broadcast_in_dim3A_64 = arith.constant 0.000000e+00 : f32
      %broadcast_in_dim3A_65 = vector.broadcast %broadcast_in_dim3A_64 : f32 to vector<16xf32>
      %swap3A_66 = arith.index_cast %scan3A_51 : i32 to index
      %swap3A_67 = arith.constant 32 : index
      %swap3A_68 = tpu.vector_load %arg8[%swap3A_66, %swap3A_67] {strides = array<i32>} : memref<384x128xf32, #tpu.memory_space<vmem>>, vector<1x16xf32>,
      %swap3A_69 = vector.shape_cast %swap3A_68 : vector<1x16xf32> to vector<16xf32>
      %swap3A_70 = vector.shape_cast %broadcast_in_dim3A_65 : vector<16xf32> to vector<1x16xf32>
      tpu.vector_store %arg8[%swap3A_66, %swap3A_67], %swap3A_70 {strides = array<i32>} : memref<384x128xf32, #tpu.memory_space<vmem>>, vector<1x16xf32>,
      %broadcast_in_dim3A_71 = arith.constant 0.000000e+00 : f32
      %broadcast_in_dim3A_72 = vector.broadcast %broadcast_in_dim3A_71 : f32 to vector<16xf32>
      %swap3A_73 = arith.index_cast %scan3A_51 : i32 to index
      %swap3A_74 = arith.constant 48 : index
      %swap3A_75 = tpu.vector_load %arg8[%swap3A_73, %swap3A_74] {strides = array<i32>} : memref<384x128xf32, #tpu.memory_space<vmem>>, vector<1x16xf32>,
      %swap3A_76 = vector.shape_cast %swap3A_75 : vector<1x16xf32> to vector<16xf32>
      %swap3A_77 = vector.shape_cast %broadcast_in_dim3A_72 : vector<16xf32> to vector<1x16xf32>
      tpu.vector_store %arg8[%swap3A_73, %swap3A_74], %swap3A_77 {strides = array<i32>} : memref<384x128xf32, #tpu.memory_space<vmem>>, vector<1x16xf32>,
      %broadcast_in_dim3A_78 = arith.constant 0.000000e+00 : f32
      %broadcast_in_dim3A_79 = vector.broadcast %broadcast_in_dim3A_78 : f32 to vector<16xf32>
      %swap3A_80 = arith.index_cast %scan3A_51 : i32 to index
      %swap3A_81 = arith.constant 64 : index
      %swap3A_82 = tpu.vector_load %arg8[%swap3A_80, %swap3A_81] {strides = array<i32>} : memref<384x128xf32, #tpu.memory_space<vmem>>, vector<1x16xf32>,
      %swap3A_83 = vector.shape_cast %swap3A_82 : vector<1x16xf32> to vector<16xf32>
      %swap3A_84 = vector.shape_cast %broadcast_in_dim3A_79 : vector<16xf32> to vector<1x16xf32>
      tpu.vector_store %arg8[%swap3A_80, %swap3A_81], %swap3A_84 {strides = array<i32>} : memref<384x128xf32, #tpu.memory_space<vmem>>, vector<1x16xf32>,
      %broadcast_in_dim3A_85 = arith.constant 0.000000e+00 : f32
      %broadcast_in_dim3A_86 = vector.broadcast %broadcast_in_dim3A_85 : f32 to vector<16xf32>
      %swap3A_87 = arith.index_cast %scan3A_51 : i32 to index
      %swap3A_88 = arith.constant 80 : index
      %swap3A_89 = tpu.vector_load %arg8[%swap3A_87, %swap3A_88] {strides = array<i32>} : memref<384x128xf32, #tpu.memory_space<vmem>>, vector<1x16xf32>,
      %swap3A_90 = vector.shape_cast %swap3A_89 : vector<1x16xf32> to vector<16xf32>
      %swap3A_91 = vector.shape_cast %broadcast_in_dim3A_86 : vector<16xf32> to vector<1x16xf32>
      tpu.vector_store %arg8[%swap3A_87, %swap3A_88], %swap3A_91 {strides = array<i32>} : memref<384x128xf32, #tpu.memory_space<vmem>>, vector<1x16xf32>,
      %broadcast_in_dim3A_92 = arith.constant 0.000000e+00 : f32
      %broadcast_in_dim3A_93 = vector.broadcast %broadcast_in_dim3A_92 : f32 to vector<16xf32>
      %swap3A_94 = arith.index_cast %scan3A_51 : i32 to index
      %swap3A_95 = arith.constant 96 : index
      %swap3A_96 = tpu.vector_load %arg8[%swap3A_94, %swap3A_95] {strides = array<i32>} : memref<384x128xf32, #tpu.memory_space<vmem>>, vector<1x16xf32>,
      %swap3A_97 = vector.shape_cast %swap3A_96 : vector<1x16xf32> to vector<16xf32>
      %swap3A_98 = vector.shape_cast %broadcast_in_dim3A_93 : vector<16xf32> to vector<1x16xf32>
      tpu.vector_store %arg8[%swap3A_94, %swap3A_95], %swap3A_98 {strides = array<i32>} : memref<384x128xf32, #tpu.memory_space<vmem>>, vector<1x16xf32>,
      %broadcast_in_dim3A_99 = arith.constant 0.000000e+00 : f32
      %broadcast_in_dim3A_100 = vector.broadcast %broadcast_in_dim3A_99 : f32 to vector<16xf32>
      %swap3A_101 = arith.index_cast %scan3A_51 : i32 to index
      %swap3A_102 = arith.constant 112 : index
      %swap3A_103 = tpu.vector_load %arg8[%swap3A_101, %swap3A_102] {strides = array<i32>} : memref<384x128xf32, #tpu.memory_space<vmem>>, vector<1x16xf32>,
      %swap3A_104 = vector.shape_cast %swap3A_103 : vector<1x16xf32> to vector<16xf32>
      %swap3A_105 = vector.shape_cast %broadcast_in_dim3A_100 : vector<16xf32> to vector<1x16xf32>
      tpu.vector_store %arg8[%swap3A_101, %swap3A_102], %swap3A_105 {strides = array<i32>} : memref<384x128xf32, #tpu.memory_space<vmem>>, vector<1x16xf32>,
    }
    %scan3A_5 = arith.constant 80 : i32
    %mul3A_6 = arith.constant 640 : i32
    %mul3A_7 = arith.muli %arg1, %mul3A_6 : i32
    %lt3A = arith.constant 15 : i32
    %lt3A_8 = arith.cmpi slt, %arg1, %lt3A : i32
    %jit3A = arith.constant 8 : i32
    %jit3A_9 = arith.constant 5 : i32
    %select_n3A = arith.select %lt3A_8, %jit3A, %jit3A_9 : i32
    %while3A = arith.constant 0 : i32
    %while3A_10 = arith.constant 0 : i32
    %while3A_11 = arith.subi %select_n3A, %while3A_10 : i32
    %while3A_12 = arith.addi %while3A_10, %while3A_11 : i32
    %while3A_13 = arith.constant 1 : i32
    %while3A_14 = arith.divsi %while3A_11, %while3A_13 : i32
    %while3A_15 = arith.muli %while3A_14, %while3A_13 : i32
    %while3A_16 = arith.addi %while3A_10, %while3A_15 : i32
    %while3A_17 = arith.constant 1 : i32
    scf.for %while3A_51 = %while3A_10 to %while3A_16 step %while3A_17  : i32 {
      %mul3A_52 = arith.constant 80 : i32
      %mul3A_53 = arith.muli %while3A_51, %mul3A_52 : i32
      %add3A_54 = arith.addi %mul3A_7, %mul3A_53 : i32
      "tpu.region"() ({
        %run_scoped3A = tpu.sem_alloc : memref<!tpu.dma_semaphore, #tpu.memory_space<semaphore_mem>>
        %dma_start3A = arith.constant 0 : i32
        %dma_start3A_55 = arith.constant 0 : i32
        %dma_start3A_56 = tpu.memref_slice %arg8[%dma_start3A, %dma_start3A_55] : memref<384x128xf32, #tpu.memory_space<vmem>> -> memref<80x128xf32, #tpu.memory_space<vmem>>
        %dma_start3A_57 = arith.constant 0 : i32
        %dma_start3A_58 = tpu.memref_slice %arg7[%add3A_54, %dma_start3A_57] : memref<10000x128xf32, #tpu.memory_space<vmem_shared>> -> memref<80x128xf32, #tpu.memory_space<vmem_shared>>
        %dma_start3A_59 = arith.constant 0 : i32
        %dma_start3A_60 = tpu.memref_slice %arg7[%add3A_54, %dma_start3A_59] : memref<10000x128xf32, #tpu.memory_space<vmem_shared>> -> memref<80x128xf32, #tpu.memory_space<vmem_shared>>
        %dma_start3A_61 = arith.constant 0 : i32
        %dma_start3A_62 = arith.constant 0 : i32
        %dma_start3A_63 = tpu.memref_slice %arg8[%dma_start3A_61, %dma_start3A_62] : memref<384x128xf32, #tpu.memory_space<vmem>> -> memref<80x128xf32, #tpu.memory_space<vmem>>
        tpu.enqueue_dma source(%dma_start3A_63 : memref<80x128xf32, #tpu.memory_space<vmem>>) target(%dma_start3A_60 : memref<80x128xf32, #tpu.memory_space<vmem_shared>>) target_semaphore(%run_scoped3A : memref<!tpu.dma_semaphore, #tpu.memory_space<semaphore_mem>>)
        %dma_wait3A = arith.constant 0 : i32
        %dma_wait3A_64 = arith.constant 0 : i32
        %dma_wait3A_65 = tpu.memref_slice %arg8[%dma_wait3A, %dma_wait3A_64] : memref<384x128xf32, #tpu.memory_space<vmem>> -> memref<80x128xf32, #tpu.memory_space<vmem>>
        %dma_wait3A_66 = arith.constant 0 : i32
        %dma_wait3A_67 = tpu.memref_slice %arg7[%add3A_54, %dma_wait3A_66] : memref<10000x128xf32, #tpu.memory_space<vmem_shared>> -> memref<80x128xf32, #tpu.memory_space<vmem_shared>>
        %dma_wait3A_68 = arith.constant 0 : i32
        %dma_wait3A_69 = tpu.memref_slice %arg7[%add3A_54, %dma_wait3A_68] : memref<10000x128xf32, #tpu.memory_space<vmem_shared>> -> memref<80x128xf32, #tpu.memory_space<vmem_shared>>
        %dma_wait3A_70 = arith.constant 0 : i32
        %dma_wait3A_71 = arith.constant 0 : i32
        %dma_wait3A_72 = tpu.memref_slice %arg8[%dma_wait3A_70, %dma_wait3A_71] : memref<384x128xf32, #tpu.memory_space<vmem>> -> memref<80x128xf32, #tpu.memory_space<vmem>>
        tpu.wait_dma2 semaphore(%run_scoped3A : memref<!tpu.dma_semaphore, #tpu.memory_space<semaphore_mem>>) src(%dma_wait3A_72 : memref<80x128xf32, #tpu.memory_space<vmem>>) dst(%dma_wait3A_69 : memref<80x128xf32, #tpu.memory_space<vmem_shared>>)
        tpu.yield
      }) : () -> ()
    }
    %while3A_18 = arith.constant 1 : i32
    scf.for %while3A_51 = %while3A_16 to %while3A_12 step %while3A_18  : i32 {
      %mul3A_52 = arith.constant 80 : i32
      %mul3A_53 = arith.muli %while3A_51, %mul3A_52 : i32
      %add3A_54 = arith.addi %mul3A_7, %mul3A_53 : i32
      "tpu.region"() ({
        %run_scoped3A = tpu.sem_alloc : memref<!tpu.dma_semaphore, #tpu.memory_space<semaphore_mem>>
        %dma_start3A = arith.constant 0 : i32
        %dma_start3A_55 = arith.constant 0 : i32
        %dma_start3A_56 = tpu.memref_slice %arg8[%dma_start3A, %dma_start3A_55] : memref<384x128xf32, #tpu.memory_space<vmem>> -> memref<80x128xf32, #tpu.memory_space<vmem>>
        %dma_start3A_57 = arith.constant 0 : i32
        %dma_start3A_58 = tpu.memref_slice %arg7[%add3A_54, %dma_start3A_57] : memref<10000x128xf32, #tpu.memory_space<vmem_shared>> -> memref<80x128xf32, #tpu.memory_space<vmem_shared>>
        %dma_start3A_59 = arith.constant 0 : i32
        %dma_start3A_60 = tpu.memref_slice %arg7[%add3A_54, %dma_start3A_59] : memref<10000x128xf32, #tpu.memory_space<vmem_shared>> -> memref<80x128xf32, #tpu.memory_space<vmem_shared>>
        %dma_start3A_61 = arith.constant 0 : i32
        %dma_start3A_62 = arith.constant 0 : i32
        %dma_start3A_63 = tpu.memref_slice %arg8[%dma_start3A_61, %dma_start3A_62] : memref<384x128xf32, #tpu.memory_space<vmem>> -> memref<80x128xf32, #tpu.memory_space<vmem>>
        tpu.enqueue_dma source(%dma_start3A_63 : memref<80x128xf32, #tpu.memory_space<vmem>>) target(%dma_start3A_60 : memref<80x128xf32, #tpu.memory_space<vmem_shared>>) target_semaphore(%run_scoped3A : memref<!tpu.dma_semaphore, #tpu.memory_space<semaphore_mem>>)
        %dma_wait3A = arith.constant 0 : i32
        %dma_wait3A_64 = arith.constant 0 : i32
        %dma_wait3A_65 = tpu.memref_slice %arg8[%dma_wait3A, %dma_wait3A_64] : memref<384x128xf32, #tpu.memory_space<vmem>> -> memref<80x128xf32, #tpu.memory_space<vmem>>
        %dma_wait3A_66 = arith.constant 0 : i32
        %dma_wait3A_67 = tpu.memref_slice %arg7[%add3A_54, %dma_wait3A_66] : memref<10000x128xf32, #tpu.memory_space<vmem_shared>> -> memref<80x128xf32, #tpu.memory_space<vmem_shared>>
        %dma_wait3A_68 = arith.constant 0 : i32
        %dma_wait3A_69 = tpu.memref_slice %arg7[%add3A_54, %dma_wait3A_68] : memref<10000x128xf32, #tpu.memory_space<vmem_shared>> -> memref<80x128xf32, #tpu.memory_space<vmem_shared>>
        %dma_wait3A_70 = arith.constant 0 : i32
        %dma_wait3A_71 = arith.constant 0 : i32
        %dma_wait3A_72 = tpu.memref_slice %arg8[%dma_wait3A_70, %dma_wait3A_71] : memref<384x128xf32, #tpu.memory_space<vmem>> -> memref<80x128xf32, #tpu.memory_space<vmem>>
        tpu.wait_dma2 semaphore(%run_scoped3A : memref<!tpu.dma_semaphore, #tpu.memory_space<semaphore_mem>>) src(%dma_wait3A_72 : memref<80x128xf32, #tpu.memory_space<vmem>>) dst(%dma_wait3A_69 : memref<80x128xf32, #tpu.memory_space<vmem_shared>>)
        tpu.yield
      }) : () -> ()
    }
    %barrier3A = arith.constant 0 : index
    tpu.barrier barrier_id(%barrier3A)
    %lt3A_19 = arith.constant 2 : i32
    %lt3A_20 = arith.cmpi slt, %add3A, %lt3A_19 : i32
    %jit3A_21 = arith.constant 1 : i32
    %jit3A_22 = arith.constant 0 : i32
    %select_n3A_23 = arith.select %lt3A_20, %jit3A_21, %jit3A_22 : i32
    %add3A_24 = arith.constant 26 : i32
    %add3A_25 = arith.addi %add3A_24, %select_n3A_23 : i32
    %mul3A_26 = arith.constant 26 : i32
    %mul3A_27 = arith.muli %add3A, %mul3A_26 : i32
    %min3A = arith.constant 2 : i32
    %min3A_28 = arith.minsi %add3A, %min3A : i32
    %add3A_29 = arith.addi %mul3A_27, %min3A_28 : i32
    %while3A_30 = arith.constant 0 : i32
    %while3A_31 = arith.constant 0 : i32
    %while3A_32 = arith.subi %add3A_25, %while3A_31 : i32
    %while3A_33 = arith.addi %while3A_31, %while3A_32 : i32
    %while3A_34 = arith.constant 1 : i32
    %while3A_35 = arith.divsi %while3A_32, %while3A_34 : i32
    %while3A_36 = arith.muli %while3A_35, %while3A_34 : i32
    %while3A_37 = arith.addi %while3A_31, %while3A_36 : i32
    %while3A_38 = arith.constant 1 : i32
    scf.for %while3A_51 = %while3A_31 to %while3A_37 step %while3A_38  : i32 {
      %add3A_52 = arith.addi %add3A_29, %while3A_51 : i32
      "tpu.region"() ({
        %run_scoped3A = tpu.sem_alloc : memref<!tpu.dma_semaphore, #tpu.memory_space<semaphore_mem>>
        %dma_start3A = arith.constant 0 : i32
        %dma_start3A_59 = tpu.memref_slice %arg3[%add3A_52, %dma_start3A] : memref<834x384xi32, #tpu.memory_space<hbm>> -> memref<1x384xi32, #tpu.memory_space<hbm>>
        %dma_start3A_60 = tpu.memref_squeeze %dma_start3A_59 : memref<1x384xi32, #tpu.memory_space<hbm>> -> memref<384xi32, #tpu.memory_space<hbm>>
        %dma_start3A_61 = arith.constant 0 : i32
        %dma_start3A_62 = tpu.memref_slice %arg3[%add3A_52, %dma_start3A_61] : memref<834x384xi32, #tpu.memory_space<hbm>> -> memref<1x384xi32, #tpu.memory_space<hbm>>
        %dma_start3A_63 = tpu.memref_squeeze %dma_start3A_62 : memref<1x384xi32, #tpu.memory_space<hbm>> -> memref<384xi32, #tpu.memory_space<hbm>>
        tpu.enqueue_dma source(%dma_start3A_63 : memref<384xi32, #tpu.memory_space<hbm>>) target(%arg9 : memref<384xi32, #tpu.memory_space<vmem>>) target_semaphore(%run_scoped3A : memref<!tpu.dma_semaphore, #tpu.memory_space<semaphore_mem>>)
        %dma_wait3A = arith.constant 0 : i32
        %dma_wait3A_64 = tpu.memref_slice %arg3[%add3A_52, %dma_wait3A] : memref<834x384xi32, #tpu.memory_space<hbm>> -> memref<1x384xi32, #tpu.memory_space<hbm>>
        %dma_wait3A_65 = tpu.memref_squeeze %dma_wait3A_64 : memref<1x384xi32, #tpu.memory_space<hbm>> -> memref<384xi32, #tpu.memory_space<hbm>>
        %dma_wait3A_66 = arith.constant 0 : i32
        %dma_wait3A_67 = tpu.memref_slice %arg3[%add3A_52, %dma_wait3A_66] : memref<834x384xi32, #tpu.memory_space<hbm>> -> memref<1x384xi32, #tpu.memory_space<hbm>>
        %dma_wait3A_68 = tpu.memref_squeeze %dma_wait3A_67 : memref<1x384xi32, #tpu.memory_space<hbm>> -> memref<384xi32, #tpu.memory_space<hbm>>
        tpu.wait_dma2 semaphore(%run_scoped3A : memref<!tpu.dma_semaphore, #tpu.memory_space<semaphore_mem>>) src(%dma_wait3A_68 : memref<384xi32, #tpu.memory_space<hbm>>) dst(%arg9 : memref<384xi32, #tpu.memory_space<vmem>>)
        tpu.yield
      }) : () -> ()
      "tpu.region"() ({
        %run_scoped3A = tpu.sem_alloc : memref<!tpu.dma_semaphore, #tpu.memory_space<semaphore_mem>>
        %dma_start3A = arith.constant 0 : i32
        %dma_start3A_59 = tpu.memref_slice %arg4[%add3A_52, %dma_start3A] : memref<834x384xi32, #tpu.memory_space<hbm>> -> memref<1x384xi32, #tpu.memory_space<hbm>>
        %dma_start3A_60 = tpu.memref_squeeze %dma_start3A_59 : memref<1x384xi32, #tpu.memory_space<hbm>> -> memref<384xi32, #tpu.memory_space<hbm>>
        %dma_start3A_61 = arith.constant 0 : i32
        %dma_start3A_62 = tpu.memref_slice %arg4[%add3A_52, %dma_start3A_61] : memref<834x384xi32, #tpu.memory_space<hbm>> -> memref<1x384xi32, #tpu.memory_space<hbm>>
        %dma_start3A_63 = tpu.memref_squeeze %dma_start3A_62 : memref<1x384xi32, #tpu.memory_space<hbm>> -> memref<384xi32, #tpu.memory_space<hbm>>
        tpu.enqueue_dma source(%dma_start3A_63 : memref<384xi32, #tpu.memory_space<hbm>>) target(%arg10 : memref<384xi32, #tpu.memory_space<vmem>>) target_semaphore(%run_scoped3A : memref<!tpu.dma_semaphore, #tpu.memory_space<semaphore_mem>>)
        %dma_wait3A = arith.constant 0 : i32
        %dma_wait3A_64 = tpu.memref_slice %arg4[%add3A_52, %dma_wait3A] : memref<834x384xi32, #tpu.memory_space<hbm>> -> memref<1x384xi32, #tpu.memory_space<hbm>>
        %dma_wait3A_65 = tpu.memref_squeeze %dma_wait3A_64 : memref<1x384xi32, #tpu.memory_space<hbm>> -> memref<384xi32, #tpu.memory_space<hbm>>
        %dma_wait3A_66 = arith.constant 0 : i32
        %dma_wait3A_67 = tpu.memref_slice %arg4[%add3A_52, %dma_wait3A_66] : memref<834x384xi32, #tpu.memory_space<hbm>> -> memref<1x384xi32, #tpu.memory_space<hbm>>
        %dma_wait3A_68 = tpu.memref_squeeze %dma_wait3A_67 : memref<1x384xi32, #tpu.memory_space<hbm>> -> memref<384xi32, #tpu.memory_space<hbm>>
        tpu.wait_dma2 semaphore(%run_scoped3A : memref<!tpu.dma_semaphore, #tpu.memory_space<semaphore_mem>>) src(%dma_wait3A_68 : memref<384xi32, #tpu.memory_space<hbm>>) dst(%arg10 : memref<384xi32, #tpu.memory_space<vmem>>)
        tpu.yield
      }) : () -> ()
      "tpu.region"() ({
        %run_scoped3A = tpu.sem_alloc : memref<!tpu.dma_semaphore, #tpu.memory_space<semaphore_mem>>
        %dma_start3A = arith.constant 0 : i32
        %dma_start3A_59 = tpu.memref_slice %arg11[%dma_start3A] : memref<400xf32, #tpu.memory_space<vmem>> -> memref<384xf32, #tpu.memory_space<vmem>>
        %dma_start3A_60 = arith.constant 0 : i32
        %dma_start3A_61 = tpu.memref_slice %arg5[%add3A_52, %dma_start3A_60] : memref<834x384xf32, #tpu.memory_space<hbm>> -> memref<1x384xf32, #tpu.memory_space<hbm>>
        %dma_start3A_62 = tpu.memref_squeeze %dma_start3A_61 : memref<1x384xf32, #tpu.memory_space<hbm>> -> memref<384xf32, #tpu.memory_space<hbm>>
        %dma_start3A_63 = arith.constant 0 : i32
        %dma_start3A_64 = tpu.memref_slice %arg11[%dma_start3A_63] : memref<400xf32, #tpu.memory_space<vmem>> -> memref<384xf32, #tpu.memory_space<vmem>>
        %dma_start3A_65 = arith.constant 0 : i32
        %dma_start3A_66 = tpu.memref_slice %arg5[%add3A_52, %dma_start3A_65] : memref<834x384xf32, #tpu.memory_space<hbm>> -> memref<1x384xf32, #tpu.memory_space<hbm>>
        %dma_start3A_67 = tpu.memref_squeeze %dma_start3A_66 : memref<1x384xf32, #tpu.memory_space<hbm>> -> memref<384xf32, #tpu.memory_space<hbm>>
        tpu.enqueue_dma source(%dma_start3A_67 : memref<384xf32, #tpu.memory_space<hbm>>) target(%dma_start3A_64 : memref<384xf32, #tpu.memory_space<vmem>>) target_semaphore(%run_scoped3A : memref<!tpu.dma_semaphore, #tpu.memory_space<semaphore_mem>>)
        %dma_wait3A = arith.constant 0 : i32
        %dma_wait3A_68 = tpu.memref_slice %arg11[%dma_wait3A] : memref<400xf32, #tpu.memory_space<vmem>> -> memref<384xf32, #tpu.memory_space<vmem>>
        %dma_wait3A_69 = arith.constant 0 : i32
        %dma_wait3A_70 = tpu.memref_slice %arg5[%add3A_52, %dma_wait3A_69] : memref<834x384xf32, #tpu.memory_space<hbm>> -> memref<1x384xf32, #tpu.memory_space<hbm>>
        %dma_wait3A_71 = tpu.memref_squeeze %dma_wait3A_70 : memref<1x384xf32, #tpu.memory_space<hbm>> -> memref<384xf32, #tpu.memory_space<hbm>>
        %dma_wait3A_72 = arith.constant 0 : i32
        %dma_wait3A_73 = tpu.memref_slice %arg11[%dma_wait3A_72] : memref<400xf32, #tpu.memory_space<vmem>> -> memref<384xf32, #tpu.memory_space<vmem>>
        %dma_wait3A_74 = arith.constant 0 : i32
        %dma_wait3A_75 = tpu.memref_slice %arg5[%add3A_52, %dma_wait3A_74] : memref<834x384xf32, #tpu.memory_space<hbm>> -> memref<1x384xf32, #tpu.memory_space<hbm>>
        %dma_wait3A_76 = tpu.memref_squeeze %dma_wait3A_75 : memref<1x384xf32, #tpu.memory_space<hbm>> -> memref<384xf32, #tpu.memory_space<hbm>>
        tpu.wait_dma2 semaphore(%run_scoped3A : memref<!tpu.dma_semaphore, #tpu.memory_space<semaphore_mem>>) src(%dma_wait3A_76 : memref<384xf32, #tpu.memory_space<hbm>>) dst(%dma_wait3A_73 : memref<384xf32, #tpu.memory_space<vmem>>)
        tpu.yield
      }) : () -> ()
      "tpu.region"() ({
        %run_scoped3A = tpu.sem_alloc : memref<!tpu.dma_semaphore, #tpu.memory_space<semaphore_mem>>
        %dma_start3A = arith.constant 0 : i32
        %dma_start3A_59 = arith.constant 0 : i32
        %dma_start3A_60 = tpu.memref_slice %arg2[%dma_start3A, %dma_start3A_59] : memref<10000x128xf32, #tpu.memory_space<hbm>> -> memref<10000x128xf32, #tpu.memory_space<hbm>>
        tpu.enqueue_indirect_dma source(%dma_start3A_60 : memref<10000x128xf32, #tpu.memory_space<hbm>>) target(%arg8 : memref<384x128xf32, #tpu.memory_space<vmem>>) offsets(%arg9 : memref<384xi32, #tpu.memory_space<vmem>>) semaphore(%run_scoped3A : memref<!tpu.dma_semaphore, #tpu.memory_space<semaphore_mem>>)
        %dma_wait3A = arith.constant 0 : i32
        %dma_wait3A_61 = arith.constant 0 : i32
        %dma_wait3A_62 = tpu.memref_slice %arg2[%dma_wait3A, %dma_wait3A_61] : memref<10000x128xf32, #tpu.memory_space<hbm>> -> memref<10000x128xf32, #tpu.memory_space<hbm>>
        tpu.wait_indirect_dma semaphore(%run_scoped3A : memref<!tpu.dma_semaphore, #tpu.memory_space<semaphore_mem>>) src(%dma_wait3A_62 : memref<10000x128xf32, #tpu.memory_space<hbm>>) dst(%arg8 : memref<384x128xf32, #tpu.memory_space<vmem>>)
        tpu.yield
      }) : () -> ()
      %scan3A_53 = arith.constant 0 : i32
      %scan3A_54 = arith.constant 0 : i32
      %scan3A_55 = arith.constant 384 : i32
      %scan3A_56 = arith.addi %scan3A_54, %scan3A_55 : i32
      %scan3A_57 = arith.constant 1 : i32
      scf.for %scan3A_59 = %scan3A_54 to %scan3A_56 step %scan3A_57  : i32 {
        %get3A = arith.index_cast %scan3A_59 : i32 to index
        %get3A_60 = tpu.vector_load %arg11[%get3A] {strides = array<i32>} : memref<400xf32, #tpu.memory_space<vmem>>, vector<16xf32>,
        %get3A_61 = vector.shape_cast %get3A_60 : vector<16xf32> to vector<16xf32>
        %slice3A = vector.extract_strided_slice %get3A_61 {offsets = [0], sizes = [1], strides = [1]} : vector<16xf32> to vector<1xf32>
        %squeeze3A = vector.extract %slice3A[0] : f32 from vector<1xf32>
        %get3A_62 = arith.index_cast %scan3A_59 : i32 to index
        %get3A_63 = arith.constant 0 : index
        %get3A_64 = tpu.vector_load %arg8[%get3A_62, %get3A_63] {strides = array<i32>} : memref<384x128xf32, #tpu.memory_space<vmem>>, vector<1x16xf32>,
        %get3A_65 = vector.shape_cast %get3A_64 : vector<1x16xf32> to vector<16xf32>
        %mul3A_66 = vector.broadcast %squeeze3A : f32 to vector<16xf32>
        %mul3A_67 = arith.mulf %get3A_65, %mul3A_66 : vector<16xf32>
        %swap3A = arith.index_cast %scan3A_59 : i32 to index
        %swap3A_68 = arith.constant 0 : index
        %swap3A_69 = tpu.vector_load %arg8[%swap3A, %swap3A_68] {strides = array<i32>} : memref<384x128xf32, #tpu.memory_space<vmem>>, vector<1x16xf32>,
        %swap3A_70 = vector.shape_cast %swap3A_69 : vector<1x16xf32> to vector<16xf32>
        %swap3A_71 = vector.shape_cast %mul3A_67 : vector<16xf32> to vector<1x16xf32>
        tpu.vector_store %arg8[%swap3A, %swap3A_68], %swap3A_71 {strides = array<i32>} : memref<384x128xf32, #tpu.memory_space<vmem>>, vector<1x16xf32>,
        %get3A_72 = arith.index_cast %scan3A_59 : i32 to index
        %get3A_73 = arith.constant 16 : index
        %get3A_74 = tpu.vector_load %arg8[%get3A_72, %get3A_73] {strides = array<i32>} : memref<384x128xf32, #tpu.memory_space<vmem>>, vector<1x16xf32>,
        %get3A_75 = vector.shape_cast %get3A_74 : vector<1x16xf32> to vector<16xf32>
        %mul3A_76 = vector.broadcast %squeeze3A : f32 to vector<16xf32>
        %mul3A_77 = arith.mulf %get3A_75, %mul3A_76 : vector<16xf32>
        %swap3A_78 = arith.index_cast %scan3A_59 : i32 to index
        %swap3A_79 = arith.constant 16 : index
        %swap3A_80 = tpu.vector_load %arg8[%swap3A_78, %swap3A_79] {strides = array<i32>} : memref<384x128xf32, #tpu.memory_space<vmem>>, vector<1x16xf32>,
        %swap3A_81 = vector.shape_cast %swap3A_80 : vector<1x16xf32> to vector<16xf32>
        %swap3A_82 = vector.shape_cast %mul3A_77 : vector<16xf32> to vector<1x16xf32>
        tpu.vector_store %arg8[%swap3A_78, %swap3A_79], %swap3A_82 {strides = array<i32>} : memref<384x128xf32, #tpu.memory_space<vmem>>, vector<1x16xf32>,
        %get3A_83 = arith.index_cast %scan3A_59 : i32 to index
        %get3A_84 = arith.constant 32 : index
        %get3A_85 = tpu.vector_load %arg8[%get3A_83, %get3A_84] {strides = array<i32>} : memref<384x128xf32, #tpu.memory_space<vmem>>, vector<1x16xf32>,
        %get3A_86 = vector.shape_cast %get3A_85 : vector<1x16xf32> to vector<16xf32>
        %mul3A_87 = vector.broadcast %squeeze3A : f32 to vector<16xf32>
        %mul3A_88 = arith.mulf %get3A_86, %mul3A_87 : vector<16xf32>
        %swap3A_89 = arith.index_cast %scan3A_59 : i32 to index
        %swap3A_90 = arith.constant 32 : index
        %swap3A_91 = tpu.vector_load %arg8[%swap3A_89, %swap3A_90] {strides = array<i32>} : memref<384x128xf32, #tpu.memory_space<vmem>>, vector<1x16xf32>,
        %swap3A_92 = vector.shape_cast %swap3A_91 : vector<1x16xf32> to vector<16xf32>
        %swap3A_93 = vector.shape_cast %mul3A_88 : vector<16xf32> to vector<1x16xf32>
        tpu.vector_store %arg8[%swap3A_89, %swap3A_90], %swap3A_93 {strides = array<i32>} : memref<384x128xf32, #tpu.memory_space<vmem>>, vector<1x16xf32>,
        %get3A_94 = arith.index_cast %scan3A_59 : i32 to index
        %get3A_95 = arith.constant 48 : index
        %get3A_96 = tpu.vector_load %arg8[%get3A_94, %get3A_95] {strides = array<i32>} : memref<384x128xf32, #tpu.memory_space<vmem>>, vector<1x16xf32>,
        %get3A_97 = vector.shape_cast %get3A_96 : vector<1x16xf32> to vector<16xf32>
        %mul3A_98 = vector.broadcast %squeeze3A : f32 to vector<16xf32>
        %mul3A_99 = arith.mulf %get3A_97, %mul3A_98 : vector<16xf32>
        %swap3A_100 = arith.index_cast %scan3A_59 : i32 to index
        %swap3A_101 = arith.constant 48 : index
        %swap3A_102 = tpu.vector_load %arg8[%swap3A_100, %swap3A_101] {strides = array<i32>} : memref<384x128xf32, #tpu.memory_space<vmem>>, vector<1x16xf32>,
        %swap3A_103 = vector.shape_cast %swap3A_102 : vector<1x16xf32> to vector<16xf32>
        %swap3A_104 = vector.shape_cast %mul3A_99 : vector<16xf32> to vector<1x16xf32>
        tpu.vector_store %arg8[%swap3A_100, %swap3A_101], %swap3A_104 {strides = array<i32>} : memref<384x128xf32, #tpu.memory_space<vmem>>, vector<1x16xf32>,
        %get3A_105 = arith.index_cast %scan3A_59 : i32 to index
        %get3A_106 = arith.constant 64 : index
        %get3A_107 = tpu.vector_load %arg8[%get3A_105, %get3A_106] {strides = array<i32>} : memref<384x128xf32, #tpu.memory_space<vmem>>, vector<1x16xf32>,
        %get3A_108 = vector.shape_cast %get3A_107 : vector<1x16xf32> to vector<16xf32>
        %mul3A_109 = vector.broadcast %squeeze3A : f32 to vector<16xf32>
        %mul3A_110 = arith.mulf %get3A_108, %mul3A_109 : vector<16xf32>
        %swap3A_111 = arith.index_cast %scan3A_59 : i32 to index
        %swap3A_112 = arith.constant 64 : index
        %swap3A_113 = tpu.vector_load %arg8[%swap3A_111, %swap3A_112] {strides = array<i32>} : memref<384x128xf32, #tpu.memory_space<vmem>>, vector<1x16xf32>,
        %swap3A_114 = vector.shape_cast %swap3A_113 : vector<1x16xf32> to vector<16xf32>
        %swap3A_115 = vector.shape_cast %mul3A_110 : vector<16xf32> to vector<1x16xf32>
        tpu.vector_store %arg8[%swap3A_111, %swap3A_112], %swap3A_115 {strides = array<i32>} : memref<384x128xf32, #tpu.memory_space<vmem>>, vector<1x16xf32>,
        %get3A_116 = arith.index_cast %scan3A_59 : i32 to index
        %get3A_117 = arith.constant 80 : index
        %get3A_118 = tpu.vector_load %arg8[%get3A_116, %get3A_117] {strides = array<i32>} : memref<384x128xf32, #tpu.memory_space<vmem>>, vector<1x16xf32>,
        %get3A_119 = vector.shape_cast %get3A_118 : vector<1x16xf32> to vector<16xf32>
        %mul3A_120 = vector.broadcast %squeeze3A : f32 to vector<16xf32>
        %mul3A_121 = arith.mulf %get3A_119, %mul3A_120 : vector<16xf32>
        %swap3A_122 = arith.index_cast %scan3A_59 : i32 to index
        %swap3A_123 = arith.constant 80 : index
        %swap3A_124 = tpu.vector_load %arg8[%swap3A_122, %swap3A_123] {strides = array<i32>} : memref<384x128xf32, #tpu.memory_space<vmem>>, vector<1x16xf32>,
        %swap3A_125 = vector.shape_cast %swap3A_124 : vector<1x16xf32> to vector<16xf32>
        %swap3A_126 = vector.shape_cast %mul3A_121 : vector<16xf32> to vector<1x16xf32>
        tpu.vector_store %arg8[%swap3A_122, %swap3A_123], %swap3A_126 {strides = array<i32>} : memref<384x128xf32, #tpu.memory_space<vmem>>, vector<1x16xf32>,
        %get3A_127 = arith.index_cast %scan3A_59 : i32 to index
        %get3A_128 = arith.constant 96 : index
        %get3A_129 = tpu.vector_load %arg8[%get3A_127, %get3A_128] {strides = array<i32>} : memref<384x128xf32, #tpu.memory_space<vmem>>, vector<1x16xf32>,
        %get3A_130 = vector.shape_cast %get3A_129 : vector<1x16xf32> to vector<16xf32>
        %mul3A_131 = vector.broadcast %squeeze3A : f32 to vector<16xf32>
        %mul3A_132 = arith.mulf %get3A_130, %mul3A_131 : vector<16xf32>
        %swap3A_133 = arith.index_cast %scan3A_59 : i32 to index
        %swap3A_134 = arith.constant 96 : index
        %swap3A_135 = tpu.vector_load %arg8[%swap3A_133, %swap3A_134] {strides = array<i32>} : memref<384x128xf32, #tpu.memory_space<vmem>>, vector<1x16xf32>,
        %swap3A_136 = vector.shape_cast %swap3A_135 : vector<1x16xf32> to vector<16xf32>
        %swap3A_137 = vector.shape_cast %mul3A_132 : vector<16xf32> to vector<1x16xf32>
        tpu.vector_store %arg8[%swap3A_133, %swap3A_134], %swap3A_137 {strides = array<i32>} : memref<384x128xf32, #tpu.memory_space<vmem>>, vector<1x16xf32>,
        %get3A_138 = arith.index_cast %scan3A_59 : i32 to index
        %get3A_139 = arith.constant 112 : index
        %get3A_140 = tpu.vector_load %arg8[%get3A_138, %get3A_139] {strides = array<i32>} : memref<384x128xf32, #tpu.memory_space<vmem>>, vector<1x16xf32>,
        %get3A_141 = vector.shape_cast %get3A_140 : vector<1x16xf32> to vector<16xf32>
        %mul3A_142 = vector.broadcast %squeeze3A : f32 to vector<16xf32>
        %mul3A_143 = arith.mulf %get3A_141, %mul3A_142 : vector<16xf32>
        %swap3A_144 = arith.index_cast %scan3A_59 : i32 to index
        %swap3A_145 = arith.constant 112 : index
        %swap3A_146 = tpu.vector_load %arg8[%swap3A_144, %swap3A_145] {strides = array<i32>} : memref<384x128xf32, #tpu.memory_space<vmem>>, vector<1x16xf32>,
        %swap3A_147 = vector.shape_cast %swap3A_146 : vector<1x16xf32> to vector<16xf32>
        %swap3A_148 = vector.shape_cast %mul3A_143 : vector<16xf32> to vector<1x16xf32>
        tpu.vector_store %arg8[%swap3A_144, %swap3A_145], %swap3A_148 {strides = array<i32>} : memref<384x128xf32, #tpu.memory_space<vmem>>, vector<1x16xf32>,
      }
      %scan3A_58 = arith.constant 384 : i32
      "tpu.region"() ({
        %run_scoped3A = tpu.sem_alloc : memref<!tpu.dma_semaphore, #tpu.memory_space<semaphore_mem>>
        %dma_start3A = arith.constant 0 : i32
        %dma_start3A_59 = arith.constant 0 : i32
        %dma_start3A_60 = tpu.memref_slice %arg7[%dma_start3A, %dma_start3A_59] : memref<10000x128xf32, #tpu.memory_space<vmem_shared>> -> memref<10000x128xf32, #tpu.memory_space<vmem_shared>>
        tpu.enqueue_indirect_dma source(%arg8 : memref<384x128xf32, #tpu.memory_space<vmem>>) target(%dma_start3A_60 : memref<10000x128xf32, #tpu.memory_space<vmem_shared>>) offsets(%arg10 : memref<384xi32, #tpu.memory_space<vmem>>) semaphore(%run_scoped3A : memref<!tpu.dma_semaphore, #tpu.memory_space<semaphore_mem>>) {add = true}
        %dma_wait3A = arith.constant 0 : i32
        %dma_wait3A_61 = arith.constant 0 : i32
        %dma_wait3A_62 = tpu.memref_slice %arg7[%dma_wait3A, %dma_wait3A_61] : memref<10000x128xf32, #tpu.memory_space<vmem_shared>> -> memref<10000x128xf32, #tpu.memory_space<vmem_shared>>
        tpu.wait_indirect_dma semaphore(%run_scoped3A : memref<!tpu.dma_semaphore, #tpu.memory_space<semaphore_mem>>) src(%arg8 : memref<384x128xf32, #tpu.memory_space<vmem>>) dst(%dma_wait3A_62 : memref<10000x128xf32, #tpu.memory_space<vmem_shared>>)
        tpu.yield
      }) : () -> ()
    }
    %while3A_39 = arith.constant 1 : i32
    scf.for %while3A_51 = %while3A_37 to %while3A_33 step %while3A_39  : i32 {
      %add3A_52 = arith.addi %add3A_29, %while3A_51 : i32
      "tpu.region"() ({
        %run_scoped3A = tpu.sem_alloc : memref<!tpu.dma_semaphore, #tpu.memory_space<semaphore_mem>>
        %dma_start3A = arith.constant 0 : i32
        %dma_start3A_59 = tpu.memref_slice %arg3[%add3A_52, %dma_start3A] : memref<834x384xi32, #tpu.memory_space<hbm>> -> memref<1x384xi32, #tpu.memory_space<hbm>>
        %dma_start3A_60 = tpu.memref_squeeze %dma_start3A_59 : memref<1x384xi32, #tpu.memory_space<hbm>> -> memref<384xi32, #tpu.memory_space<hbm>>
        %dma_start3A_61 = arith.constant 0 : i32
        %dma_start3A_62 = tpu.memref_slice %arg3[%add3A_52, %dma_start3A_61] : memref<834x384xi32, #tpu.memory_space<hbm>> -> memref<1x384xi32, #tpu.memory_space<hbm>>
        %dma_start3A_63 = tpu.memref_squeeze %dma_start3A_62 : memref<1x384xi32, #tpu.memory_space<hbm>> -> memref<384xi32, #tpu.memory_space<hbm>>
        tpu.enqueue_dma source(%dma_start3A_63 : memref<384xi32, #tpu.memory_space<hbm>>) target(%arg9 : memref<384xi32, #tpu.memory_space<vmem>>) target_semaphore(%run_scoped3A : memref<!tpu.dma_semaphore, #tpu.memory_space<semaphore_mem>>)
        %dma_wait3A = arith.constant 0 : i32
        %dma_wait3A_64 = tpu.memref_slice %arg3[%add3A_52, %dma_wait3A] : memref<834x384xi32, #tpu.memory_space<hbm>> -> memref<1x384xi32, #tpu.memory_space<hbm>>
        %dma_wait3A_65 = tpu.memref_squeeze %dma_wait3A_64 : memref<1x384xi32, #tpu.memory_space<hbm>> -> memref<384xi32, #tpu.memory_space<hbm>>
        %dma_wait3A_66 = arith.constant 0 : i32
        %dma_wait3A_67 = tpu.memref_slice %arg3[%add3A_52, %dma_wait3A_66] : memref<834x384xi32, #tpu.memory_space<hbm>> -> memref<1x384xi32, #tpu.memory_space<hbm>>
        %dma_wait3A_68 = tpu.memref_squeeze %dma_wait3A_67 : memref<1x384xi32, #tpu.memory_space<hbm>> -> memref<384xi32, #tpu.memory_space<hbm>>
        tpu.wait_dma2 semaphore(%run_scoped3A : memref<!tpu.dma_semaphore, #tpu.memory_space<semaphore_mem>>) src(%dma_wait3A_68 : memref<384xi32, #tpu.memory_space<hbm>>) dst(%arg9 : memref<384xi32, #tpu.memory_space<vmem>>)
        tpu.yield
      }) : () -> ()
      "tpu.region"() ({
        %run_scoped3A = tpu.sem_alloc : memref<!tpu.dma_semaphore, #tpu.memory_space<semaphore_mem>>
        %dma_start3A = arith.constant 0 : i32
        %dma_start3A_59 = tpu.memref_slice %arg4[%add3A_52, %dma_start3A] : memref<834x384xi32, #tpu.memory_space<hbm>> -> memref<1x384xi32, #tpu.memory_space<hbm>>
        %dma_start3A_60 = tpu.memref_squeeze %dma_start3A_59 : memref<1x384xi32, #tpu.memory_space<hbm>> -> memref<384xi32, #tpu.memory_space<hbm>>
        %dma_start3A_61 = arith.constant 0 : i32
        %dma_start3A_62 = tpu.memref_slice %arg4[%add3A_52, %dma_start3A_61] : memref<834x384xi32, #tpu.memory_space<hbm>> -> memref<1x384xi32, #tpu.memory_space<hbm>>
        %dma_start3A_63 = tpu.memref_squeeze %dma_start3A_62 : memref<1x384xi32, #tpu.memory_space<hbm>> -> memref<384xi32, #tpu.memory_space<hbm>>
        tpu.enqueue_dma source(%dma_start3A_63 : memref<384xi32, #tpu.memory_space<hbm>>) target(%arg10 : memref<384xi32, #tpu.memory_space<vmem>>) target_semaphore(%run_scoped3A : memref<!tpu.dma_semaphore, #tpu.memory_space<semaphore_mem>>)
        %dma_wait3A = arith.constant 0 : i32
        %dma_wait3A_64 = tpu.memref_slice %arg4[%add3A_52, %dma_wait3A] : memref<834x384xi32, #tpu.memory_space<hbm>> -> memref<1x384xi32, #tpu.memory_space<hbm>>
        %dma_wait3A_65 = tpu.memref_squeeze %dma_wait3A_64 : memref<1x384xi32, #tpu.memory_space<hbm>> -> memref<384xi32, #tpu.memory_space<hbm>>
        %dma_wait3A_66 = arith.constant 0 : i32
        %dma_wait3A_67 = tpu.memref_slice %arg4[%add3A_52, %dma_wait3A_66] : memref<834x384xi32, #tpu.memory_space<hbm>> -> memref<1x384xi32, #tpu.memory_space<hbm>>
        %dma_wait3A_68 = tpu.memref_squeeze %dma_wait3A_67 : memref<1x384xi32, #tpu.memory_space<hbm>> -> memref<384xi32, #tpu.memory_space<hbm>>
        tpu.wait_dma2 semaphore(%run_scoped3A : memref<!tpu.dma_semaphore, #tpu.memory_space<semaphore_mem>>) src(%dma_wait3A_68 : memref<384xi32, #tpu.memory_space<hbm>>) dst(%arg10 : memref<384xi32, #tpu.memory_space<vmem>>)
        tpu.yield
      }) : () -> ()
      "tpu.region"() ({
        %run_scoped3A = tpu.sem_alloc : memref<!tpu.dma_semaphore, #tpu.memory_space<semaphore_mem>>
        %dma_start3A = arith.constant 0 : i32
        %dma_start3A_59 = tpu.memref_slice %arg11[%dma_start3A] : memref<400xf32, #tpu.memory_space<vmem>> -> memref<384xf32, #tpu.memory_space<vmem>>
        %dma_start3A_60 = arith.constant 0 : i32
        %dma_start3A_61 = tpu.memref_slice %arg5[%add3A_52, %dma_start3A_60] : memref<834x384xf32, #tpu.memory_space<hbm>> -> memref<1x384xf32, #tpu.memory_space<hbm>>
        %dma_start3A_62 = tpu.memref_squeeze %dma_start3A_61 : memref<1x384xf32, #tpu.memory_space<hbm>> -> memref<384xf32, #tpu.memory_space<hbm>>
        %dma_start3A_63 = arith.constant 0 : i32
        %dma_start3A_64 = tpu.memref_slice %arg11[%dma_start3A_63] : memref<400xf32, #tpu.memory_space<vmem>> -> memref<384xf32, #tpu.memory_space<vmem>>
        %dma_start3A_65 = arith.constant 0 : i32
        %dma_start3A_66 = tpu.memref_slice %arg5[%add3A_52, %dma_start3A_65] : memref<834x384xf32, #tpu.memory_space<hbm>> -> memref<1x384xf32, #tpu.memory_space<hbm>>
        %dma_start3A_67 = tpu.memref_squeeze %dma_start3A_66 : memref<1x384xf32, #tpu.memory_space<hbm>> -> memref<384xf32, #tpu.memory_space<hbm>>
        tpu.enqueue_dma source(%dma_start3A_67 : memref<384xf32, #tpu.memory_space<hbm>>) target(%dma_start3A_64 : memref<384xf32, #tpu.memory_space<vmem>>) target_semaphore(%run_scoped3A : memref<!tpu.dma_semaphore, #tpu.memory_space<semaphore_mem>>)
        %dma_wait3A = arith.constant 0 : i32
        %dma_wait3A_68 = tpu.memref_slice %arg11[%dma_wait3A] : memref<400xf32, #tpu.memory_space<vmem>> -> memref<384xf32, #tpu.memory_space<vmem>>
        %dma_wait3A_69 = arith.constant 0 : i32
        %dma_wait3A_70 = tpu.memref_slice %arg5[%add3A_52, %dma_wait3A_69] : memref<834x384xf32, #tpu.memory_space<hbm>> -> memref<1x384xf32, #tpu.memory_space<hbm>>
        %dma_wait3A_71 = tpu.memref_squeeze %dma_wait3A_70 : memref<1x384xf32, #tpu.memory_space<hbm>> -> memref<384xf32, #tpu.memory_space<hbm>>
        %dma_wait3A_72 = arith.constant 0 : i32
        %dma_wait3A_73 = tpu.memref_slice %arg11[%dma_wait3A_72] : memref<400xf32, #tpu.memory_space<vmem>> -> memref<384xf32, #tpu.memory_space<vmem>>
        %dma_wait3A_74 = arith.constant 0 : i32
        %dma_wait3A_75 = tpu.memref_slice %arg5[%add3A_52, %dma_wait3A_74] : memref<834x384xf32, #tpu.memory_space<hbm>> -> memref<1x384xf32, #tpu.memory_space<hbm>>
        %dma_wait3A_76 = tpu.memref_squeeze %dma_wait3A_75 : memref<1x384xf32, #tpu.memory_space<hbm>> -> memref<384xf32, #tpu.memory_space<hbm>>
        tpu.wait_dma2 semaphore(%run_scoped3A : memref<!tpu.dma_semaphore, #tpu.memory_space<semaphore_mem>>) src(%dma_wait3A_76 : memref<384xf32, #tpu.memory_space<hbm>>) dst(%dma_wait3A_73 : memref<384xf32, #tpu.memory_space<vmem>>)
        tpu.yield
      }) : () -> ()
      "tpu.region"() ({
        %run_scoped3A = tpu.sem_alloc : memref<!tpu.dma_semaphore, #tpu.memory_space<semaphore_mem>>
        %dma_start3A = arith.constant 0 : i32
        %dma_start3A_59 = arith.constant 0 : i32
        %dma_start3A_60 = tpu.memref_slice %arg2[%dma_start3A, %dma_start3A_59] : memref<10000x128xf32, #tpu.memory_space<hbm>> -> memref<10000x128xf32, #tpu.memory_space<hbm>>
        tpu.enqueue_indirect_dma source(%dma_start3A_60 : memref<10000x128xf32, #tpu.memory_space<hbm>>) target(%arg8 : memref<384x128xf32, #tpu.memory_space<vmem>>) offsets(%arg9 : memref<384xi32, #tpu.memory_space<vmem>>) semaphore(%run_scoped3A : memref<!tpu.dma_semaphore, #tpu.memory_space<semaphore_mem>>)
        %dma_wait3A = arith.constant 0 : i32
        %dma_wait3A_61 = arith.constant 0 : i32
        %dma_wait3A_62 = tpu.memref_slice %arg2[%dma_wait3A, %dma_wait3A_61] : memref<10000x128xf32, #tpu.memory_space<hbm>> -> memref<10000x128xf32, #tpu.memory_space<hbm>>
        tpu.wait_indirect_dma semaphore(%run_scoped3A : memref<!tpu.dma_semaphore, #tpu.memory_space<semaphore_mem>>) src(%dma_wait3A_62 : memref<10000x128xf32, #tpu.memory_space<hbm>>) dst(%arg8 : memref<384x128xf32, #tpu.memory_space<vmem>>)
        tpu.yield
      }) : () -> ()
      %scan3A_53 = arith.constant 0 : i32
      %scan3A_54 = arith.constant 0 : i32
      %scan3A_55 = arith.constant 384 : i32
      %scan3A_56 = arith.addi %scan3A_54, %scan3A_55 : i32
      %scan3A_57 = arith.constant 1 : i32
      scf.for %scan3A_59 = %scan3A_54 to %scan3A_56 step %scan3A_57  : i32 {
        %get3A = arith.index_cast %scan3A_59 : i32 to index
        %get3A_60 = tpu.vector_load %arg11[%get3A] {strides = array<i32>} : memref<400xf32, #tpu.memory_space<vmem>>, vector<16xf32>,
        %get3A_61 = vector.shape_cast %get3A_60 : vector<16xf32> to vector<16xf32>
        %slice3A = vector.extract_strided_slice %get3A_61 {offsets = [0], sizes = [1], strides = [1]} : vector<16xf32> to vector<1xf32>
        %squeeze3A = vector.extract %slice3A[0] : f32 from vector<1xf32>
        %get3A_62 = arith.index_cast %scan3A_59 : i32 to index
        %get3A_63 = arith.constant 0 : index
        %get3A_64 = tpu.vector_load %arg8[%get3A_62, %get3A_63] {strides = array<i32>} : memref<384x128xf32, #tpu.memory_space<vmem>>, vector<1x16xf32>,
        %get3A_65 = vector.shape_cast %get3A_64 : vector<1x16xf32> to vector<16xf32>
        %mul3A_66 = vector.broadcast %squeeze3A : f32 to vector<16xf32>
        %mul3A_67 = arith.mulf %get3A_65, %mul3A_66 : vector<16xf32>
        %swap3A = arith.index_cast %scan3A_59 : i32 to index
        %swap3A_68 = arith.constant 0 : index
        %swap3A_69 = tpu.vector_load %arg8[%swap3A, %swap3A_68] {strides = array<i32>} : memref<384x128xf32, #tpu.memory_space<vmem>>, vector<1x16xf32>,
        %swap3A_70 = vector.shape_cast %swap3A_69 : vector<1x16xf32> to vector<16xf32>
        %swap3A_71 = vector.shape_cast %mul3A_67 : vector<16xf32> to vector<1x16xf32>
        tpu.vector_store %arg8[%swap3A, %swap3A_68], %swap3A_71 {strides = array<i32>} : memref<384x128xf32, #tpu.memory_space<vmem>>, vector<1x16xf32>,
        %get3A_72 = arith.index_cast %scan3A_59 : i32 to index
        %get3A_73 = arith.constant 16 : index
        %get3A_74 = tpu.vector_load %arg8[%get3A_72, %get3A_73] {strides = array<i32>} : memref<384x128xf32, #tpu.memory_space<vmem>>, vector<1x16xf32>,
        %get3A_75 = vector.shape_cast %get3A_74 : vector<1x16xf32> to vector<16xf32>
        %mul3A_76 = vector.broadcast %squeeze3A : f32 to vector<16xf32>
        %mul3A_77 = arith.mulf %get3A_75, %mul3A_76 : vector<16xf32>
        %swap3A_78 = arith.index_cast %scan3A_59 : i32 to index
        %swap3A_79 = arith.constant 16 : index
        %swap3A_80 = tpu.vector_load %arg8[%swap3A_78, %swap3A_79] {strides = array<i32>} : memref<384x128xf32, #tpu.memory_space<vmem>>, vector<1x16xf32>,
        %swap3A_81 = vector.shape_cast %swap3A_80 : vector<1x16xf32> to vector<16xf32>
        %swap3A_82 = vector.shape_cast %mul3A_77 : vector<16xf32> to vector<1x16xf32>
        tpu.vector_store %arg8[%swap3A_78, %swap3A_79], %swap3A_82 {strides = array<i32>} : memref<384x128xf32, #tpu.memory_space<vmem>>, vector<1x16xf32>,
        %get3A_83 = arith.index_cast %scan3A_59 : i32 to index
        %get3A_84 = arith.constant 32 : index
        %get3A_85 = tpu.vector_load %arg8[%get3A_83, %get3A_84] {strides = array<i32>} : memref<384x128xf32, #tpu.memory_space<vmem>>, vector<1x16xf32>,
        %get3A_86 = vector.shape_cast %get3A_85 : vector<1x16xf32> to vector<16xf32>
        %mul3A_87 = vector.broadcast %squeeze3A : f32 to vector<16xf32>
        %mul3A_88 = arith.mulf %get3A_86, %mul3A_87 : vector<16xf32>
        %swap3A_89 = arith.index_cast %scan3A_59 : i32 to index
        %swap3A_90 = arith.constant 32 : index
        %swap3A_91 = tpu.vector_load %arg8[%swap3A_89, %swap3A_90] {strides = array<i32>} : memref<384x128xf32, #tpu.memory_space<vmem>>, vector<1x16xf32>,
        %swap3A_92 = vector.shape_cast %swap3A_91 : vector<1x16xf32> to vector<16xf32>
        %swap3A_93 = vector.shape_cast %mul3A_88 : vector<16xf32> to vector<1x16xf32>
        tpu.vector_store %arg8[%swap3A_89, %swap3A_90], %swap3A_93 {strides = array<i32>} : memref<384x128xf32, #tpu.memory_space<vmem>>, vector<1x16xf32>,
        %get3A_94 = arith.index_cast %scan3A_59 : i32 to index
        %get3A_95 = arith.constant 48 : index
        %get3A_96 = tpu.vector_load %arg8[%get3A_94, %get3A_95] {strides = array<i32>} : memref<384x128xf32, #tpu.memory_space<vmem>>, vector<1x16xf32>,
        %get3A_97 = vector.shape_cast %get3A_96 : vector<1x16xf32> to vector<16xf32>
        %mul3A_98 = vector.broadcast %squeeze3A : f32 to vector<16xf32>
        %mul3A_99 = arith.mulf %get3A_97, %mul3A_98 : vector<16xf32>
        %swap3A_100 = arith.index_cast %scan3A_59 : i32 to index
        %swap3A_101 = arith.constant 48 : index
        %swap3A_102 = tpu.vector_load %arg8[%swap3A_100, %swap3A_101] {strides = array<i32>} : memref<384x128xf32, #tpu.memory_space<vmem>>, vector<1x16xf32>,
        %swap3A_103 = vector.shape_cast %swap3A_102 : vector<1x16xf32> to vector<16xf32>
        %swap3A_104 = vector.shape_cast %mul3A_99 : vector<16xf32> to vector<1x16xf32>
        tpu.vector_store %arg8[%swap3A_100, %swap3A_101], %swap3A_104 {strides = array<i32>} : memref<384x128xf32, #tpu.memory_space<vmem>>, vector<1x16xf32>,
        %get3A_105 = arith.index_cast %scan3A_59 : i32 to index
        %get3A_106 = arith.constant 64 : index
        %get3A_107 = tpu.vector_load %arg8[%get3A_105, %get3A_106] {strides = array<i32>} : memref<384x128xf32, #tpu.memory_space<vmem>>, vector<1x16xf32>,
        %get3A_108 = vector.shape_cast %get3A_107 : vector<1x16xf32> to vector<16xf32>
        %mul3A_109 = vector.broadcast %squeeze3A : f32 to vector<16xf32>
        %mul3A_110 = arith.mulf %get3A_108, %mul3A_109 : vector<16xf32>
        %swap3A_111 = arith.index_cast %scan3A_59 : i32 to index
        %swap3A_112 = arith.constant 64 : index
        %swap3A_113 = tpu.vector_load %arg8[%swap3A_111, %swap3A_112] {strides = array<i32>} : memref<384x128xf32, #tpu.memory_space<vmem>>, vector<1x16xf32>,
        %swap3A_114 = vector.shape_cast %swap3A_113 : vector<1x16xf32> to vector<16xf32>
        %swap3A_115 = vector.shape_cast %mul3A_110 : vector<16xf32> to vector<1x16xf32>
        tpu.vector_store %arg8[%swap3A_111, %swap3A_112], %swap3A_115 {strides = array<i32>} : memref<384x128xf32, #tpu.memory_space<vmem>>, vector<1x16xf32>,
        %get3A_116 = arith.index_cast %scan3A_59 : i32 to index
        %get3A_117 = arith.constant 80 : index
        %get3A_118 = tpu.vector_load %arg8[%get3A_116, %get3A_117] {strides = array<i32>} : memref<384x128xf32, #tpu.memory_space<vmem>>, vector<1x16xf32>,
        %get3A_119 = vector.shape_cast %get3A_118 : vector<1x16xf32> to vector<16xf32>
        %mul3A_120 = vector.broadcast %squeeze3A : f32 to vector<16xf32>
        %mul3A_121 = arith.mulf %get3A_119, %mul3A_120 : vector<16xf32>
        %swap3A_122 = arith.index_cast %scan3A_59 : i32 to index
        %swap3A_123 = arith.constant 80 : index
        %swap3A_124 = tpu.vector_load %arg8[%swap3A_122, %swap3A_123] {strides = array<i32>} : memref<384x128xf32, #tpu.memory_space<vmem>>, vector<1x16xf32>,
        %swap3A_125 = vector.shape_cast %swap3A_124 : vector<1x16xf32> to vector<16xf32>
        %swap3A_126 = vector.shape_cast %mul3A_121 : vector<16xf32> to vector<1x16xf32>
        tpu.vector_store %arg8[%swap3A_122, %swap3A_123], %swap3A_126 {strides = array<i32>} : memref<384x128xf32, #tpu.memory_space<vmem>>, vector<1x16xf32>,
        %get3A_127 = arith.index_cast %scan3A_59 : i32 to index
        %get3A_128 = arith.constant 96 : index
        %get3A_129 = tpu.vector_load %arg8[%get3A_127, %get3A_128] {strides = array<i32>} : memref<384x128xf32, #tpu.memory_space<vmem>>, vector<1x16xf32>,
        %get3A_130 = vector.shape_cast %get3A_129 : vector<1x16xf32> to vector<16xf32>
        %mul3A_131 = vector.broadcast %squeeze3A : f32 to vector<16xf32>
        %mul3A_132 = arith.mulf %get3A_130, %mul3A_131 : vector<16xf32>
        %swap3A_133 = arith.index_cast %scan3A_59 : i32 to index
        %swap3A_134 = arith.constant 96 : index
        %swap3A_135 = tpu.vector_load %arg8[%swap3A_133, %swap3A_134] {strides = array<i32>} : memref<384x128xf32, #tpu.memory_space<vmem>>, vector<1x16xf32>,
        %swap3A_136 = vector.shape_cast %swap3A_135 : vector<1x16xf32> to vector<16xf32>
        %swap3A_137 = vector.shape_cast %mul3A_132 : vector<16xf32> to vector<1x16xf32>
        tpu.vector_store %arg8[%swap3A_133, %swap3A_134], %swap3A_137 {strides = array<i32>} : memref<384x128xf32, #tpu.memory_space<vmem>>, vector<1x16xf32>,
        %get3A_138 = arith.index_cast %scan3A_59 : i32 to index
        %get3A_139 = arith.constant 112 : index
        %get3A_140 = tpu.vector_load %arg8[%get3A_138, %get3A_139] {strides = array<i32>} : memref<384x128xf32, #tpu.memory_space<vmem>>, vector<1x16xf32>,
        %get3A_141 = vector.shape_cast %get3A_140 : vector<1x16xf32> to vector<16xf32>
        %mul3A_142 = vector.broadcast %squeeze3A : f32 to vector<16xf32>
        %mul3A_143 = arith.mulf %get3A_141, %mul3A_142 : vector<16xf32>
        %swap3A_144 = arith.index_cast %scan3A_59 : i32 to index
        %swap3A_145 = arith.constant 112 : index
        %swap3A_146 = tpu.vector_load %arg8[%swap3A_144, %swap3A_145] {strides = array<i32>} : memref<384x128xf32, #tpu.memory_space<vmem>>, vector<1x16xf32>,
        %swap3A_147 = vector.shape_cast %swap3A_146 : vector<1x16xf32> to vector<16xf32>
        %swap3A_148 = vector.shape_cast %mul3A_143 : vector<16xf32> to vector<1x16xf32>
        tpu.vector_store %arg8[%swap3A_144, %swap3A_145], %swap3A_148 {strides = array<i32>} : memref<384x128xf32, #tpu.memory_space<vmem>>, vector<1x16xf32>,
      }
      %scan3A_58 = arith.constant 384 : i32
      "tpu.region"() ({
        %run_scoped3A = tpu.sem_alloc : memref<!tpu.dma_semaphore, #tpu.memory_space<semaphore_mem>>
        %dma_start3A = arith.constant 0 : i32
        %dma_start3A_59 = arith.constant 0 : i32
        %dma_start3A_60 = tpu.memref_slice %arg7[%dma_start3A, %dma_start3A_59] : memref<10000x128xf32, #tpu.memory_space<vmem_shared>> -> memref<10000x128xf32, #tpu.memory_space<vmem_shared>>
        tpu.enqueue_indirect_dma source(%arg8 : memref<384x128xf32, #tpu.memory_space<vmem>>) target(%dma_start3A_60 : memref<10000x128xf32, #tpu.memory_space<vmem_shared>>) offsets(%arg10 : memref<384xi32, #tpu.memory_space<vmem>>) semaphore(%run_scoped3A : memref<!tpu.dma_semaphore, #tpu.memory_space<semaphore_mem>>) {add = true}
        %dma_wait3A = arith.constant 0 : i32
        %dma_wait3A_61 = arith.constant 0 : i32
        %dma_wait3A_62 = tpu.memref_slice %arg7[%dma_wait3A, %dma_wait3A_61] : memref<10000x128xf32, #tpu.memory_space<vmem_shared>> -> memref<10000x128xf32, #tpu.memory_space<vmem_shared>>
        tpu.wait_indirect_dma semaphore(%run_scoped3A : memref<!tpu.dma_semaphore, #tpu.memory_space<semaphore_mem>>) src(%arg8 : memref<384x128xf32, #tpu.memory_space<vmem>>) dst(%dma_wait3A_62 : memref<10000x128xf32, #tpu.memory_space<vmem_shared>>)
        tpu.yield
      }) : () -> ()
    }
    %barrier3A_40 = arith.constant 0 : index
    tpu.barrier barrier_id(%barrier3A_40)
    %while3A_41 = arith.constant 0 : i32
    %while3A_42 = arith.constant 0 : i32
    %while3A_43 = arith.subi %select_n3A, %while3A_42 : i32
    %while3A_44 = arith.addi %while3A_42, %while3A_43 : i32
    %while3A_45 = arith.constant 1 : i32
    %while3A_46 = arith.divsi %while3A_43, %while3A_45 : i32
    %while3A_47 = arith.muli %while3A_46, %while3A_45 : i32
    %while3A_48 = arith.addi %while3A_42, %while3A_47 : i32
    %while3A_49 = arith.constant 1 : i32
    scf.for %while3A_51 = %while3A_42 to %while3A_48 step %while3A_49  : i32 {
      %mul3A_52 = arith.constant 80 : i32
      %mul3A_53 = arith.muli %while3A_51, %mul3A_52 : i32
      %add3A_54 = arith.addi %mul3A_7, %mul3A_53 : i32
      "tpu.region"() ({
        %run_scoped3A = tpu.sem_alloc : memref<!tpu.dma_semaphore, #tpu.memory_space<semaphore_mem>>
        %dma_start3A = arith.constant 0 : i32
        %dma_start3A_55 = tpu.memref_slice %arg6[%arg0, %add3A_54, %dma_start3A] : memref<2x10000x128xf32, #tpu.memory_space<hbm>> -> memref<1x80x128xf32, #tpu.memory_space<hbm>>
        %dma_start3A_56 = tpu.memref_squeeze %dma_start3A_55 : memref<1x80x128xf32, #tpu.memory_space<hbm>> -> memref<80x128xf32, #tpu.memory_space<hbm>>
        %dma_start3A_57 = arith.constant 0 : i32
        %dma_start3A_58 = tpu.memref_slice %arg7[%add3A_54, %dma_start3A_57] : memref<10000x128xf32, #tpu.memory_space<vmem_shared>> -> memref<80x128xf32, #tpu.memory_space<vmem_shared>>
        tpu.enqueue_dma source(%dma_start3A_58 : memref<80x128xf32, #tpu.memory_space<vmem_shared>>) target(%dma_start3A_56 : memref<80x128xf32, #tpu.memory_space<hbm>>) target_semaphore(%run_scoped3A : memref<!tpu.dma_semaphore, #tpu.memory_space<semaphore_mem>>)
        %dma_wait3A = arith.constant 0 : i32
        %dma_wait3A_59 = tpu.memref_slice %arg6[%arg0, %add3A_54, %dma_wait3A] : memref<2x10000x128xf32, #tpu.memory_space<hbm>> -> memref<1x80x128xf32, #tpu.memory_space<hbm>>
        %dma_wait3A_60 = tpu.memref_squeeze %dma_wait3A_59 : memref<1x80x128xf32, #tpu.memory_space<hbm>> -> memref<80x128xf32, #tpu.memory_space<hbm>>
        %dma_wait3A_61 = arith.constant 0 : i32
        %dma_wait3A_62 = tpu.memref_slice %arg7[%add3A_54, %dma_wait3A_61] : memref<10000x128xf32, #tpu.memory_space<vmem_shared>> -> memref<80x128xf32, #tpu.memory_space<vmem_shared>>
        tpu.wait_dma2 semaphore(%run_scoped3A : memref<!tpu.dma_semaphore, #tpu.memory_space<semaphore_mem>>) src(%dma_wait3A_62 : memref<80x128xf32, #tpu.memory_space<vmem_shared>>) dst(%dma_wait3A_60 : memref<80x128xf32, #tpu.memory_space<hbm>>)
        tpu.yield
      }) : () -> ()
    }
    %while3A_50 = arith.constant 1 : i32
    scf.for %while3A_51 = %while3A_48 to %while3A_44 step %while3A_50  : i32 {
      %mul3A_52 = arith.constant 80 : i32
      %mul3A_53 = arith.muli %while3A_51, %mul3A_52 : i32
      %add3A_54 = arith.addi %mul3A_7, %mul3A_53 : i32
      "tpu.region"() ({
        %run_scoped3A = tpu.sem_alloc : memref<!tpu.dma_semaphore, #tpu.memory_space<semaphore_mem>>
        %dma_start3A = arith.constant 0 : i32
        %dma_start3A_55 = tpu.memref_slice %arg6[%arg0, %add3A_54, %dma_start3A] : memref<2x10000x128xf32, #tpu.memory_space<hbm>> -> memref<1x80x128xf32, #tpu.memory_space<hbm>>
        %dma_start3A_56 = tpu.memref_squeeze %dma_start3A_55 : memref<1x80x128xf32, #tpu.memory_space<hbm>> -> memref<80x128xf32, #tpu.memory_space<hbm>>
        %dma_start3A_57 = arith.constant 0 : i32
        %dma_start3A_58 = tpu.memref_slice %arg7[%add3A_54, %dma_start3A_57] : memref<10000x128xf32, #tpu.memory_space<vmem_shared>> -> memref<80x128xf32, #tpu.memory_space<vmem_shared>>
        tpu.enqueue_dma source(%dma_start3A_58 : memref<80x128xf32, #tpu.memory_space<vmem_shared>>) target(%dma_start3A_56 : memref<80x128xf32, #tpu.memory_space<hbm>>) target_semaphore(%run_scoped3A : memref<!tpu.dma_semaphore, #tpu.memory_space<semaphore_mem>>)
        %dma_wait3A = arith.constant 0 : i32
        %dma_wait3A_59 = tpu.memref_slice %arg6[%arg0, %add3A_54, %dma_wait3A] : memref<2x10000x128xf32, #tpu.memory_space<hbm>> -> memref<1x80x128xf32, #tpu.memory_space<hbm>>
        %dma_wait3A_60 = tpu.memref_squeeze %dma_wait3A_59 : memref<1x80x128xf32, #tpu.memory_space<hbm>> -> memref<80x128xf32, #tpu.memory_space<hbm>>
        %dma_wait3A_61 = arith.constant 0 : i32
        %dma_wait3A_62 = tpu.memref_slice %arg7[%add3A_54, %dma_wait3A_61] : memref<10000x128xf32, #tpu.memory_space<vmem_shared>> -> memref<80x128xf32, #tpu.memory_space<vmem_shared>>
        tpu.wait_dma2 semaphore(%run_scoped3A : memref<!tpu.dma_semaphore, #tpu.memory_space<semaphore_mem>>) src(%dma_wait3A_62 : memref<80x128xf32, #tpu.memory_space<vmem_shared>>) dst(%dma_wait3A_60 : memref<80x128xf32, #tpu.memory_space<hbm>>)
        tpu.yield
      }) : () -> ()
    }
    return
  }
}

#map = affine_map<(d0, d1) -> (0, 0)>
#map1 = affine_map<(d0, d1) -> (0, 0, 0)>
module attributes {stable_mosaic.version = 14 : i64} {
  func.func @_layer_body(%arg0: i32, %arg1: i32, %arg2: memref<10000x128xf32, #tpu.memory_space<hbm>>, %arg3: memref<834x384xi32, #tpu.memory_space<hbm>>, %arg4: memref<834x384xi32, #tpu.memory_space<hbm>>, %arg5: memref<834x384xf32, #tpu.memory_space<hbm>>, %arg6: memref<2x10000x128xf32, #tpu.memory_space<hbm>>, %arg7: memref<10000x128xf32, #tpu.memory_space<vmem_shared>>, %arg8: memref<384x128xf32, #tpu.memory_space<vmem>>, %arg9: memref<384xi32, #tpu.memory_space<vmem>>, %arg10: memref<384xi32, #tpu.memory_space<vmem>>, %arg11: memref<400xf32, #tpu.memory_space<vmem>>) attributes {dimension_semantics = [#tpu.dimension_semantics<core_parallel>, #tpu.dimension_semantics<subcore_parallel>], iteration_bounds = array<i64: 2, 16>, scalar_prefetch = 0 : i64, scratch_operands = 5 : i64, tpu.core_type = #tpu.core_type<sc_vector_subcore>, window_params = [{transform_indices = #map}, {transform_indices = #map}, {transform_indices = #map}, {transform_indices = #map}, {transform_indices = #map1}]} {
    %mul3A = arith.constant 2 : i32
    %mul3A_0 = arith.muli %arg1, %mul3A : i32
    %add3A = arith.addi %mul3A_0, %arg0 : i32
    %scan3A = arith.constant 0 : i32
    %scan3A_1 = arith.constant 0 : i32
    %scan3A_2 = arith.constant 80 : i32
    %scan3A_3 = arith.addi %scan3A_1, %scan3A_2 : i32
    %scan3A_4 = arith.constant 1 : i32
    scf.for %scan3A_51 = %scan3A_1 to %scan3A_3 step %scan3A_4  : i32 {
      %broadcast_in_dim3A = arith.constant 0.000000e+00 : f32
      %broadcast_in_dim3A_52 = vector.broadcast %broadcast_in_dim3A : f32 to vector<16xf32>
      %swap3A = arith.index_cast %scan3A_51 : i32 to index
      %swap3A_53 = arith.constant 0 : index
      %swap3A_54 = tpu.vector_load %arg8[%swap3A, %swap3A_53] {strides = array<i32>} : memref<384x128xf32, #tpu.memory_space<vmem>>, vector<1x16xf32>,
      %swap3A_55 = vector.shape_cast %swap3A_54 : vector<1x16xf32> to vector<16xf32>
      %swap3A_56 = vector.shape_cast %broadcast_in_dim3A_52 : vector<16xf32> to vector<1x16xf32>
      tpu.vector_store %arg8[%swap3A, %swap3A_53], %swap3A_56 {strides = array<i32>} : memref<384x128xf32, #tpu.memory_space<vmem>>, vector<1x16xf32>,
      %broadcast_in_dim3A_57 = arith.constant 0.000000e+00 : f32
      %broadcast_in_dim3A_58 = vector.broadcast %broadcast_in_dim3A_57 : f32 to vector<16xf32>
      %swap3A_59 = arith.index_cast %scan3A_51 : i32 to index
      %swap3A_60 = arith.constant 16 : index
      %swap3A_61 = tpu.vector_load %arg8[%swap3A_59, %swap3A_60] {strides = array<i32>} : memref<384x128xf32, #tpu.memory_space<vmem>>, vector<1x16xf32>,
      %swap3A_62 = vector.shape_cast %swap3A_61 : vector<1x16xf32> to vector<16xf32>
      %swap3A_63 = vector.shape_cast %broadcast_in_dim3A_58 : vector<16xf32> to vector<1x16xf32>
      tpu.vector_store %arg8[%swap3A_59, %swap3A_60], %swap3A_63 {strides = array<i32>} : memref<384x128xf32, #tpu.memory_space<vmem>>, vector<1x16xf32>,
      %broadcast_in_dim3A_64 = arith.constant 0.000000e+00 : f32
      %broadcast_in_dim3A_65 = vector.broadcast %broadcast_in_dim3A_64 : f32 to vector<16xf32>
      %swap3A_66 = arith.index_cast %scan3A_51 : i32 to index
      %swap3A_67 = arith.constant 32 : index
      %swap3A_68 = tpu.vector_load %arg8[%swap3A_66, %swap3A_67] {strides = array<i32>} : memref<384x128xf32, #tpu.memory_space<vmem>>, vector<1x16xf32>,
      %swap3A_69 = vector.shape_cast %swap3A_68 : vector<1x16xf32> to vector<16xf32>
      %swap3A_70 = vector.shape_cast %broadcast_in_dim3A_65 : vector<16xf32> to vector<1x16xf32>
      tpu.vector_store %arg8[%swap3A_66, %swap3A_67], %swap3A_70 {strides = array<i32>} : memref<384x128xf32, #tpu.memory_space<vmem>>, vector<1x16xf32>,
      %broadcast_in_dim3A_71 = arith.constant 0.000000e+00 : f32
      %broadcast_in_dim3A_72 = vector.broadcast %broadcast_in_dim3A_71 : f32 to vector<16xf32>
      %swap3A_73 = arith.index_cast %scan3A_51 : i32 to index
      %swap3A_74 = arith.constant 48 : index
      %swap3A_75 = tpu.vector_load %arg8[%swap3A_73, %swap3A_74] {strides = array<i32>} : memref<384x128xf32, #tpu.memory_space<vmem>>, vector<1x16xf32>,
      %swap3A_76 = vector.shape_cast %swap3A_75 : vector<1x16xf32> to vector<16xf32>
      %swap3A_77 = vector.shape_cast %broadcast_in_dim3A_72 : vector<16xf32> to vector<1x16xf32>
      tpu.vector_store %arg8[%swap3A_73, %swap3A_74], %swap3A_77 {strides = array<i32>} : memref<384x128xf32, #tpu.memory_space<vmem>>, vector<1x16xf32>,
      %broadcast_in_dim3A_78 = arith.constant 0.000000e+00 : f32
      %broadcast_in_dim3A_79 = vector.broadcast %broadcast_in_dim3A_78 : f32 to vector<16xf32>
      %swap3A_80 = arith.index_cast %scan3A_51 : i32 to index
      %swap3A_81 = arith.constant 64 : index
      %swap3A_82 = tpu.vector_load %arg8[%swap3A_80, %swap3A_81] {strides = array<i32>} : memref<384x128xf32, #tpu.memory_space<vmem>>, vector<1x16xf32>,
      %swap3A_83 = vector.shape_cast %swap3A_82 : vector<1x16xf32> to vector<16xf32>
      %swap3A_84 = vector.shape_cast %broadcast_in_dim3A_79 : vector<16xf32> to vector<1x16xf32>
      tpu.vector_store %arg8[%swap3A_80, %swap3A_81], %swap3A_84 {strides = array<i32>} : memref<384x128xf32, #tpu.memory_space<vmem>>, vector<1x16xf32>,
      %broadcast_in_dim3A_85 = arith.constant 0.000000e+00 : f32
      %broadcast_in_dim3A_86 = vector.broadcast %broadcast_in_dim3A_85 : f32 to vector<16xf32>
      %swap3A_87 = arith.index_cast %scan3A_51 : i32 to index
      %swap3A_88 = arith.constant 80 : index
      %swap3A_89 = tpu.vector_load %arg8[%swap3A_87, %swap3A_88] {strides = array<i32>} : memref<384x128xf32, #tpu.memory_space<vmem>>, vector<1x16xf32>,
      %swap3A_90 = vector.shape_cast %swap3A_89 : vector<1x16xf32> to vector<16xf32>
      %swap3A_91 = vector.shape_cast %broadcast_in_dim3A_86 : vector<16xf32> to vector<1x16xf32>
      tpu.vector_store %arg8[%swap3A_87, %swap3A_88], %swap3A_91 {strides = array<i32>} : memref<384x128xf32, #tpu.memory_space<vmem>>, vector<1x16xf32>,
      %broadcast_in_dim3A_92 = arith.constant 0.000000e+00 : f32
      %broadcast_in_dim3A_93 = vector.broadcast %broadcast_in_dim3A_92 : f32 to vector<16xf32>
      %swap3A_94 = arith.index_cast %scan3A_51 : i32 to index
      %swap3A_95 = arith.constant 96 : index
      %swap3A_96 = tpu.vector_load %arg8[%swap3A_94, %swap3A_95] {strides = array<i32>} : memref<384x128xf32, #tpu.memory_space<vmem>>, vector<1x16xf32>,
      %swap3A_97 = vector.shape_cast %swap3A_96 : vector<1x16xf32> to vector<16xf32>
      %swap3A_98 = vector.shape_cast %broadcast_in_dim3A_93 : vector<16xf32> to vector<1x16xf32>
      tpu.vector_store %arg8[%swap3A_94, %swap3A_95], %swap3A_98 {strides = array<i32>} : memref<384x128xf32, #tpu.memory_space<vmem>>, vector<1x16xf32>,
      %broadcast_in_dim3A_99 = arith.constant 0.000000e+00 : f32
      %broadcast_in_dim3A_100 = vector.broadcast %broadcast_in_dim3A_99 : f32 to vector<16xf32>
      %swap3A_101 = arith.index_cast %scan3A_51 : i32 to index
      %swap3A_102 = arith.constant 112 : index
      %swap3A_103 = tpu.vector_load %arg8[%swap3A_101, %swap3A_102] {strides = array<i32>} : memref<384x128xf32, #tpu.memory_space<vmem>>, vector<1x16xf32>,
      %swap3A_104 = vector.shape_cast %swap3A_103 : vector<1x16xf32> to vector<16xf32>
      %swap3A_105 = vector.shape_cast %broadcast_in_dim3A_100 : vector<16xf32> to vector<1x16xf32>
      tpu.vector_store %arg8[%swap3A_101, %swap3A_102], %swap3A_105 {strides = array<i32>} : memref<384x128xf32, #tpu.memory_space<vmem>>, vector<1x16xf32>,
    }
    %scan3A_5 = arith.constant 80 : i32
    %mul3A_6 = arith.constant 640 : i32
    %mul3A_7 = arith.muli %arg1, %mul3A_6 : i32
    %lt3A = arith.constant 15 : i32
    %lt3A_8 = arith.cmpi slt, %arg1, %lt3A : i32
    %jit3A = arith.constant 8 : i32
    %jit3A_9 = arith.constant 5 : i32
    %select_n3A = arith.select %lt3A_8, %jit3A, %jit3A_9 : i32
    %while3A = arith.constant 0 : i32
    %while3A_10 = arith.constant 0 : i32
    %while3A_11 = arith.subi %select_n3A, %while3A_10 : i32
    %while3A_12 = arith.addi %while3A_10, %while3A_11 : i32
    %while3A_13 = arith.constant 1 : i32
    %while3A_14 = arith.divsi %while3A_11, %while3A_13 : i32
    %while3A_15 = arith.muli %while3A_14, %while3A_13 : i32
    %while3A_16 = arith.addi %while3A_10, %while3A_15 : i32
    %while3A_17 = arith.constant 1 : i32
    scf.for %while3A_51 = %while3A_10 to %while3A_16 step %while3A_17  : i32 {
      %mul3A_52 = arith.constant 80 : i32
      %mul3A_53 = arith.muli %while3A_51, %mul3A_52 : i32
      %add3A_54 = arith.addi %mul3A_7, %mul3A_53 : i32
      "tpu.region"() ({
        %run_scoped3A = tpu.sem_alloc : memref<!tpu.dma_semaphore, #tpu.memory_space<semaphore_mem>>
        %dma_start3A = arith.constant 0 : i32
        %dma_start3A_55 = arith.constant 0 : i32
        %dma_start3A_56 = tpu.memref_slice %arg8[%dma_start3A, %dma_start3A_55] : memref<384x128xf32, #tpu.memory_space<vmem>> -> memref<80x128xf32, #tpu.memory_space<vmem>>
        %dma_start3A_57 = arith.constant 0 : i32
        %dma_start3A_58 = tpu.memref_slice %arg7[%add3A_54, %dma_start3A_57] : memref<10000x128xf32, #tpu.memory_space<vmem_shared>> -> memref<80x128xf32, #tpu.memory_space<vmem_shared>>
        %dma_start3A_59 = arith.constant 0 : i32
        %dma_start3A_60 = tpu.memref_slice %arg7[%add3A_54, %dma_start3A_59] : memref<10000x128xf32, #tpu.memory_space<vmem_shared>> -> memref<80x128xf32, #tpu.memory_space<vmem_shared>>
        %dma_start3A_61 = arith.constant 0 : i32
        %dma_start3A_62 = arith.constant 0 : i32
        %dma_start3A_63 = tpu.memref_slice %arg8[%dma_start3A_61, %dma_start3A_62] : memref<384x128xf32, #tpu.memory_space<vmem>> -> memref<80x128xf32, #tpu.memory_space<vmem>>
        tpu.enqueue_dma source(%dma_start3A_63 : memref<80x128xf32, #tpu.memory_space<vmem>>) target(%dma_start3A_60 : memref<80x128xf32, #tpu.memory_space<vmem_shared>>) target_semaphore(%run_scoped3A : memref<!tpu.dma_semaphore, #tpu.memory_space<semaphore_mem>>)
        %dma_wait3A = arith.constant 0 : i32
        %dma_wait3A_64 = arith.constant 0 : i32
        %dma_wait3A_65 = tpu.memref_slice %arg8[%dma_wait3A, %dma_wait3A_64] : memref<384x128xf32, #tpu.memory_space<vmem>> -> memref<80x128xf32, #tpu.memory_space<vmem>>
        %dma_wait3A_66 = arith.constant 0 : i32
        %dma_wait3A_67 = tpu.memref_slice %arg7[%add3A_54, %dma_wait3A_66] : memref<10000x128xf32, #tpu.memory_space<vmem_shared>> -> memref<80x128xf32, #tpu.memory_space<vmem_shared>>
        %dma_wait3A_68 = arith.constant 0 : i32
        %dma_wait3A_69 = tpu.memref_slice %arg7[%add3A_54, %dma_wait3A_68] : memref<10000x128xf32, #tpu.memory_space<vmem_shared>> -> memref<80x128xf32, #tpu.memory_space<vmem_shared>>
        %dma_wait3A_70 = arith.constant 0 : i32
        %dma_wait3A_71 = arith.constant 0 : i32
        %dma_wait3A_72 = tpu.memref_slice %arg8[%dma_wait3A_70, %dma_wait3A_71] : memref<384x128xf32, #tpu.memory_space<vmem>> -> memref<80x128xf32, #tpu.memory_space<vmem>>
        tpu.wait_dma2 semaphore(%run_scoped3A : memref<!tpu.dma_semaphore, #tpu.memory_space<semaphore_mem>>) src(%dma_wait3A_72 : memref<80x128xf32, #tpu.memory_space<vmem>>) dst(%dma_wait3A_69 : memref<80x128xf32, #tpu.memory_space<vmem_shared>>)
        tpu.yield
      }) : () -> ()
    }
    %while3A_18 = arith.constant 1 : i32
    scf.for %while3A_51 = %while3A_16 to %while3A_12 step %while3A_18  : i32 {
      %mul3A_52 = arith.constant 80 : i32
      %mul3A_53 = arith.muli %while3A_51, %mul3A_52 : i32
      %add3A_54 = arith.addi %mul3A_7, %mul3A_53 : i32
      "tpu.region"() ({
        %run_scoped3A = tpu.sem_alloc : memref<!tpu.dma_semaphore, #tpu.memory_space<semaphore_mem>>
        %dma_start3A = arith.constant 0 : i32
        %dma_start3A_55 = arith.constant 0 : i32
        %dma_start3A_56 = tpu.memref_slice %arg8[%dma_start3A, %dma_start3A_55] : memref<384x128xf32, #tpu.memory_space<vmem>> -> memref<80x128xf32, #tpu.memory_space<vmem>>
        %dma_start3A_57 = arith.constant 0 : i32
        %dma_start3A_58 = tpu.memref_slice %arg7[%add3A_54, %dma_start3A_57] : memref<10000x128xf32, #tpu.memory_space<vmem_shared>> -> memref<80x128xf32, #tpu.memory_space<vmem_shared>>
        %dma_start3A_59 = arith.constant 0 : i32
        %dma_start3A_60 = tpu.memref_slice %arg7[%add3A_54, %dma_start3A_59] : memref<10000x128xf32, #tpu.memory_space<vmem_shared>> -> memref<80x128xf32, #tpu.memory_space<vmem_shared>>
        %dma_start3A_61 = arith.constant 0 : i32
        %dma_start3A_62 = arith.constant 0 : i32
        %dma_start3A_63 = tpu.memref_slice %arg8[%dma_start3A_61, %dma_start3A_62] : memref<384x128xf32, #tpu.memory_space<vmem>> -> memref<80x128xf32, #tpu.memory_space<vmem>>
        tpu.enqueue_dma source(%dma_start3A_63 : memref<80x128xf32, #tpu.memory_space<vmem>>) target(%dma_start3A_60 : memref<80x128xf32, #tpu.memory_space<vmem_shared>>) target_semaphore(%run_scoped3A : memref<!tpu.dma_semaphore, #tpu.memory_space<semaphore_mem>>)
        %dma_wait3A = arith.constant 0 : i32
        %dma_wait3A_64 = arith.constant 0 : i32
        %dma_wait3A_65 = tpu.memref_slice %arg8[%dma_wait3A, %dma_wait3A_64] : memref<384x128xf32, #tpu.memory_space<vmem>> -> memref<80x128xf32, #tpu.memory_space<vmem>>
        %dma_wait3A_66 = arith.constant 0 : i32
        %dma_wait3A_67 = tpu.memref_slice %arg7[%add3A_54, %dma_wait3A_66] : memref<10000x128xf32, #tpu.memory_space<vmem_shared>> -> memref<80x128xf32, #tpu.memory_space<vmem_shared>>
        %dma_wait3A_68 = arith.constant 0 : i32
        %dma_wait3A_69 = tpu.memref_slice %arg7[%add3A_54, %dma_wait3A_68] : memref<10000x128xf32, #tpu.memory_space<vmem_shared>> -> memref<80x128xf32, #tpu.memory_space<vmem_shared>>
        %dma_wait3A_70 = arith.constant 0 : i32
        %dma_wait3A_71 = arith.constant 0 : i32
        %dma_wait3A_72 = tpu.memref_slice %arg8[%dma_wait3A_70, %dma_wait3A_71] : memref<384x128xf32, #tpu.memory_space<vmem>> -> memref<80x128xf32, #tpu.memory_space<vmem>>
        tpu.wait_dma2 semaphore(%run_scoped3A : memref<!tpu.dma_semaphore, #tpu.memory_space<semaphore_mem>>) src(%dma_wait3A_72 : memref<80x128xf32, #tpu.memory_space<vmem>>) dst(%dma_wait3A_69 : memref<80x128xf32, #tpu.memory_space<vmem_shared>>)
        tpu.yield
      }) : () -> ()
    }
    %barrier3A = arith.constant 0 : index
    tpu.barrier barrier_id(%barrier3A)
    %lt3A_19 = arith.constant 2 : i32
    %lt3A_20 = arith.cmpi slt, %add3A, %lt3A_19 : i32
    %jit3A_21 = arith.constant 1 : i32
    %jit3A_22 = arith.constant 0 : i32
    %select_n3A_23 = arith.select %lt3A_20, %jit3A_21, %jit3A_22 : i32
    %add3A_24 = arith.constant 26 : i32
    %add3A_25 = arith.addi %add3A_24, %select_n3A_23 : i32
    %mul3A_26 = arith.constant 26 : i32
    %mul3A_27 = arith.muli %add3A, %mul3A_26 : i32
    %min3A = arith.constant 2 : i32
    %min3A_28 = arith.minsi %add3A, %min3A : i32
    %add3A_29 = arith.addi %mul3A_27, %min3A_28 : i32
    %while3A_30 = arith.constant 0 : i32
    %while3A_31 = arith.constant 0 : i32
    %while3A_32 = arith.subi %add3A_25, %while3A_31 : i32
    %while3A_33 = arith.addi %while3A_31, %while3A_32 : i32
    %while3A_34 = arith.constant 1 : i32
    %while3A_35 = arith.divsi %while3A_32, %while3A_34 : i32
    %while3A_36 = arith.muli %while3A_35, %while3A_34 : i32
    %while3A_37 = arith.addi %while3A_31, %while3A_36 : i32
    %while3A_38 = arith.constant 1 : i32
    scf.for %while3A_51 = %while3A_31 to %while3A_37 step %while3A_38  : i32 {
      %add3A_52 = arith.addi %add3A_29, %while3A_51 : i32
      "tpu.region"() ({
        %run_scoped3A = tpu.sem_alloc : memref<!tpu.dma_semaphore, #tpu.memory_space<semaphore_mem>>
        %dma_start3A = arith.constant 0 : i32
        %dma_start3A_59 = tpu.memref_slice %arg3[%add3A_52, %dma_start3A] : memref<834x384xi32, #tpu.memory_space<hbm>> -> memref<1x384xi32, #tpu.memory_space<hbm>>
        %dma_start3A_60 = tpu.memref_squeeze %dma_start3A_59 : memref<1x384xi32, #tpu.memory_space<hbm>> -> memref<384xi32, #tpu.memory_space<hbm>>
        %dma_start3A_61 = arith.constant 0 : i32
        %dma_start3A_62 = tpu.memref_slice %arg3[%add3A_52, %dma_start3A_61] : memref<834x384xi32, #tpu.memory_space<hbm>> -> memref<1x384xi32, #tpu.memory_space<hbm>>
        %dma_start3A_63 = tpu.memref_squeeze %dma_start3A_62 : memref<1x384xi32, #tpu.memory_space<hbm>> -> memref<384xi32, #tpu.memory_space<hbm>>
        tpu.enqueue_dma source(%dma_start3A_63 : memref<384xi32, #tpu.memory_space<hbm>>) target(%arg9 : memref<384xi32, #tpu.memory_space<vmem>>) target_semaphore(%run_scoped3A : memref<!tpu.dma_semaphore, #tpu.memory_space<semaphore_mem>>)
        %dma_wait3A = arith.constant 0 : i32
        %dma_wait3A_64 = tpu.memref_slice %arg3[%add3A_52, %dma_wait3A] : memref<834x384xi32, #tpu.memory_space<hbm>> -> memref<1x384xi32, #tpu.memory_space<hbm>>
        %dma_wait3A_65 = tpu.memref_squeeze %dma_wait3A_64 : memref<1x384xi32, #tpu.memory_space<hbm>> -> memref<384xi32, #tpu.memory_space<hbm>>
        %dma_wait3A_66 = arith.constant 0 : i32
        %dma_wait3A_67 = tpu.memref_slice %arg3[%add3A_52, %dma_wait3A_66] : memref<834x384xi32, #tpu.memory_space<hbm>> -> memref<1x384xi32, #tpu.memory_space<hbm>>
        %dma_wait3A_68 = tpu.memref_squeeze %dma_wait3A_67 : memref<1x384xi32, #tpu.memory_space<hbm>> -> memref<384xi32, #tpu.memory_space<hbm>>
        tpu.wait_dma2 semaphore(%run_scoped3A : memref<!tpu.dma_semaphore, #tpu.memory_space<semaphore_mem>>) src(%dma_wait3A_68 : memref<384xi32, #tpu.memory_space<hbm>>) dst(%arg9 : memref<384xi32, #tpu.memory_space<vmem>>)
        tpu.yield
      }) : () -> ()
      "tpu.region"() ({
        %run_scoped3A = tpu.sem_alloc : memref<!tpu.dma_semaphore, #tpu.memory_space<semaphore_mem>>
        %dma_start3A = arith.constant 0 : i32
        %dma_start3A_59 = tpu.memref_slice %arg4[%add3A_52, %dma_start3A] : memref<834x384xi32, #tpu.memory_space<hbm>> -> memref<1x384xi32, #tpu.memory_space<hbm>>
        %dma_start3A_60 = tpu.memref_squeeze %dma_start3A_59 : memref<1x384xi32, #tpu.memory_space<hbm>> -> memref<384xi32, #tpu.memory_space<hbm>>
        %dma_start3A_61 = arith.constant 0 : i32
        %dma_start3A_62 = tpu.memref_slice %arg4[%add3A_52, %dma_start3A_61] : memref<834x384xi32, #tpu.memory_space<hbm>> -> memref<1x384xi32, #tpu.memory_space<hbm>>
        %dma_start3A_63 = tpu.memref_squeeze %dma_start3A_62 : memref<1x384xi32, #tpu.memory_space<hbm>> -> memref<384xi32, #tpu.memory_space<hbm>>
        tpu.enqueue_dma source(%dma_start3A_63 : memref<384xi32, #tpu.memory_space<hbm>>) target(%arg10 : memref<384xi32, #tpu.memory_space<vmem>>) target_semaphore(%run_scoped3A : memref<!tpu.dma_semaphore, #tpu.memory_space<semaphore_mem>>)
        %dma_wait3A = arith.constant 0 : i32
        %dma_wait3A_64 = tpu.memref_slice %arg4[%add3A_52, %dma_wait3A] : memref<834x384xi32, #tpu.memory_space<hbm>> -> memref<1x384xi32, #tpu.memory_space<hbm>>
        %dma_wait3A_65 = tpu.memref_squeeze %dma_wait3A_64 : memref<1x384xi32, #tpu.memory_space<hbm>> -> memref<384xi32, #tpu.memory_space<hbm>>
        %dma_wait3A_66 = arith.constant 0 : i32
        %dma_wait3A_67 = tpu.memref_slice %arg4[%add3A_52, %dma_wait3A_66] : memref<834x384xi32, #tpu.memory_space<hbm>> -> memref<1x384xi32, #tpu.memory_space<hbm>>
        %dma_wait3A_68 = tpu.memref_squeeze %dma_wait3A_67 : memref<1x384xi32, #tpu.memory_space<hbm>> -> memref<384xi32, #tpu.memory_space<hbm>>
        tpu.wait_dma2 semaphore(%run_scoped3A : memref<!tpu.dma_semaphore, #tpu.memory_space<semaphore_mem>>) src(%dma_wait3A_68 : memref<384xi32, #tpu.memory_space<hbm>>) dst(%arg10 : memref<384xi32, #tpu.memory_space<vmem>>)
        tpu.yield
      }) : () -> ()
      "tpu.region"() ({
        %run_scoped3A = tpu.sem_alloc : memref<!tpu.dma_semaphore, #tpu.memory_space<semaphore_mem>>
        %dma_start3A = arith.constant 0 : i32
        %dma_start3A_59 = tpu.memref_slice %arg11[%dma_start3A] : memref<400xf32, #tpu.memory_space<vmem>> -> memref<384xf32, #tpu.memory_space<vmem>>
        %dma_start3A_60 = arith.constant 0 : i32
        %dma_start3A_61 = tpu.memref_slice %arg5[%add3A_52, %dma_start3A_60] : memref<834x384xf32, #tpu.memory_space<hbm>> -> memref<1x384xf32, #tpu.memory_space<hbm>>
        %dma_start3A_62 = tpu.memref_squeeze %dma_start3A_61 : memref<1x384xf32, #tpu.memory_space<hbm>> -> memref<384xf32, #tpu.memory_space<hbm>>
        %dma_start3A_63 = arith.constant 0 : i32
        %dma_start3A_64 = tpu.memref_slice %arg11[%dma_start3A_63] : memref<400xf32, #tpu.memory_space<vmem>> -> memref<384xf32, #tpu.memory_space<vmem>>
        %dma_start3A_65 = arith.constant 0 : i32
        %dma_start3A_66 = tpu.memref_slice %arg5[%add3A_52, %dma_start3A_65] : memref<834x384xf32, #tpu.memory_space<hbm>> -> memref<1x384xf32, #tpu.memory_space<hbm>>
        %dma_start3A_67 = tpu.memref_squeeze %dma_start3A_66 : memref<1x384xf32, #tpu.memory_space<hbm>> -> memref<384xf32, #tpu.memory_space<hbm>>
        tpu.enqueue_dma source(%dma_start3A_67 : memref<384xf32, #tpu.memory_space<hbm>>) target(%dma_start3A_64 : memref<384xf32, #tpu.memory_space<vmem>>) target_semaphore(%run_scoped3A : memref<!tpu.dma_semaphore, #tpu.memory_space<semaphore_mem>>)
        %dma_wait3A = arith.constant 0 : i32
        %dma_wait3A_68 = tpu.memref_slice %arg11[%dma_wait3A] : memref<400xf32, #tpu.memory_space<vmem>> -> memref<384xf32, #tpu.memory_space<vmem>>
        %dma_wait3A_69 = arith.constant 0 : i32
        %dma_wait3A_70 = tpu.memref_slice %arg5[%add3A_52, %dma_wait3A_69] : memref<834x384xf32, #tpu.memory_space<hbm>> -> memref<1x384xf32, #tpu.memory_space<hbm>>
        %dma_wait3A_71 = tpu.memref_squeeze %dma_wait3A_70 : memref<1x384xf32, #tpu.memory_space<hbm>> -> memref<384xf32, #tpu.memory_space<hbm>>
        %dma_wait3A_72 = arith.constant 0 : i32
        %dma_wait3A_73 = tpu.memref_slice %arg11[%dma_wait3A_72] : memref<400xf32, #tpu.memory_space<vmem>> -> memref<384xf32, #tpu.memory_space<vmem>>
        %dma_wait3A_74 = arith.constant 0 : i32
        %dma_wait3A_75 = tpu.memref_slice %arg5[%add3A_52, %dma_wait3A_74] : memref<834x384xf32, #tpu.memory_space<hbm>> -> memref<1x384xf32, #tpu.memory_space<hbm>>
        %dma_wait3A_76 = tpu.memref_squeeze %dma_wait3A_75 : memref<1x384xf32, #tpu.memory_space<hbm>> -> memref<384xf32, #tpu.memory_space<hbm>>
        tpu.wait_dma2 semaphore(%run_scoped3A : memref<!tpu.dma_semaphore, #tpu.memory_space<semaphore_mem>>) src(%dma_wait3A_76 : memref<384xf32, #tpu.memory_space<hbm>>) dst(%dma_wait3A_73 : memref<384xf32, #tpu.memory_space<vmem>>)
        tpu.yield
      }) : () -> ()
      "tpu.region"() ({
        %run_scoped3A = tpu.sem_alloc : memref<!tpu.dma_semaphore, #tpu.memory_space<semaphore_mem>>
        %dma_start3A = arith.constant 0 : i32
        %dma_start3A_59 = arith.constant 0 : i32
        %dma_start3A_60 = tpu.memref_slice %arg2[%dma_start3A, %dma_start3A_59] : memref<10000x128xf32, #tpu.memory_space<hbm>> -> memref<10000x128xf32, #tpu.memory_space<hbm>>
        tpu.enqueue_indirect_dma source(%dma_start3A_60 : memref<10000x128xf32, #tpu.memory_space<hbm>>) target(%arg8 : memref<384x128xf32, #tpu.memory_space<vmem>>) offsets(%arg9 : memref<384xi32, #tpu.memory_space<vmem>>) semaphore(%run_scoped3A : memref<!tpu.dma_semaphore, #tpu.memory_space<semaphore_mem>>)
        %dma_wait3A = arith.constant 0 : i32
        %dma_wait3A_61 = arith.constant 0 : i32
        %dma_wait3A_62 = tpu.memref_slice %arg2[%dma_wait3A, %dma_wait3A_61] : memref<10000x128xf32, #tpu.memory_space<hbm>> -> memref<10000x128xf32, #tpu.memory_space<hbm>>
        tpu.wait_indirect_dma semaphore(%run_scoped3A : memref<!tpu.dma_semaphore, #tpu.memory_space<semaphore_mem>>) src(%dma_wait3A_62 : memref<10000x128xf32, #tpu.memory_space<hbm>>) dst(%arg8 : memref<384x128xf32, #tpu.memory_space<vmem>>)
        tpu.yield
      }) : () -> ()
      %scan3A_53 = arith.constant 0 : i32
      %scan3A_54 = arith.constant 0 : i32
      %scan3A_55 = arith.constant 384 : i32
      %scan3A_56 = arith.addi %scan3A_54, %scan3A_55 : i32
      %scan3A_57 = arith.constant 1 : i32
      scf.for %scan3A_59 = %scan3A_54 to %scan3A_56 step %scan3A_57  : i32 {
        %get3A = arith.index_cast %scan3A_59 : i32 to index
        %get3A_60 = tpu.vector_load %arg11[%get3A] {strides = array<i32>} : memref<400xf32, #tpu.memory_space<vmem>>, vector<16xf32>,
        %get3A_61 = vector.shape_cast %get3A_60 : vector<16xf32> to vector<16xf32>
        %slice3A = vector.extract_strided_slice %get3A_61 {offsets = [0], sizes = [1], strides = [1]} : vector<16xf32> to vector<1xf32>
        %squeeze3A = vector.extract %slice3A[0] : f32 from vector<1xf32>
        %get3A_62 = arith.index_cast %scan3A_59 : i32 to index
        %get3A_63 = arith.constant 0 : index
        %get3A_64 = tpu.vector_load %arg8[%get3A_62, %get3A_63] {strides = array<i32>} : memref<384x128xf32, #tpu.memory_space<vmem>>, vector<1x16xf32>,
        %get3A_65 = vector.shape_cast %get3A_64 : vector<1x16xf32> to vector<16xf32>
        %mul3A_66 = vector.broadcast %squeeze3A : f32 to vector<16xf32>
        %mul3A_67 = arith.mulf %get3A_65, %mul3A_66 : vector<16xf32>
        %swap3A = arith.index_cast %scan3A_59 : i32 to index
        %swap3A_68 = arith.constant 0 : index
        %swap3A_69 = tpu.vector_load %arg8[%swap3A, %swap3A_68] {strides = array<i32>} : memref<384x128xf32, #tpu.memory_space<vmem>>, vector<1x16xf32>,
        %swap3A_70 = vector.shape_cast %swap3A_69 : vector<1x16xf32> to vector<16xf32>
        %swap3A_71 = vector.shape_cast %mul3A_67 : vector<16xf32> to vector<1x16xf32>
        tpu.vector_store %arg8[%swap3A, %swap3A_68], %swap3A_71 {strides = array<i32>} : memref<384x128xf32, #tpu.memory_space<vmem>>, vector<1x16xf32>,
        %get3A_72 = arith.index_cast %scan3A_59 : i32 to index
        %get3A_73 = arith.constant 16 : index
        %get3A_74 = tpu.vector_load %arg8[%get3A_72, %get3A_73] {strides = array<i32>} : memref<384x128xf32, #tpu.memory_space<vmem>>, vector<1x16xf32>,
        %get3A_75 = vector.shape_cast %get3A_74 : vector<1x16xf32> to vector<16xf32>
        %mul3A_76 = vector.broadcast %squeeze3A : f32 to vector<16xf32>
        %mul3A_77 = arith.mulf %get3A_75, %mul3A_76 : vector<16xf32>
        %swap3A_78 = arith.index_cast %scan3A_59 : i32 to index
        %swap3A_79 = arith.constant 16 : index
        %swap3A_80 = tpu.vector_load %arg8[%swap3A_78, %swap3A_79] {strides = array<i32>} : memref<384x128xf32, #tpu.memory_space<vmem>>, vector<1x16xf32>,
        %swap3A_81 = vector.shape_cast %swap3A_80 : vector<1x16xf32> to vector<16xf32>
        %swap3A_82 = vector.shape_cast %mul3A_77 : vector<16xf32> to vector<1x16xf32>
        tpu.vector_store %arg8[%swap3A_78, %swap3A_79], %swap3A_82 {strides = array<i32>} : memref<384x128xf32, #tpu.memory_space<vmem>>, vector<1x16xf32>,
        %get3A_83 = arith.index_cast %scan3A_59 : i32 to index
        %get3A_84 = arith.constant 32 : index
        %get3A_85 = tpu.vector_load %arg8[%get3A_83, %get3A_84] {strides = array<i32>} : memref<384x128xf32, #tpu.memory_space<vmem>>, vector<1x16xf32>,
        %get3A_86 = vector.shape_cast %get3A_85 : vector<1x16xf32> to vector<16xf32>
        %mul3A_87 = vector.broadcast %squeeze3A : f32 to vector<16xf32>
        %mul3A_88 = arith.mulf %get3A_86, %mul3A_87 : vector<16xf32>
        %swap3A_89 = arith.index_cast %scan3A_59 : i32 to index
        %swap3A_90 = arith.constant 32 : index
        %swap3A_91 = tpu.vector_load %arg8[%swap3A_89, %swap3A_90] {strides = array<i32>} : memref<384x128xf32, #tpu.memory_space<vmem>>, vector<1x16xf32>,
        %swap3A_92 = vector.shape_cast %swap3A_91 : vector<1x16xf32> to vector<16xf32>
        %swap3A_93 = vector.shape_cast %mul3A_88 : vector<16xf32> to vector<1x16xf32>
        tpu.vector_store %arg8[%swap3A_89, %swap3A_90], %swap3A_93 {strides = array<i32>} : memref<384x128xf32, #tpu.memory_space<vmem>>, vector<1x16xf32>,
        %get3A_94 = arith.index_cast %scan3A_59 : i32 to index
        %get3A_95 = arith.constant 48 : index
        %get3A_96 = tpu.vector_load %arg8[%get3A_94, %get3A_95] {strides = array<i32>} : memref<384x128xf32, #tpu.memory_space<vmem>>, vector<1x16xf32>,
        %get3A_97 = vector.shape_cast %get3A_96 : vector<1x16xf32> to vector<16xf32>
        %mul3A_98 = vector.broadcast %squeeze3A : f32 to vector<16xf32>
        %mul3A_99 = arith.mulf %get3A_97, %mul3A_98 : vector<16xf32>
        %swap3A_100 = arith.index_cast %scan3A_59 : i32 to index
        %swap3A_101 = arith.constant 48 : index
        %swap3A_102 = tpu.vector_load %arg8[%swap3A_100, %swap3A_101] {strides = array<i32>} : memref<384x128xf32, #tpu.memory_space<vmem>>, vector<1x16xf32>,
        %swap3A_103 = vector.shape_cast %swap3A_102 : vector<1x16xf32> to vector<16xf32>
        %swap3A_104 = vector.shape_cast %mul3A_99 : vector<16xf32> to vector<1x16xf32>
        tpu.vector_store %arg8[%swap3A_100, %swap3A_101], %swap3A_104 {strides = array<i32>} : memref<384x128xf32, #tpu.memory_space<vmem>>, vector<1x16xf32>,
        %get3A_105 = arith.index_cast %scan3A_59 : i32 to index
        %get3A_106 = arith.constant 64 : index
        %get3A_107 = tpu.vector_load %arg8[%get3A_105, %get3A_106] {strides = array<i32>} : memref<384x128xf32, #tpu.memory_space<vmem>>, vector<1x16xf32>,
        %get3A_108 = vector.shape_cast %get3A_107 : vector<1x16xf32> to vector<16xf32>
        %mul3A_109 = vector.broadcast %squeeze3A : f32 to vector<16xf32>
        %mul3A_110 = arith.mulf %get3A_108, %mul3A_109 : vector<16xf32>
        %swap3A_111 = arith.index_cast %scan3A_59 : i32 to index
        %swap3A_112 = arith.constant 64 : index
        %swap3A_113 = tpu.vector_load %arg8[%swap3A_111, %swap3A_112] {strides = array<i32>} : memref<384x128xf32, #tpu.memory_space<vmem>>, vector<1x16xf32>,
        %swap3A_114 = vector.shape_cast %swap3A_113 : vector<1x16xf32> to vector<16xf32>
        %swap3A_115 = vector.shape_cast %mul3A_110 : vector<16xf32> to vector<1x16xf32>
        tpu.vector_store %arg8[%swap3A_111, %swap3A_112], %swap3A_115 {strides = array<i32>} : memref<384x128xf32, #tpu.memory_space<vmem>>, vector<1x16xf32>,
        %get3A_116 = arith.index_cast %scan3A_59 : i32 to index
        %get3A_117 = arith.constant 80 : index
        %get3A_118 = tpu.vector_load %arg8[%get3A_116, %get3A_117] {strides = array<i32>} : memref<384x128xf32, #tpu.memory_space<vmem>>, vector<1x16xf32>,
        %get3A_119 = vector.shape_cast %get3A_118 : vector<1x16xf32> to vector<16xf32>
        %mul3A_120 = vector.broadcast %squeeze3A : f32 to vector<16xf32>
        %mul3A_121 = arith.mulf %get3A_119, %mul3A_120 : vector<16xf32>
        %swap3A_122 = arith.index_cast %scan3A_59 : i32 to index
        %swap3A_123 = arith.constant 80 : index
        %swap3A_124 = tpu.vector_load %arg8[%swap3A_122, %swap3A_123] {strides = array<i32>} : memref<384x128xf32, #tpu.memory_space<vmem>>, vector<1x16xf32>,
        %swap3A_125 = vector.shape_cast %swap3A_124 : vector<1x16xf32> to vector<16xf32>
        %swap3A_126 = vector.shape_cast %mul3A_121 : vector<16xf32> to vector<1x16xf32>
        tpu.vector_store %arg8[%swap3A_122, %swap3A_123], %swap3A_126 {strides = array<i32>} : memref<384x128xf32, #tpu.memory_space<vmem>>, vector<1x16xf32>,
        %get3A_127 = arith.index_cast %scan3A_59 : i32 to index
        %get3A_128 = arith.constant 96 : index
        %get3A_129 = tpu.vector_load %arg8[%get3A_127, %get3A_128] {strides = array<i32>} : memref<384x128xf32, #tpu.memory_space<vmem>>, vector<1x16xf32>,
        %get3A_130 = vector.shape_cast %get3A_129 : vector<1x16xf32> to vector<16xf32>
        %mul3A_131 = vector.broadcast %squeeze3A : f32 to vector<16xf32>
        %mul3A_132 = arith.mulf %get3A_130, %mul3A_131 : vector<16xf32>
        %swap3A_133 = arith.index_cast %scan3A_59 : i32 to index
        %swap3A_134 = arith.constant 96 : index
        %swap3A_135 = tpu.vector_load %arg8[%swap3A_133, %swap3A_134] {strides = array<i32>} : memref<384x128xf32, #tpu.memory_space<vmem>>, vector<1x16xf32>,
        %swap3A_136 = vector.shape_cast %swap3A_135 : vector<1x16xf32> to vector<16xf32>
        %swap3A_137 = vector.shape_cast %mul3A_132 : vector<16xf32> to vector<1x16xf32>
        tpu.vector_store %arg8[%swap3A_133, %swap3A_134], %swap3A_137 {strides = array<i32>} : memref<384x128xf32, #tpu.memory_space<vmem>>, vector<1x16xf32>,
        %get3A_138 = arith.index_cast %scan3A_59 : i32 to index
        %get3A_139 = arith.constant 112 : index
        %get3A_140 = tpu.vector_load %arg8[%get3A_138, %get3A_139] {strides = array<i32>} : memref<384x128xf32, #tpu.memory_space<vmem>>, vector<1x16xf32>,
        %get3A_141 = vector.shape_cast %get3A_140 : vector<1x16xf32> to vector<16xf32>
        %mul3A_142 = vector.broadcast %squeeze3A : f32 to vector<16xf32>
        %mul3A_143 = arith.mulf %get3A_141, %mul3A_142 : vector<16xf32>
        %swap3A_144 = arith.index_cast %scan3A_59 : i32 to index
        %swap3A_145 = arith.constant 112 : index
        %swap3A_146 = tpu.vector_load %arg8[%swap3A_144, %swap3A_145] {strides = array<i32>} : memref<384x128xf32, #tpu.memory_space<vmem>>, vector<1x16xf32>,
        %swap3A_147 = vector.shape_cast %swap3A_146 : vector<1x16xf32> to vector<16xf32>
        %swap3A_148 = vector.shape_cast %mul3A_143 : vector<16xf32> to vector<1x16xf32>
        tpu.vector_store %arg8[%swap3A_144, %swap3A_145], %swap3A_148 {strides = array<i32>} : memref<384x128xf32, #tpu.memory_space<vmem>>, vector<1x16xf32>,
      }
      %scan3A_58 = arith.constant 384 : i32
      "tpu.region"() ({
        %run_scoped3A = tpu.sem_alloc : memref<!tpu.dma_semaphore, #tpu.memory_space<semaphore_mem>>
        %dma_start3A = arith.constant 0 : i32
        %dma_start3A_59 = arith.constant 0 : i32
        %dma_start3A_60 = tpu.memref_slice %arg7[%dma_start3A, %dma_start3A_59] : memref<10000x128xf32, #tpu.memory_space<vmem_shared>> -> memref<10000x128xf32, #tpu.memory_space<vmem_shared>>
        tpu.enqueue_indirect_dma source(%arg8 : memref<384x128xf32, #tpu.memory_space<vmem>>) target(%dma_start3A_60 : memref<10000x128xf32, #tpu.memory_space<vmem_shared>>) offsets(%arg10 : memref<384xi32, #tpu.memory_space<vmem>>) semaphore(%run_scoped3A : memref<!tpu.dma_semaphore, #tpu.memory_space<semaphore_mem>>) {add = true}
        %dma_wait3A = arith.constant 0 : i32
        %dma_wait3A_61 = arith.constant 0 : i32
        %dma_wait3A_62 = tpu.memref_slice %arg7[%dma_wait3A, %dma_wait3A_61] : memref<10000x128xf32, #tpu.memory_space<vmem_shared>> -> memref<10000x128xf32, #tpu.memory_space<vmem_shared>>
        tpu.wait_indirect_dma semaphore(%run_scoped3A : memref<!tpu.dma_semaphore, #tpu.memory_space<semaphore_mem>>) src(%arg8 : memref<384x128xf32, #tpu.memory_space<vmem>>) dst(%dma_wait3A_62 : memref<10000x128xf32, #tpu.memory_space<vmem_shared>>)
        tpu.yield
      }) : () -> ()
    }
    %while3A_39 = arith.constant 1 : i32
    scf.for %while3A_51 = %while3A_37 to %while3A_33 step %while3A_39  : i32 {
      %add3A_52 = arith.addi %add3A_29, %while3A_51 : i32
      "tpu.region"() ({
        %run_scoped3A = tpu.sem_alloc : memref<!tpu.dma_semaphore, #tpu.memory_space<semaphore_mem>>
        %dma_start3A = arith.constant 0 : i32
        %dma_start3A_59 = tpu.memref_slice %arg3[%add3A_52, %dma_start3A] : memref<834x384xi32, #tpu.memory_space<hbm>> -> memref<1x384xi32, #tpu.memory_space<hbm>>
        %dma_start3A_60 = tpu.memref_squeeze %dma_start3A_59 : memref<1x384xi32, #tpu.memory_space<hbm>> -> memref<384xi32, #tpu.memory_space<hbm>>
        %dma_start3A_61 = arith.constant 0 : i32
        %dma_start3A_62 = tpu.memref_slice %arg3[%add3A_52, %dma_start3A_61] : memref<834x384xi32, #tpu.memory_space<hbm>> -> memref<1x384xi32, #tpu.memory_space<hbm>>
        %dma_start3A_63 = tpu.memref_squeeze %dma_start3A_62 : memref<1x384xi32, #tpu.memory_space<hbm>> -> memref<384xi32, #tpu.memory_space<hbm>>
        tpu.enqueue_dma source(%dma_start3A_63 : memref<384xi32, #tpu.memory_space<hbm>>) target(%arg9 : memref<384xi32, #tpu.memory_space<vmem>>) target_semaphore(%run_scoped3A : memref<!tpu.dma_semaphore, #tpu.memory_space<semaphore_mem>>)
        %dma_wait3A = arith.constant 0 : i32
        %dma_wait3A_64 = tpu.memref_slice %arg3[%add3A_52, %dma_wait3A] : memref<834x384xi32, #tpu.memory_space<hbm>> -> memref<1x384xi32, #tpu.memory_space<hbm>>
        %dma_wait3A_65 = tpu.memref_squeeze %dma_wait3A_64 : memref<1x384xi32, #tpu.memory_space<hbm>> -> memref<384xi32, #tpu.memory_space<hbm>>
        %dma_wait3A_66 = arith.constant 0 : i32
        %dma_wait3A_67 = tpu.memref_slice %arg3[%add3A_52, %dma_wait3A_66] : memref<834x384xi32, #tpu.memory_space<hbm>> -> memref<1x384xi32, #tpu.memory_space<hbm>>
        %dma_wait3A_68 = tpu.memref_squeeze %dma_wait3A_67 : memref<1x384xi32, #tpu.memory_space<hbm>> -> memref<384xi32, #tpu.memory_space<hbm>>
        tpu.wait_dma2 semaphore(%run_scoped3A : memref<!tpu.dma_semaphore, #tpu.memory_space<semaphore_mem>>) src(%dma_wait3A_68 : memref<384xi32, #tpu.memory_space<hbm>>) dst(%arg9 : memref<384xi32, #tpu.memory_space<vmem>>)
        tpu.yield
      }) : () -> ()
      "tpu.region"() ({
        %run_scoped3A = tpu.sem_alloc : memref<!tpu.dma_semaphore, #tpu.memory_space<semaphore_mem>>
        %dma_start3A = arith.constant 0 : i32
        %dma_start3A_59 = tpu.memref_slice %arg4[%add3A_52, %dma_start3A] : memref<834x384xi32, #tpu.memory_space<hbm>> -> memref<1x384xi32, #tpu.memory_space<hbm>>
        %dma_start3A_60 = tpu.memref_squeeze %dma_start3A_59 : memref<1x384xi32, #tpu.memory_space<hbm>> -> memref<384xi32, #tpu.memory_space<hbm>>
        %dma_start3A_61 = arith.constant 0 : i32
        %dma_start3A_62 = tpu.memref_slice %arg4[%add3A_52, %dma_start3A_61] : memref<834x384xi32, #tpu.memory_space<hbm>> -> memref<1x384xi32, #tpu.memory_space<hbm>>
        %dma_start3A_63 = tpu.memref_squeeze %dma_start3A_62 : memref<1x384xi32, #tpu.memory_space<hbm>> -> memref<384xi32, #tpu.memory_space<hbm>>
        tpu.enqueue_dma source(%dma_start3A_63 : memref<384xi32, #tpu.memory_space<hbm>>) target(%arg10 : memref<384xi32, #tpu.memory_space<vmem>>) target_semaphore(%run_scoped3A : memref<!tpu.dma_semaphore, #tpu.memory_space<semaphore_mem>>)
        %dma_wait3A = arith.constant 0 : i32
        %dma_wait3A_64 = tpu.memref_slice %arg4[%add3A_52, %dma_wait3A] : memref<834x384xi32, #tpu.memory_space<hbm>> -> memref<1x384xi32, #tpu.memory_space<hbm>>
        %dma_wait3A_65 = tpu.memref_squeeze %dma_wait3A_64 : memref<1x384xi32, #tpu.memory_space<hbm>> -> memref<384xi32, #tpu.memory_space<hbm>>
        %dma_wait3A_66 = arith.constant 0 : i32
        %dma_wait3A_67 = tpu.memref_slice %arg4[%add3A_52, %dma_wait3A_66] : memref<834x384xi32, #tpu.memory_space<hbm>> -> memref<1x384xi32, #tpu.memory_space<hbm>>
        %dma_wait3A_68 = tpu.memref_squeeze %dma_wait3A_67 : memref<1x384xi32, #tpu.memory_space<hbm>> -> memref<384xi32, #tpu.memory_space<hbm>>
        tpu.wait_dma2 semaphore(%run_scoped3A : memref<!tpu.dma_semaphore, #tpu.memory_space<semaphore_mem>>) src(%dma_wait3A_68 : memref<384xi32, #tpu.memory_space<hbm>>) dst(%arg10 : memref<384xi32, #tpu.memory_space<vmem>>)
        tpu.yield
      }) : () -> ()
      "tpu.region"() ({
        %run_scoped3A = tpu.sem_alloc : memref<!tpu.dma_semaphore, #tpu.memory_space<semaphore_mem>>
        %dma_start3A = arith.constant 0 : i32
        %dma_start3A_59 = tpu.memref_slice %arg11[%dma_start3A] : memref<400xf32, #tpu.memory_space<vmem>> -> memref<384xf32, #tpu.memory_space<vmem>>
        %dma_start3A_60 = arith.constant 0 : i32
        %dma_start3A_61 = tpu.memref_slice %arg5[%add3A_52, %dma_start3A_60] : memref<834x384xf32, #tpu.memory_space<hbm>> -> memref<1x384xf32, #tpu.memory_space<hbm>>
        %dma_start3A_62 = tpu.memref_squeeze %dma_start3A_61 : memref<1x384xf32, #tpu.memory_space<hbm>> -> memref<384xf32, #tpu.memory_space<hbm>>
        %dma_start3A_63 = arith.constant 0 : i32
        %dma_start3A_64 = tpu.memref_slice %arg11[%dma_start3A_63] : memref<400xf32, #tpu.memory_space<vmem>> -> memref<384xf32, #tpu.memory_space<vmem>>
        %dma_start3A_65 = arith.constant 0 : i32
        %dma_start3A_66 = tpu.memref_slice %arg5[%add3A_52, %dma_start3A_65] : memref<834x384xf32, #tpu.memory_space<hbm>> -> memref<1x384xf32, #tpu.memory_space<hbm>>
        %dma_start3A_67 = tpu.memref_squeeze %dma_start3A_66 : memref<1x384xf32, #tpu.memory_space<hbm>> -> memref<384xf32, #tpu.memory_space<hbm>>
        tpu.enqueue_dma source(%dma_start3A_67 : memref<384xf32, #tpu.memory_space<hbm>>) target(%dma_start3A_64 : memref<384xf32, #tpu.memory_space<vmem>>) target_semaphore(%run_scoped3A : memref<!tpu.dma_semaphore, #tpu.memory_space<semaphore_mem>>)
        %dma_wait3A = arith.constant 0 : i32
        %dma_wait3A_68 = tpu.memref_slice %arg11[%dma_wait3A] : memref<400xf32, #tpu.memory_space<vmem>> -> memref<384xf32, #tpu.memory_space<vmem>>
        %dma_wait3A_69 = arith.constant 0 : i32
        %dma_wait3A_70 = tpu.memref_slice %arg5[%add3A_52, %dma_wait3A_69] : memref<834x384xf32, #tpu.memory_space<hbm>> -> memref<1x384xf32, #tpu.memory_space<hbm>>
        %dma_wait3A_71 = tpu.memref_squeeze %dma_wait3A_70 : memref<1x384xf32, #tpu.memory_space<hbm>> -> memref<384xf32, #tpu.memory_space<hbm>>
        %dma_wait3A_72 = arith.constant 0 : i32
        %dma_wait3A_73 = tpu.memref_slice %arg11[%dma_wait3A_72] : memref<400xf32, #tpu.memory_space<vmem>> -> memref<384xf32, #tpu.memory_space<vmem>>
        %dma_wait3A_74 = arith.constant 0 : i32
        %dma_wait3A_75 = tpu.memref_slice %arg5[%add3A_52, %dma_wait3A_74] : memref<834x384xf32, #tpu.memory_space<hbm>> -> memref<1x384xf32, #tpu.memory_space<hbm>>
        %dma_wait3A_76 = tpu.memref_squeeze %dma_wait3A_75 : memref<1x384xf32, #tpu.memory_space<hbm>> -> memref<384xf32, #tpu.memory_space<hbm>>
        tpu.wait_dma2 semaphore(%run_scoped3A : memref<!tpu.dma_semaphore, #tpu.memory_space<semaphore_mem>>) src(%dma_wait3A_76 : memref<384xf32, #tpu.memory_space<hbm>>) dst(%dma_wait3A_73 : memref<384xf32, #tpu.memory_space<vmem>>)
        tpu.yield
      }) : () -> ()
      "tpu.region"() ({
        %run_scoped3A = tpu.sem_alloc : memref<!tpu.dma_semaphore, #tpu.memory_space<semaphore_mem>>
        %dma_start3A = arith.constant 0 : i32
        %dma_start3A_59 = arith.constant 0 : i32
        %dma_start3A_60 = tpu.memref_slice %arg2[%dma_start3A, %dma_start3A_59] : memref<10000x128xf32, #tpu.memory_space<hbm>> -> memref<10000x128xf32, #tpu.memory_space<hbm>>
        tpu.enqueue_indirect_dma source(%dma_start3A_60 : memref<10000x128xf32, #tpu.memory_space<hbm>>) target(%arg8 : memref<384x128xf32, #tpu.memory_space<vmem>>) offsets(%arg9 : memref<384xi32, #tpu.memory_space<vmem>>) semaphore(%run_scoped3A : memref<!tpu.dma_semaphore, #tpu.memory_space<semaphore_mem>>)
        %dma_wait3A = arith.constant 0 : i32
        %dma_wait3A_61 = arith.constant 0 : i32
        %dma_wait3A_62 = tpu.memref_slice %arg2[%dma_wait3A, %dma_wait3A_61] : memref<10000x128xf32, #tpu.memory_space<hbm>> -> memref<10000x128xf32, #tpu.memory_space<hbm>>
        tpu.wait_indirect_dma semaphore(%run_scoped3A : memref<!tpu.dma_semaphore, #tpu.memory_space<semaphore_mem>>) src(%dma_wait3A_62 : memref<10000x128xf32, #tpu.memory_space<hbm>>) dst(%arg8 : memref<384x128xf32, #tpu.memory_space<vmem>>)
        tpu.yield
      }) : () -> ()
      %scan3A_53 = arith.constant 0 : i32
      %scan3A_54 = arith.constant 0 : i32
      %scan3A_55 = arith.constant 384 : i32
      %scan3A_56 = arith.addi %scan3A_54, %scan3A_55 : i32
      %scan3A_57 = arith.constant 1 : i32
      scf.for %scan3A_59 = %scan3A_54 to %scan3A_56 step %scan3A_57  : i32 {
        %get3A = arith.index_cast %scan3A_59 : i32 to index
        %get3A_60 = tpu.vector_load %arg11[%get3A] {strides = array<i32>} : memref<400xf32, #tpu.memory_space<vmem>>, vector<16xf32>,
        %get3A_61 = vector.shape_cast %get3A_60 : vector<16xf32> to vector<16xf32>
        %slice3A = vector.extract_strided_slice %get3A_61 {offsets = [0], sizes = [1], strides = [1]} : vector<16xf32> to vector<1xf32>
        %squeeze3A = vector.extract %slice3A[0] : f32 from vector<1xf32>
        %get3A_62 = arith.index_cast %scan3A_59 : i32 to index
        %get3A_63 = arith.constant 0 : index
        %get3A_64 = tpu.vector_load %arg8[%get3A_62, %get3A_63] {strides = array<i32>} : memref<384x128xf32, #tpu.memory_space<vmem>>, vector<1x16xf32>,
        %get3A_65 = vector.shape_cast %get3A_64 : vector<1x16xf32> to vector<16xf32>
        %mul3A_66 = vector.broadcast %squeeze3A : f32 to vector<16xf32>
        %mul3A_67 = arith.mulf %get3A_65, %mul3A_66 : vector<16xf32>
        %swap3A = arith.index_cast %scan3A_59 : i32 to index
        %swap3A_68 = arith.constant 0 : index
        %swap3A_69 = tpu.vector_load %arg8[%swap3A, %swap3A_68] {strides = array<i32>} : memref<384x128xf32, #tpu.memory_space<vmem>>, vector<1x16xf32>,
        %swap3A_70 = vector.shape_cast %swap3A_69 : vector<1x16xf32> to vector<16xf32>
        %swap3A_71 = vector.shape_cast %mul3A_67 : vector<16xf32> to vector<1x16xf32>
        tpu.vector_store %arg8[%swap3A, %swap3A_68], %swap3A_71 {strides = array<i32>} : memref<384x128xf32, #tpu.memory_space<vmem>>, vector<1x16xf32>,
        %get3A_72 = arith.index_cast %scan3A_59 : i32 to index
        %get3A_73 = arith.constant 16 : index
        %get3A_74 = tpu.vector_load %arg8[%get3A_72, %get3A_73] {strides = array<i32>} : memref<384x128xf32, #tpu.memory_space<vmem>>, vector<1x16xf32>,
        %get3A_75 = vector.shape_cast %get3A_74 : vector<1x16xf32> to vector<16xf32>
        %mul3A_76 = vector.broadcast %squeeze3A : f32 to vector<16xf32>
        %mul3A_77 = arith.mulf %get3A_75, %mul3A_76 : vector<16xf32>
        %swap3A_78 = arith.index_cast %scan3A_59 : i32 to index
        %swap3A_79 = arith.constant 16 : index
        %swap3A_80 = tpu.vector_load %arg8[%swap3A_78, %swap3A_79] {strides = array<i32>} : memref<384x128xf32, #tpu.memory_space<vmem>>, vector<1x16xf32>,
        %swap3A_81 = vector.shape_cast %swap3A_80 : vector<1x16xf32> to vector<16xf32>
        %swap3A_82 = vector.shape_cast %mul3A_77 : vector<16xf32> to vector<1x16xf32>
        tpu.vector_store %arg8[%swap3A_78, %swap3A_79], %swap3A_82 {strides = array<i32>} : memref<384x128xf32, #tpu.memory_space<vmem>>, vector<1x16xf32>,
        %get3A_83 = arith.index_cast %scan3A_59 : i32 to index
        %get3A_84 = arith.constant 32 : index
        %get3A_85 = tpu.vector_load %arg8[%get3A_83, %get3A_84] {strides = array<i32>} : memref<384x128xf32, #tpu.memory_space<vmem>>, vector<1x16xf32>,
        %get3A_86 = vector.shape_cast %get3A_85 : vector<1x16xf32> to vector<16xf32>
        %mul3A_87 = vector.broadcast %squeeze3A : f32 to vector<16xf32>
        %mul3A_88 = arith.mulf %get3A_86, %mul3A_87 : vector<16xf32>
        %swap3A_89 = arith.index_cast %scan3A_59 : i32 to index
        %swap3A_90 = arith.constant 32 : index
        %swap3A_91 = tpu.vector_load %arg8[%swap3A_89, %swap3A_90] {strides = array<i32>} : memref<384x128xf32, #tpu.memory_space<vmem>>, vector<1x16xf32>,
        %swap3A_92 = vector.shape_cast %swap3A_91 : vector<1x16xf32> to vector<16xf32>
        %swap3A_93 = vector.shape_cast %mul3A_88 : vector<16xf32> to vector<1x16xf32>
        tpu.vector_store %arg8[%swap3A_89, %swap3A_90], %swap3A_93 {strides = array<i32>} : memref<384x128xf32, #tpu.memory_space<vmem>>, vector<1x16xf32>,
        %get3A_94 = arith.index_cast %scan3A_59 : i32 to index
        %get3A_95 = arith.constant 48 : index
        %get3A_96 = tpu.vector_load %arg8[%get3A_94, %get3A_95] {strides = array<i32>} : memref<384x128xf32, #tpu.memory_space<vmem>>, vector<1x16xf32>,
        %get3A_97 = vector.shape_cast %get3A_96 : vector<1x16xf32> to vector<16xf32>
        %mul3A_98 = vector.broadcast %squeeze3A : f32 to vector<16xf32>
        %mul3A_99 = arith.mulf %get3A_97, %mul3A_98 : vector<16xf32>
        %swap3A_100 = arith.index_cast %scan3A_59 : i32 to index
        %swap3A_101 = arith.constant 48 : index
        %swap3A_102 = tpu.vector_load %arg8[%swap3A_100, %swap3A_101] {strides = array<i32>} : memref<384x128xf32, #tpu.memory_space<vmem>>, vector<1x16xf32>,
        %swap3A_103 = vector.shape_cast %swap3A_102 : vector<1x16xf32> to vector<16xf32>
        %swap3A_104 = vector.shape_cast %mul3A_99 : vector<16xf32> to vector<1x16xf32>
        tpu.vector_store %arg8[%swap3A_100, %swap3A_101], %swap3A_104 {strides = array<i32>} : memref<384x128xf32, #tpu.memory_space<vmem>>, vector<1x16xf32>,
        %get3A_105 = arith.index_cast %scan3A_59 : i32 to index
        %get3A_106 = arith.constant 64 : index
        %get3A_107 = tpu.vector_load %arg8[%get3A_105, %get3A_106] {strides = array<i32>} : memref<384x128xf32, #tpu.memory_space<vmem>>, vector<1x16xf32>,
        %get3A_108 = vector.shape_cast %get3A_107 : vector<1x16xf32> to vector<16xf32>
        %mul3A_109 = vector.broadcast %squeeze3A : f32 to vector<16xf32>
        %mul3A_110 = arith.mulf %get3A_108, %mul3A_109 : vector<16xf32>
        %swap3A_111 = arith.index_cast %scan3A_59 : i32 to index
        %swap3A_112 = arith.constant 64 : index
        %swap3A_113 = tpu.vector_load %arg8[%swap3A_111, %swap3A_112] {strides = array<i32>} : memref<384x128xf32, #tpu.memory_space<vmem>>, vector<1x16xf32>,
        %swap3A_114 = vector.shape_cast %swap3A_113 : vector<1x16xf32> to vector<16xf32>
        %swap3A_115 = vector.shape_cast %mul3A_110 : vector<16xf32> to vector<1x16xf32>
        tpu.vector_store %arg8[%swap3A_111, %swap3A_112], %swap3A_115 {strides = array<i32>} : memref<384x128xf32, #tpu.memory_space<vmem>>, vector<1x16xf32>,
        %get3A_116 = arith.index_cast %scan3A_59 : i32 to index
        %get3A_117 = arith.constant 80 : index
        %get3A_118 = tpu.vector_load %arg8[%get3A_116, %get3A_117] {strides = array<i32>} : memref<384x128xf32, #tpu.memory_space<vmem>>, vector<1x16xf32>,
        %get3A_119 = vector.shape_cast %get3A_118 : vector<1x16xf32> to vector<16xf32>
        %mul3A_120 = vector.broadcast %squeeze3A : f32 to vector<16xf32>
        %mul3A_121 = arith.mulf %get3A_119, %mul3A_120 : vector<16xf32>
        %swap3A_122 = arith.index_cast %scan3A_59 : i32 to index
        %swap3A_123 = arith.constant 80 : index
        %swap3A_124 = tpu.vector_load %arg8[%swap3A_122, %swap3A_123] {strides = array<i32>} : memref<384x128xf32, #tpu.memory_space<vmem>>, vector<1x16xf32>,
        %swap3A_125 = vector.shape_cast %swap3A_124 : vector<1x16xf32> to vector<16xf32>
        %swap3A_126 = vector.shape_cast %mul3A_121 : vector<16xf32> to vector<1x16xf32>
        tpu.vector_store %arg8[%swap3A_122, %swap3A_123], %swap3A_126 {strides = array<i32>} : memref<384x128xf32, #tpu.memory_space<vmem>>, vector<1x16xf32>,
        %get3A_127 = arith.index_cast %scan3A_59 : i32 to index
        %get3A_128 = arith.constant 96 : index
        %get3A_129 = tpu.vector_load %arg8[%get3A_127, %get3A_128] {strides = array<i32>} : memref<384x128xf32, #tpu.memory_space<vmem>>, vector<1x16xf32>,
        %get3A_130 = vector.shape_cast %get3A_129 : vector<1x16xf32> to vector<16xf32>
        %mul3A_131 = vector.broadcast %squeeze3A : f32 to vector<16xf32>
        %mul3A_132 = arith.mulf %get3A_130, %mul3A_131 : vector<16xf32>
        %swap3A_133 = arith.index_cast %scan3A_59 : i32 to index
        %swap3A_134 = arith.constant 96 : index
        %swap3A_135 = tpu.vector_load %arg8[%swap3A_133, %swap3A_134] {strides = array<i32>} : memref<384x128xf32, #tpu.memory_space<vmem>>, vector<1x16xf32>,
        %swap3A_136 = vector.shape_cast %swap3A_135 : vector<1x16xf32> to vector<16xf32>
        %swap3A_137 = vector.shape_cast %mul3A_132 : vector<16xf32> to vector<1x16xf32>
        tpu.vector_store %arg8[%swap3A_133, %swap3A_134], %swap3A_137 {strides = array<i32>} : memref<384x128xf32, #tpu.memory_space<vmem>>, vector<1x16xf32>,
        %get3A_138 = arith.index_cast %scan3A_59 : i32 to index
        %get3A_139 = arith.constant 112 : index
        %get3A_140 = tpu.vector_load %arg8[%get3A_138, %get3A_139] {strides = array<i32>} : memref<384x128xf32, #tpu.memory_space<vmem>>, vector<1x16xf32>,
        %get3A_141 = vector.shape_cast %get3A_140 : vector<1x16xf32> to vector<16xf32>
        %mul3A_142 = vector.broadcast %squeeze3A : f32 to vector<16xf32>
        %mul3A_143 = arith.mulf %get3A_141, %mul3A_142 : vector<16xf32>
        %swap3A_144 = arith.index_cast %scan3A_59 : i32 to index
        %swap3A_145 = arith.constant 112 : index
        %swap3A_146 = tpu.vector_load %arg8[%swap3A_144, %swap3A_145] {strides = array<i32>} : memref<384x128xf32, #tpu.memory_space<vmem>>, vector<1x16xf32>,
        %swap3A_147 = vector.shape_cast %swap3A_146 : vector<1x16xf32> to vector<16xf32>
        %swap3A_148 = vector.shape_cast %mul3A_143 : vector<16xf32> to vector<1x16xf32>
        tpu.vector_store %arg8[%swap3A_144, %swap3A_145], %swap3A_148 {strides = array<i32>} : memref<384x128xf32, #tpu.memory_space<vmem>>, vector<1x16xf32>,
      }
      %scan3A_58 = arith.constant 384 : i32
      "tpu.region"() ({
        %run_scoped3A = tpu.sem_alloc : memref<!tpu.dma_semaphore, #tpu.memory_space<semaphore_mem>>
        %dma_start3A = arith.constant 0 : i32
        %dma_start3A_59 = arith.constant 0 : i32
        %dma_start3A_60 = tpu.memref_slice %arg7[%dma_start3A, %dma_start3A_59] : memref<10000x128xf32, #tpu.memory_space<vmem_shared>> -> memref<10000x128xf32, #tpu.memory_space<vmem_shared>>
        tpu.enqueue_indirect_dma source(%arg8 : memref<384x128xf32, #tpu.memory_space<vmem>>) target(%dma_start3A_60 : memref<10000x128xf32, #tpu.memory_space<vmem_shared>>) offsets(%arg10 : memref<384xi32, #tpu.memory_space<vmem>>) semaphore(%run_scoped3A : memref<!tpu.dma_semaphore, #tpu.memory_space<semaphore_mem>>) {add = true}
        %dma_wait3A = arith.constant 0 : i32
        %dma_wait3A_61 = arith.constant 0 : i32
        %dma_wait3A_62 = tpu.memref_slice %arg7[%dma_wait3A, %dma_wait3A_61] : memref<10000x128xf32, #tpu.memory_space<vmem_shared>> -> memref<10000x128xf32, #tpu.memory_space<vmem_shared>>
        tpu.wait_indirect_dma semaphore(%run_scoped3A : memref<!tpu.dma_semaphore, #tpu.memory_space<semaphore_mem>>) src(%arg8 : memref<384x128xf32, #tpu.memory_space<vmem>>) dst(%dma_wait3A_62 : memref<10000x128xf32, #tpu.memory_space<vmem_shared>>)
        tpu.yield
      }) : () -> ()
    }
    %barrier3A_40 = arith.constant 0 : index
    tpu.barrier barrier_id(%barrier3A_40)
    %while3A_41 = arith.constant 0 : i32
    %while3A_42 = arith.constant 0 : i32
    %while3A_43 = arith.subi %select_n3A, %while3A_42 : i32
    %while3A_44 = arith.addi %while3A_42, %while3A_43 : i32
    %while3A_45 = arith.constant 1 : i32
    %while3A_46 = arith.divsi %while3A_43, %while3A_45 : i32
    %while3A_47 = arith.muli %while3A_46, %while3A_45 : i32
    %while3A_48 = arith.addi %while3A_42, %while3A_47 : i32
    %while3A_49 = arith.constant 1 : i32
    scf.for %while3A_51 = %while3A_42 to %while3A_48 step %while3A_49  : i32 {
      %mul3A_52 = arith.constant 80 : i32
      %mul3A_53 = arith.muli %while3A_51, %mul3A_52 : i32
      %add3A_54 = arith.addi %mul3A_7, %mul3A_53 : i32
      "tpu.region"() ({
        %run_scoped3A = tpu.sem_alloc : memref<!tpu.dma_semaphore, #tpu.memory_space<semaphore_mem>>
        %dma_start3A = arith.constant 0 : i32
        %dma_start3A_55 = tpu.memref_slice %arg6[%arg0, %add3A_54, %dma_start3A] : memref<2x10000x128xf32, #tpu.memory_space<hbm>> -> memref<1x80x128xf32, #tpu.memory_space<hbm>>
        %dma_start3A_56 = tpu.memref_squeeze %dma_start3A_55 : memref<1x80x128xf32, #tpu.memory_space<hbm>> -> memref<80x128xf32, #tpu.memory_space<hbm>>
        %dma_start3A_57 = arith.constant 0 : i32
        %dma_start3A_58 = tpu.memref_slice %arg7[%add3A_54, %dma_start3A_57] : memref<10000x128xf32, #tpu.memory_space<vmem_shared>> -> memref<80x128xf32, #tpu.memory_space<vmem_shared>>
        tpu.enqueue_dma source(%dma_start3A_58 : memref<80x128xf32, #tpu.memory_space<vmem_shared>>) target(%dma_start3A_56 : memref<80x128xf32, #tpu.memory_space<hbm>>) target_semaphore(%run_scoped3A : memref<!tpu.dma_semaphore, #tpu.memory_space<semaphore_mem>>)
        %dma_wait3A = arith.constant 0 : i32
        %dma_wait3A_59 = tpu.memref_slice %arg6[%arg0, %add3A_54, %dma_wait3A] : memref<2x10000x128xf32, #tpu.memory_space<hbm>> -> memref<1x80x128xf32, #tpu.memory_space<hbm>>
        %dma_wait3A_60 = tpu.memref_squeeze %dma_wait3A_59 : memref<1x80x128xf32, #tpu.memory_space<hbm>> -> memref<80x128xf32, #tpu.memory_space<hbm>>
        %dma_wait3A_61 = arith.constant 0 : i32
        %dma_wait3A_62 = tpu.memref_slice %arg7[%add3A_54, %dma_wait3A_61] : memref<10000x128xf32, #tpu.memory_space<vmem_shared>> -> memref<80x128xf32, #tpu.memory_space<vmem_shared>>
        tpu.wait_dma2 semaphore(%run_scoped3A : memref<!tpu.dma_semaphore, #tpu.memory_space<semaphore_mem>>) src(%dma_wait3A_62 : memref<80x128xf32, #tpu.memory_space<vmem_shared>>) dst(%dma_wait3A_60 : memref<80x128xf32, #tpu.memory_space<hbm>>)
        tpu.yield
      }) : () -> ()
    }
    %while3A_50 = arith.constant 1 : i32
    scf.for %while3A_51 = %while3A_48 to %while3A_44 step %while3A_50  : i32 {
      %mul3A_52 = arith.constant 80 : i32
      %mul3A_53 = arith.muli %while3A_51, %mul3A_52 : i32
      %add3A_54 = arith.addi %mul3A_7, %mul3A_53 : i32
      "tpu.region"() ({
        %run_scoped3A = tpu.sem_alloc : memref<!tpu.dma_semaphore, #tpu.memory_space<semaphore_mem>>
        %dma_start3A = arith.constant 0 : i32
        %dma_start3A_55 = tpu.memref_slice %arg6[%arg0, %add3A_54, %dma_start3A] : memref<2x10000x128xf32, #tpu.memory_space<hbm>> -> memref<1x80x128xf32, #tpu.memory_space<hbm>>
        %dma_start3A_56 = tpu.memref_squeeze %dma_start3A_55 : memref<1x80x128xf32, #tpu.memory_space<hbm>> -> memref<80x128xf32, #tpu.memory_space<hbm>>
        %dma_start3A_57 = arith.constant 0 : i32
        %dma_start3A_58 = tpu.memref_slice %arg7[%add3A_54, %dma_start3A_57] : memref<10000x128xf32, #tpu.memory_space<vmem_shared>> -> memref<80x128xf32, #tpu.memory_space<vmem_shared>>
        tpu.enqueue_dma source(%dma_start3A_58 : memref<80x128xf32, #tpu.memory_space<vmem_shared>>) target(%dma_start3A_56 : memref<80x128xf32, #tpu.memory_space<hbm>>) target_semaphore(%run_scoped3A : memref<!tpu.dma_semaphore, #tpu.memory_space<semaphore_mem>>)
        %dma_wait3A = arith.constant 0 : i32
        %dma_wait3A_59 = tpu.memref_slice %arg6[%arg0, %add3A_54, %dma_wait3A] : memref<2x10000x128xf32, #tpu.memory_space<hbm>> -> memref<1x80x128xf32, #tpu.memory_space<hbm>>
        %dma_wait3A_60 = tpu.memref_squeeze %dma_wait3A_59 : memref<1x80x128xf32, #tpu.memory_space<hbm>> -> memref<80x128xf32, #tpu.memory_space<hbm>>
        %dma_wait3A_61 = arith.constant 0 : i32
        %dma_wait3A_62 = tpu.memref_slice %arg7[%add3A_54, %dma_wait3A_61] : memref<10000x128xf32, #tpu.memory_space<vmem_shared>> -> memref<80x128xf32, #tpu.memory_space<vmem_shared>>
        tpu.wait_dma2 semaphore(%run_scoped3A : memref<!tpu.dma_semaphore, #tpu.memory_space<semaphore_mem>>) src(%dma_wait3A_62 : memref<80x128xf32, #tpu.memory_space<vmem_shared>>) dst(%dma_wait3A_60 : memref<80x128xf32, #tpu.memory_space<hbm>>)
        tpu.yield
      }) : () -> ()
    }
    return
  }
}

#map = affine_map<(d0, d1) -> (0, 0)>
#map1 = affine_map<(d0, d1) -> (0, 0, 0)>
module attributes {stable_mosaic.version = 14 : i64} {
  func.func @_layer_body(%arg0: i32, %arg1: i32, %arg2: memref<10000x128xf32, #tpu.memory_space<hbm>>, %arg3: memref<834x384xi32, #tpu.memory_space<hbm>>, %arg4: memref<834x384xi32, #tpu.memory_space<hbm>>, %arg5: memref<834x384xf32, #tpu.memory_space<hbm>>, %arg6: memref<2x10000x128xf32, #tpu.memory_space<hbm>>, %arg7: memref<10000x128xf32, #tpu.memory_space<vmem_shared>>, %arg8: memref<384x128xf32, #tpu.memory_space<vmem>>, %arg9: memref<384xi32, #tpu.memory_space<vmem>>, %arg10: memref<384xi32, #tpu.memory_space<vmem>>, %arg11: memref<400xf32, #tpu.memory_space<vmem>>) attributes {dimension_semantics = [#tpu.dimension_semantics<core_parallel>, #tpu.dimension_semantics<subcore_parallel>], iteration_bounds = array<i64: 2, 16>, scalar_prefetch = 0 : i64, scratch_operands = 5 : i64, tpu.core_type = #tpu.core_type<sc_vector_subcore>, window_params = [{transform_indices = #map}, {transform_indices = #map}, {transform_indices = #map}, {transform_indices = #map}, {transform_indices = #map1}]} {
    %mul3A = arith.constant 2 : i32
    %mul3A_0 = arith.muli %arg1, %mul3A : i32
    %add3A = arith.addi %mul3A_0, %arg0 : i32
    %scan3A = arith.constant 0 : i32
    %scan3A_1 = arith.constant 0 : i32
    %scan3A_2 = arith.constant 80 : i32
    %scan3A_3 = arith.addi %scan3A_1, %scan3A_2 : i32
    %scan3A_4 = arith.constant 1 : i32
    scf.for %scan3A_51 = %scan3A_1 to %scan3A_3 step %scan3A_4  : i32 {
      %broadcast_in_dim3A = arith.constant 0.000000e+00 : f32
      %broadcast_in_dim3A_52 = vector.broadcast %broadcast_in_dim3A : f32 to vector<16xf32>
      %swap3A = arith.index_cast %scan3A_51 : i32 to index
      %swap3A_53 = arith.constant 0 : index
      %swap3A_54 = tpu.vector_load %arg8[%swap3A, %swap3A_53] {strides = array<i32>} : memref<384x128xf32, #tpu.memory_space<vmem>>, vector<1x16xf32>,
      %swap3A_55 = vector.shape_cast %swap3A_54 : vector<1x16xf32> to vector<16xf32>
      %swap3A_56 = vector.shape_cast %broadcast_in_dim3A_52 : vector<16xf32> to vector<1x16xf32>
      tpu.vector_store %arg8[%swap3A, %swap3A_53], %swap3A_56 {strides = array<i32>} : memref<384x128xf32, #tpu.memory_space<vmem>>, vector<1x16xf32>,
      %broadcast_in_dim3A_57 = arith.constant 0.000000e+00 : f32
      %broadcast_in_dim3A_58 = vector.broadcast %broadcast_in_dim3A_57 : f32 to vector<16xf32>
      %swap3A_59 = arith.index_cast %scan3A_51 : i32 to index
      %swap3A_60 = arith.constant 16 : index
      %swap3A_61 = tpu.vector_load %arg8[%swap3A_59, %swap3A_60] {strides = array<i32>} : memref<384x128xf32, #tpu.memory_space<vmem>>, vector<1x16xf32>,
      %swap3A_62 = vector.shape_cast %swap3A_61 : vector<1x16xf32> to vector<16xf32>
      %swap3A_63 = vector.shape_cast %broadcast_in_dim3A_58 : vector<16xf32> to vector<1x16xf32>
      tpu.vector_store %arg8[%swap3A_59, %swap3A_60], %swap3A_63 {strides = array<i32>} : memref<384x128xf32, #tpu.memory_space<vmem>>, vector<1x16xf32>,
      %broadcast_in_dim3A_64 = arith.constant 0.000000e+00 : f32
      %broadcast_in_dim3A_65 = vector.broadcast %broadcast_in_dim3A_64 : f32 to vector<16xf32>
      %swap3A_66 = arith.index_cast %scan3A_51 : i32 to index
      %swap3A_67 = arith.constant 32 : index
      %swap3A_68 = tpu.vector_load %arg8[%swap3A_66, %swap3A_67] {strides = array<i32>} : memref<384x128xf32, #tpu.memory_space<vmem>>, vector<1x16xf32>,
      %swap3A_69 = vector.shape_cast %swap3A_68 : vector<1x16xf32> to vector<16xf32>
      %swap3A_70 = vector.shape_cast %broadcast_in_dim3A_65 : vector<16xf32> to vector<1x16xf32>
      tpu.vector_store %arg8[%swap3A_66, %swap3A_67], %swap3A_70 {strides = array<i32>} : memref<384x128xf32, #tpu.memory_space<vmem>>, vector<1x16xf32>,
      %broadcast_in_dim3A_71 = arith.constant 0.000000e+00 : f32
      %broadcast_in_dim3A_72 = vector.broadcast %broadcast_in_dim3A_71 : f32 to vector<16xf32>
      %swap3A_73 = arith.index_cast %scan3A_51 : i32 to index
      %swap3A_74 = arith.constant 48 : index
      %swap3A_75 = tpu.vector_load %arg8[%swap3A_73, %swap3A_74] {strides = array<i32>} : memref<384x128xf32, #tpu.memory_space<vmem>>, vector<1x16xf32>,
      %swap3A_76 = vector.shape_cast %swap3A_75 : vector<1x16xf32> to vector<16xf32>
      %swap3A_77 = vector.shape_cast %broadcast_in_dim3A_72 : vector<16xf32> to vector<1x16xf32>
      tpu.vector_store %arg8[%swap3A_73, %swap3A_74], %swap3A_77 {strides = array<i32>} : memref<384x128xf32, #tpu.memory_space<vmem>>, vector<1x16xf32>,
      %broadcast_in_dim3A_78 = arith.constant 0.000000e+00 : f32
      %broadcast_in_dim3A_79 = vector.broadcast %broadcast_in_dim3A_78 : f32 to vector<16xf32>
      %swap3A_80 = arith.index_cast %scan3A_51 : i32 to index
      %swap3A_81 = arith.constant 64 : index
      %swap3A_82 = tpu.vector_load %arg8[%swap3A_80, %swap3A_81] {strides = array<i32>} : memref<384x128xf32, #tpu.memory_space<vmem>>, vector<1x16xf32>,
      %swap3A_83 = vector.shape_cast %swap3A_82 : vector<1x16xf32> to vector<16xf32>
      %swap3A_84 = vector.shape_cast %broadcast_in_dim3A_79 : vector<16xf32> to vector<1x16xf32>
      tpu.vector_store %arg8[%swap3A_80, %swap3A_81], %swap3A_84 {strides = array<i32>} : memref<384x128xf32, #tpu.memory_space<vmem>>, vector<1x16xf32>,
      %broadcast_in_dim3A_85 = arith.constant 0.000000e+00 : f32
      %broadcast_in_dim3A_86 = vector.broadcast %broadcast_in_dim3A_85 : f32 to vector<16xf32>
      %swap3A_87 = arith.index_cast %scan3A_51 : i32 to index
      %swap3A_88 = arith.constant 80 : index
      %swap3A_89 = tpu.vector_load %arg8[%swap3A_87, %swap3A_88] {strides = array<i32>} : memref<384x128xf32, #tpu.memory_space<vmem>>, vector<1x16xf32>,
      %swap3A_90 = vector.shape_cast %swap3A_89 : vector<1x16xf32> to vector<16xf32>
      %swap3A_91 = vector.shape_cast %broadcast_in_dim3A_86 : vector<16xf32> to vector<1x16xf32>
      tpu.vector_store %arg8[%swap3A_87, %swap3A_88], %swap3A_91 {strides = array<i32>} : memref<384x128xf32, #tpu.memory_space<vmem>>, vector<1x16xf32>,
      %broadcast_in_dim3A_92 = arith.constant 0.000000e+00 : f32
      %broadcast_in_dim3A_93 = vector.broadcast %broadcast_in_dim3A_92 : f32 to vector<16xf32>
      %swap3A_94 = arith.index_cast %scan3A_51 : i32 to index
      %swap3A_95 = arith.constant 96 : index
      %swap3A_96 = tpu.vector_load %arg8[%swap3A_94, %swap3A_95] {strides = array<i32>} : memref<384x128xf32, #tpu.memory_space<vmem>>, vector<1x16xf32>,
      %swap3A_97 = vector.shape_cast %swap3A_96 : vector<1x16xf32> to vector<16xf32>
      %swap3A_98 = vector.shape_cast %broadcast_in_dim3A_93 : vector<16xf32> to vector<1x16xf32>
      tpu.vector_store %arg8[%swap3A_94, %swap3A_95], %swap3A_98 {strides = array<i32>} : memref<384x128xf32, #tpu.memory_space<vmem>>, vector<1x16xf32>,
      %broadcast_in_dim3A_99 = arith.constant 0.000000e+00 : f32
      %broadcast_in_dim3A_100 = vector.broadcast %broadcast_in_dim3A_99 : f32 to vector<16xf32>
      %swap3A_101 = arith.index_cast %scan3A_51 : i32 to index
      %swap3A_102 = arith.constant 112 : index
      %swap3A_103 = tpu.vector_load %arg8[%swap3A_101, %swap3A_102] {strides = array<i32>} : memref<384x128xf32, #tpu.memory_space<vmem>>, vector<1x16xf32>,
      %swap3A_104 = vector.shape_cast %swap3A_103 : vector<1x16xf32> to vector<16xf32>
      %swap3A_105 = vector.shape_cast %broadcast_in_dim3A_100 : vector<16xf32> to vector<1x16xf32>
      tpu.vector_store %arg8[%swap3A_101, %swap3A_102], %swap3A_105 {strides = array<i32>} : memref<384x128xf32, #tpu.memory_space<vmem>>, vector<1x16xf32>,
    }
    %scan3A_5 = arith.constant 80 : i32
    %mul3A_6 = arith.constant 640 : i32
    %mul3A_7 = arith.muli %arg1, %mul3A_6 : i32
    %lt3A = arith.constant 15 : i32
    %lt3A_8 = arith.cmpi slt, %arg1, %lt3A : i32
    %jit3A = arith.constant 8 : i32
    %jit3A_9 = arith.constant 5 : i32
    %select_n3A = arith.select %lt3A_8, %jit3A, %jit3A_9 : i32
    %while3A = arith.constant 0 : i32
    %while3A_10 = arith.constant 0 : i32
    %while3A_11 = arith.subi %select_n3A, %while3A_10 : i32
    %while3A_12 = arith.addi %while3A_10, %while3A_11 : i32
    %while3A_13 = arith.constant 1 : i32
    %while3A_14 = arith.divsi %while3A_11, %while3A_13 : i32
    %while3A_15 = arith.muli %while3A_14, %while3A_13 : i32
    %while3A_16 = arith.addi %while3A_10, %while3A_15 : i32
    %while3A_17 = arith.constant 1 : i32
    scf.for %while3A_51 = %while3A_10 to %while3A_16 step %while3A_17  : i32 {
      %mul3A_52 = arith.constant 80 : i32
      %mul3A_53 = arith.muli %while3A_51, %mul3A_52 : i32
      %add3A_54 = arith.addi %mul3A_7, %mul3A_53 : i32
      "tpu.region"() ({
        %run_scoped3A = tpu.sem_alloc : memref<!tpu.dma_semaphore, #tpu.memory_space<semaphore_mem>>
        %dma_start3A = arith.constant 0 : i32
        %dma_start3A_55 = arith.constant 0 : i32
        %dma_start3A_56 = tpu.memref_slice %arg8[%dma_start3A, %dma_start3A_55] : memref<384x128xf32, #tpu.memory_space<vmem>> -> memref<80x128xf32, #tpu.memory_space<vmem>>
        %dma_start3A_57 = arith.constant 0 : i32
        %dma_start3A_58 = tpu.memref_slice %arg7[%add3A_54, %dma_start3A_57] : memref<10000x128xf32, #tpu.memory_space<vmem_shared>> -> memref<80x128xf32, #tpu.memory_space<vmem_shared>>
        %dma_start3A_59 = arith.constant 0 : i32
        %dma_start3A_60 = tpu.memref_slice %arg7[%add3A_54, %dma_start3A_59] : memref<10000x128xf32, #tpu.memory_space<vmem_shared>> -> memref<80x128xf32, #tpu.memory_space<vmem_shared>>
        %dma_start3A_61 = arith.constant 0 : i32
        %dma_start3A_62 = arith.constant 0 : i32
        %dma_start3A_63 = tpu.memref_slice %arg8[%dma_start3A_61, %dma_start3A_62] : memref<384x128xf32, #tpu.memory_space<vmem>> -> memref<80x128xf32, #tpu.memory_space<vmem>>
        tpu.enqueue_dma source(%dma_start3A_63 : memref<80x128xf32, #tpu.memory_space<vmem>>) target(%dma_start3A_60 : memref<80x128xf32, #tpu.memory_space<vmem_shared>>) target_semaphore(%run_scoped3A : memref<!tpu.dma_semaphore, #tpu.memory_space<semaphore_mem>>)
        %dma_wait3A = arith.constant 0 : i32
        %dma_wait3A_64 = arith.constant 0 : i32
        %dma_wait3A_65 = tpu.memref_slice %arg8[%dma_wait3A, %dma_wait3A_64] : memref<384x128xf32, #tpu.memory_space<vmem>> -> memref<80x128xf32, #tpu.memory_space<vmem>>
        %dma_wait3A_66 = arith.constant 0 : i32
        %dma_wait3A_67 = tpu.memref_slice %arg7[%add3A_54, %dma_wait3A_66] : memref<10000x128xf32, #tpu.memory_space<vmem_shared>> -> memref<80x128xf32, #tpu.memory_space<vmem_shared>>
        %dma_wait3A_68 = arith.constant 0 : i32
        %dma_wait3A_69 = tpu.memref_slice %arg7[%add3A_54, %dma_wait3A_68] : memref<10000x128xf32, #tpu.memory_space<vmem_shared>> -> memref<80x128xf32, #tpu.memory_space<vmem_shared>>
        %dma_wait3A_70 = arith.constant 0 : i32
        %dma_wait3A_71 = arith.constant 0 : i32
        %dma_wait3A_72 = tpu.memref_slice %arg8[%dma_wait3A_70, %dma_wait3A_71] : memref<384x128xf32, #tpu.memory_space<vmem>> -> memref<80x128xf32, #tpu.memory_space<vmem>>
        tpu.wait_dma2 semaphore(%run_scoped3A : memref<!tpu.dma_semaphore, #tpu.memory_space<semaphore_mem>>) src(%dma_wait3A_72 : memref<80x128xf32, #tpu.memory_space<vmem>>) dst(%dma_wait3A_69 : memref<80x128xf32, #tpu.memory_space<vmem_shared>>)
        tpu.yield
      }) : () -> ()
    }
    %while3A_18 = arith.constant 1 : i32
    scf.for %while3A_51 = %while3A_16 to %while3A_12 step %while3A_18  : i32 {
      %mul3A_52 = arith.constant 80 : i32
      %mul3A_53 = arith.muli %while3A_51, %mul3A_52 : i32
      %add3A_54 = arith.addi %mul3A_7, %mul3A_53 : i32
      "tpu.region"() ({
        %run_scoped3A = tpu.sem_alloc : memref<!tpu.dma_semaphore, #tpu.memory_space<semaphore_mem>>
        %dma_start3A = arith.constant 0 : i32
        %dma_start3A_55 = arith.constant 0 : i32
        %dma_start3A_56 = tpu.memref_slice %arg8[%dma_start3A, %dma_start3A_55] : memref<384x128xf32, #tpu.memory_space<vmem>> -> memref<80x128xf32, #tpu.memory_space<vmem>>
        %dma_start3A_57 = arith.constant 0 : i32
        %dma_start3A_58 = tpu.memref_slice %arg7[%add3A_54, %dma_start3A_57] : memref<10000x128xf32, #tpu.memory_space<vmem_shared>> -> memref<80x128xf32, #tpu.memory_space<vmem_shared>>
        %dma_start3A_59 = arith.constant 0 : i32
        %dma_start3A_60 = tpu.memref_slice %arg7[%add3A_54, %dma_start3A_59] : memref<10000x128xf32, #tpu.memory_space<vmem_shared>> -> memref<80x128xf32, #tpu.memory_space<vmem_shared>>
        %dma_start3A_61 = arith.constant 0 : i32
        %dma_start3A_62 = arith.constant 0 : i32
        %dma_start3A_63 = tpu.memref_slice %arg8[%dma_start3A_61, %dma_start3A_62] : memref<384x128xf32, #tpu.memory_space<vmem>> -> memref<80x128xf32, #tpu.memory_space<vmem>>
        tpu.enqueue_dma source(%dma_start3A_63 : memref<80x128xf32, #tpu.memory_space<vmem>>) target(%dma_start3A_60 : memref<80x128xf32, #tpu.memory_space<vmem_shared>>) target_semaphore(%run_scoped3A : memref<!tpu.dma_semaphore, #tpu.memory_space<semaphore_mem>>)
        %dma_wait3A = arith.constant 0 : i32
        %dma_wait3A_64 = arith.constant 0 : i32
        %dma_wait3A_65 = tpu.memref_slice %arg8[%dma_wait3A, %dma_wait3A_64] : memref<384x128xf32, #tpu.memory_space<vmem>> -> memref<80x128xf32, #tpu.memory_space<vmem>>
        %dma_wait3A_66 = arith.constant 0 : i32
        %dma_wait3A_67 = tpu.memref_slice %arg7[%add3A_54, %dma_wait3A_66] : memref<10000x128xf32, #tpu.memory_space<vmem_shared>> -> memref<80x128xf32, #tpu.memory_space<vmem_shared>>
        %dma_wait3A_68 = arith.constant 0 : i32
        %dma_wait3A_69 = tpu.memref_slice %arg7[%add3A_54, %dma_wait3A_68] : memref<10000x128xf32, #tpu.memory_space<vmem_shared>> -> memref<80x128xf32, #tpu.memory_space<vmem_shared>>
        %dma_wait3A_70 = arith.constant 0 : i32
        %dma_wait3A_71 = arith.constant 0 : i32
        %dma_wait3A_72 = tpu.memref_slice %arg8[%dma_wait3A_70, %dma_wait3A_71] : memref<384x128xf32, #tpu.memory_space<vmem>> -> memref<80x128xf32, #tpu.memory_space<vmem>>
        tpu.wait_dma2 semaphore(%run_scoped3A : memref<!tpu.dma_semaphore, #tpu.memory_space<semaphore_mem>>) src(%dma_wait3A_72 : memref<80x128xf32, #tpu.memory_space<vmem>>) dst(%dma_wait3A_69 : memref<80x128xf32, #tpu.memory_space<vmem_shared>>)
        tpu.yield
      }) : () -> ()
    }
    %barrier3A = arith.constant 0 : index
    tpu.barrier barrier_id(%barrier3A)
    %lt3A_19 = arith.constant 2 : i32
    %lt3A_20 = arith.cmpi slt, %add3A, %lt3A_19 : i32
    %jit3A_21 = arith.constant 1 : i32
    %jit3A_22 = arith.constant 0 : i32
    %select_n3A_23 = arith.select %lt3A_20, %jit3A_21, %jit3A_22 : i32
    %add3A_24 = arith.constant 26 : i32
    %add3A_25 = arith.addi %add3A_24, %select_n3A_23 : i32
    %mul3A_26 = arith.constant 26 : i32
    %mul3A_27 = arith.muli %add3A, %mul3A_26 : i32
    %min3A = arith.constant 2 : i32
    %min3A_28 = arith.minsi %add3A, %min3A : i32
    %add3A_29 = arith.addi %mul3A_27, %min3A_28 : i32
    %while3A_30 = arith.constant 0 : i32
    %while3A_31 = arith.constant 0 : i32
    %while3A_32 = arith.subi %add3A_25, %while3A_31 : i32
    %while3A_33 = arith.addi %while3A_31, %while3A_32 : i32
    %while3A_34 = arith.constant 1 : i32
    %while3A_35 = arith.divsi %while3A_32, %while3A_34 : i32
    %while3A_36 = arith.muli %while3A_35, %while3A_34 : i32
    %while3A_37 = arith.addi %while3A_31, %while3A_36 : i32
    %while3A_38 = arith.constant 1 : i32
    scf.for %while3A_51 = %while3A_31 to %while3A_37 step %while3A_38  : i32 {
      %add3A_52 = arith.addi %add3A_29, %while3A_51 : i32
      "tpu.region"() ({
        %run_scoped3A = tpu.sem_alloc : memref<!tpu.dma_semaphore, #tpu.memory_space<semaphore_mem>>
        %dma_start3A = arith.constant 0 : i32
        %dma_start3A_59 = tpu.memref_slice %arg3[%add3A_52, %dma_start3A] : memref<834x384xi32, #tpu.memory_space<hbm>> -> memref<1x384xi32, #tpu.memory_space<hbm>>
        %dma_start3A_60 = tpu.memref_squeeze %dma_start3A_59 : memref<1x384xi32, #tpu.memory_space<hbm>> -> memref<384xi32, #tpu.memory_space<hbm>>
        %dma_start3A_61 = arith.constant 0 : i32
        %dma_start3A_62 = tpu.memref_slice %arg3[%add3A_52, %dma_start3A_61] : memref<834x384xi32, #tpu.memory_space<hbm>> -> memref<1x384xi32, #tpu.memory_space<hbm>>
        %dma_start3A_63 = tpu.memref_squeeze %dma_start3A_62 : memref<1x384xi32, #tpu.memory_space<hbm>> -> memref<384xi32, #tpu.memory_space<hbm>>
        tpu.enqueue_dma source(%dma_start3A_63 : memref<384xi32, #tpu.memory_space<hbm>>) target(%arg9 : memref<384xi32, #tpu.memory_space<vmem>>) target_semaphore(%run_scoped3A : memref<!tpu.dma_semaphore, #tpu.memory_space<semaphore_mem>>)
        %dma_wait3A = arith.constant 0 : i32
        %dma_wait3A_64 = tpu.memref_slice %arg3[%add3A_52, %dma_wait3A] : memref<834x384xi32, #tpu.memory_space<hbm>> -> memref<1x384xi32, #tpu.memory_space<hbm>>
        %dma_wait3A_65 = tpu.memref_squeeze %dma_wait3A_64 : memref<1x384xi32, #tpu.memory_space<hbm>> -> memref<384xi32, #tpu.memory_space<hbm>>
        %dma_wait3A_66 = arith.constant 0 : i32
        %dma_wait3A_67 = tpu.memref_slice %arg3[%add3A_52, %dma_wait3A_66] : memref<834x384xi32, #tpu.memory_space<hbm>> -> memref<1x384xi32, #tpu.memory_space<hbm>>
        %dma_wait3A_68 = tpu.memref_squeeze %dma_wait3A_67 : memref<1x384xi32, #tpu.memory_space<hbm>> -> memref<384xi32, #tpu.memory_space<hbm>>
        tpu.wait_dma2 semaphore(%run_scoped3A : memref<!tpu.dma_semaphore, #tpu.memory_space<semaphore_mem>>) src(%dma_wait3A_68 : memref<384xi32, #tpu.memory_space<hbm>>) dst(%arg9 : memref<384xi32, #tpu.memory_space<vmem>>)
        tpu.yield
      }) : () -> ()
      "tpu.region"() ({
        %run_scoped3A = tpu.sem_alloc : memref<!tpu.dma_semaphore, #tpu.memory_space<semaphore_mem>>
        %dma_start3A = arith.constant 0 : i32
        %dma_start3A_59 = tpu.memref_slice %arg4[%add3A_52, %dma_start3A] : memref<834x384xi32, #tpu.memory_space<hbm>> -> memref<1x384xi32, #tpu.memory_space<hbm>>
        %dma_start3A_60 = tpu.memref_squeeze %dma_start3A_59 : memref<1x384xi32, #tpu.memory_space<hbm>> -> memref<384xi32, #tpu.memory_space<hbm>>
        %dma_start3A_61 = arith.constant 0 : i32
        %dma_start3A_62 = tpu.memref_slice %arg4[%add3A_52, %dma_start3A_61] : memref<834x384xi32, #tpu.memory_space<hbm>> -> memref<1x384xi32, #tpu.memory_space<hbm>>
        %dma_start3A_63 = tpu.memref_squeeze %dma_start3A_62 : memref<1x384xi32, #tpu.memory_space<hbm>> -> memref<384xi32, #tpu.memory_space<hbm>>
        tpu.enqueue_dma source(%dma_start3A_63 : memref<384xi32, #tpu.memory_space<hbm>>) target(%arg10 : memref<384xi32, #tpu.memory_space<vmem>>) target_semaphore(%run_scoped3A : memref<!tpu.dma_semaphore, #tpu.memory_space<semaphore_mem>>)
        %dma_wait3A = arith.constant 0 : i32
        %dma_wait3A_64 = tpu.memref_slice %arg4[%add3A_52, %dma_wait3A] : memref<834x384xi32, #tpu.memory_space<hbm>> -> memref<1x384xi32, #tpu.memory_space<hbm>>
        %dma_wait3A_65 = tpu.memref_squeeze %dma_wait3A_64 : memref<1x384xi32, #tpu.memory_space<hbm>> -> memref<384xi32, #tpu.memory_space<hbm>>
        %dma_wait3A_66 = arith.constant 0 : i32
        %dma_wait3A_67 = tpu.memref_slice %arg4[%add3A_52, %dma_wait3A_66] : memref<834x384xi32, #tpu.memory_space<hbm>> -> memref<1x384xi32, #tpu.memory_space<hbm>>
        %dma_wait3A_68 = tpu.memref_squeeze %dma_wait3A_67 : memref<1x384xi32, #tpu.memory_space<hbm>> -> memref<384xi32, #tpu.memory_space<hbm>>
        tpu.wait_dma2 semaphore(%run_scoped3A : memref<!tpu.dma_semaphore, #tpu.memory_space<semaphore_mem>>) src(%dma_wait3A_68 : memref<384xi32, #tpu.memory_space<hbm>>) dst(%arg10 : memref<384xi32, #tpu.memory_space<vmem>>)
        tpu.yield
      }) : () -> ()
      "tpu.region"() ({
        %run_scoped3A = tpu.sem_alloc : memref<!tpu.dma_semaphore, #tpu.memory_space<semaphore_mem>>
        %dma_start3A = arith.constant 0 : i32
        %dma_start3A_59 = tpu.memref_slice %arg11[%dma_start3A] : memref<400xf32, #tpu.memory_space<vmem>> -> memref<384xf32, #tpu.memory_space<vmem>>
        %dma_start3A_60 = arith.constant 0 : i32
        %dma_start3A_61 = tpu.memref_slice %arg5[%add3A_52, %dma_start3A_60] : memref<834x384xf32, #tpu.memory_space<hbm>> -> memref<1x384xf32, #tpu.memory_space<hbm>>
        %dma_start3A_62 = tpu.memref_squeeze %dma_start3A_61 : memref<1x384xf32, #tpu.memory_space<hbm>> -> memref<384xf32, #tpu.memory_space<hbm>>
        %dma_start3A_63 = arith.constant 0 : i32
        %dma_start3A_64 = tpu.memref_slice %arg11[%dma_start3A_63] : memref<400xf32, #tpu.memory_space<vmem>> -> memref<384xf32, #tpu.memory_space<vmem>>
        %dma_start3A_65 = arith.constant 0 : i32
        %dma_start3A_66 = tpu.memref_slice %arg5[%add3A_52, %dma_start3A_65] : memref<834x384xf32, #tpu.memory_space<hbm>> -> memref<1x384xf32, #tpu.memory_space<hbm>>
        %dma_start3A_67 = tpu.memref_squeeze %dma_start3A_66 : memref<1x384xf32, #tpu.memory_space<hbm>> -> memref<384xf32, #tpu.memory_space<hbm>>
        tpu.enqueue_dma source(%dma_start3A_67 : memref<384xf32, #tpu.memory_space<hbm>>) target(%dma_start3A_64 : memref<384xf32, #tpu.memory_space<vmem>>) target_semaphore(%run_scoped3A : memref<!tpu.dma_semaphore, #tpu.memory_space<semaphore_mem>>)
        %dma_wait3A = arith.constant 0 : i32
        %dma_wait3A_68 = tpu.memref_slice %arg11[%dma_wait3A] : memref<400xf32, #tpu.memory_space<vmem>> -> memref<384xf32, #tpu.memory_space<vmem>>
        %dma_wait3A_69 = arith.constant 0 : i32
        %dma_wait3A_70 = tpu.memref_slice %arg5[%add3A_52, %dma_wait3A_69] : memref<834x384xf32, #tpu.memory_space<hbm>> -> memref<1x384xf32, #tpu.memory_space<hbm>>
        %dma_wait3A_71 = tpu.memref_squeeze %dma_wait3A_70 : memref<1x384xf32, #tpu.memory_space<hbm>> -> memref<384xf32, #tpu.memory_space<hbm>>
        %dma_wait3A_72 = arith.constant 0 : i32
        %dma_wait3A_73 = tpu.memref_slice %arg11[%dma_wait3A_72] : memref<400xf32, #tpu.memory_space<vmem>> -> memref<384xf32, #tpu.memory_space<vmem>>
        %dma_wait3A_74 = arith.constant 0 : i32
        %dma_wait3A_75 = tpu.memref_slice %arg5[%add3A_52, %dma_wait3A_74] : memref<834x384xf32, #tpu.memory_space<hbm>> -> memref<1x384xf32, #tpu.memory_space<hbm>>
        %dma_wait3A_76 = tpu.memref_squeeze %dma_wait3A_75 : memref<1x384xf32, #tpu.memory_space<hbm>> -> memref<384xf32, #tpu.memory_space<hbm>>
        tpu.wait_dma2 semaphore(%run_scoped3A : memref<!tpu.dma_semaphore, #tpu.memory_space<semaphore_mem>>) src(%dma_wait3A_76 : memref<384xf32, #tpu.memory_space<hbm>>) dst(%dma_wait3A_73 : memref<384xf32, #tpu.memory_space<vmem>>)
        tpu.yield
      }) : () -> ()
      "tpu.region"() ({
        %run_scoped3A = tpu.sem_alloc : memref<!tpu.dma_semaphore, #tpu.memory_space<semaphore_mem>>
        %dma_start3A = arith.constant 0 : i32
        %dma_start3A_59 = arith.constant 0 : i32
        %dma_start3A_60 = tpu.memref_slice %arg2[%dma_start3A, %dma_start3A_59] : memref<10000x128xf32, #tpu.memory_space<hbm>> -> memref<10000x128xf32, #tpu.memory_space<hbm>>
        tpu.enqueue_indirect_dma source(%dma_start3A_60 : memref<10000x128xf32, #tpu.memory_space<hbm>>) target(%arg8 : memref<384x128xf32, #tpu.memory_space<vmem>>) offsets(%arg9 : memref<384xi32, #tpu.memory_space<vmem>>) semaphore(%run_scoped3A : memref<!tpu.dma_semaphore, #tpu.memory_space<semaphore_mem>>)
        %dma_wait3A = arith.constant 0 : i32
        %dma_wait3A_61 = arith.constant 0 : i32
        %dma_wait3A_62 = tpu.memref_slice %arg2[%dma_wait3A, %dma_wait3A_61] : memref<10000x128xf32, #tpu.memory_space<hbm>> -> memref<10000x128xf32, #tpu.memory_space<hbm>>
        tpu.wait_indirect_dma semaphore(%run_scoped3A : memref<!tpu.dma_semaphore, #tpu.memory_space<semaphore_mem>>) src(%dma_wait3A_62 : memref<10000x128xf32, #tpu.memory_space<hbm>>) dst(%arg8 : memref<384x128xf32, #tpu.memory_space<vmem>>)
        tpu.yield
      }) : () -> ()
      %scan3A_53 = arith.constant 0 : i32
      %scan3A_54 = arith.constant 0 : i32
      %scan3A_55 = arith.constant 384 : i32
      %scan3A_56 = arith.addi %scan3A_54, %scan3A_55 : i32
      %scan3A_57 = arith.constant 1 : i32
      scf.for %scan3A_59 = %scan3A_54 to %scan3A_56 step %scan3A_57  : i32 {
        %get3A = arith.index_cast %scan3A_59 : i32 to index
        %get3A_60 = tpu.vector_load %arg11[%get3A] {strides = array<i32>} : memref<400xf32, #tpu.memory_space<vmem>>, vector<16xf32>,
        %get3A_61 = vector.shape_cast %get3A_60 : vector<16xf32> to vector<16xf32>
        %slice3A = vector.extract_strided_slice %get3A_61 {offsets = [0], sizes = [1], strides = [1]} : vector<16xf32> to vector<1xf32>
        %squeeze3A = vector.extract %slice3A[0] : f32 from vector<1xf32>
        %get3A_62 = arith.index_cast %scan3A_59 : i32 to index
        %get3A_63 = arith.constant 0 : index
        %get3A_64 = tpu.vector_load %arg8[%get3A_62, %get3A_63] {strides = array<i32>} : memref<384x128xf32, #tpu.memory_space<vmem>>, vector<1x16xf32>,
        %get3A_65 = vector.shape_cast %get3A_64 : vector<1x16xf32> to vector<16xf32>
        %mul3A_66 = vector.broadcast %squeeze3A : f32 to vector<16xf32>
        %mul3A_67 = arith.mulf %get3A_65, %mul3A_66 : vector<16xf32>
        %swap3A = arith.index_cast %scan3A_59 : i32 to index
        %swap3A_68 = arith.constant 0 : index
        %swap3A_69 = tpu.vector_load %arg8[%swap3A, %swap3A_68] {strides = array<i32>} : memref<384x128xf32, #tpu.memory_space<vmem>>, vector<1x16xf32>,
        %swap3A_70 = vector.shape_cast %swap3A_69 : vector<1x16xf32> to vector<16xf32>
        %swap3A_71 = vector.shape_cast %mul3A_67 : vector<16xf32> to vector<1x16xf32>
        tpu.vector_store %arg8[%swap3A, %swap3A_68], %swap3A_71 {strides = array<i32>} : memref<384x128xf32, #tpu.memory_space<vmem>>, vector<1x16xf32>,
        %get3A_72 = arith.index_cast %scan3A_59 : i32 to index
        %get3A_73 = arith.constant 16 : index
        %get3A_74 = tpu.vector_load %arg8[%get3A_72, %get3A_73] {strides = array<i32>} : memref<384x128xf32, #tpu.memory_space<vmem>>, vector<1x16xf32>,
        %get3A_75 = vector.shape_cast %get3A_74 : vector<1x16xf32> to vector<16xf32>
        %mul3A_76 = vector.broadcast %squeeze3A : f32 to vector<16xf32>
        %mul3A_77 = arith.mulf %get3A_75, %mul3A_76 : vector<16xf32>
        %swap3A_78 = arith.index_cast %scan3A_59 : i32 to index
        %swap3A_79 = arith.constant 16 : index
        %swap3A_80 = tpu.vector_load %arg8[%swap3A_78, %swap3A_79] {strides = array<i32>} : memref<384x128xf32, #tpu.memory_space<vmem>>, vector<1x16xf32>,
        %swap3A_81 = vector.shape_cast %swap3A_80 : vector<1x16xf32> to vector<16xf32>
        %swap3A_82 = vector.shape_cast %mul3A_77 : vector<16xf32> to vector<1x16xf32>
        tpu.vector_store %arg8[%swap3A_78, %swap3A_79], %swap3A_82 {strides = array<i32>} : memref<384x128xf32, #tpu.memory_space<vmem>>, vector<1x16xf32>,
        %get3A_83 = arith.index_cast %scan3A_59 : i32 to index
        %get3A_84 = arith.constant 32 : index
        %get3A_85 = tpu.vector_load %arg8[%get3A_83, %get3A_84] {strides = array<i32>} : memref<384x128xf32, #tpu.memory_space<vmem>>, vector<1x16xf32>,
        %get3A_86 = vector.shape_cast %get3A_85 : vector<1x16xf32> to vector<16xf32>
        %mul3A_87 = vector.broadcast %squeeze3A : f32 to vector<16xf32>
        %mul3A_88 = arith.mulf %get3A_86, %mul3A_87 : vector<16xf32>
        %swap3A_89 = arith.index_cast %scan3A_59 : i32 to index
        %swap3A_90 = arith.constant 32 : index
        %swap3A_91 = tpu.vector_load %arg8[%swap3A_89, %swap3A_90] {strides = array<i32>} : memref<384x128xf32, #tpu.memory_space<vmem>>, vector<1x16xf32>,
        %swap3A_92 = vector.shape_cast %swap3A_91 : vector<1x16xf32> to vector<16xf32>
        %swap3A_93 = vector.shape_cast %mul3A_88 : vector<16xf32> to vector<1x16xf32>
        tpu.vector_store %arg8[%swap3A_89, %swap3A_90], %swap3A_93 {strides = array<i32>} : memref<384x128xf32, #tpu.memory_space<vmem>>, vector<1x16xf32>,
        %get3A_94 = arith.index_cast %scan3A_59 : i32 to index
        %get3A_95 = arith.constant 48 : index
        %get3A_96 = tpu.vector_load %arg8[%get3A_94, %get3A_95] {strides = array<i32>} : memref<384x128xf32, #tpu.memory_space<vmem>>, vector<1x16xf32>,
        %get3A_97 = vector.shape_cast %get3A_96 : vector<1x16xf32> to vector<16xf32>
        %mul3A_98 = vector.broadcast %squeeze3A : f32 to vector<16xf32>
        %mul3A_99 = arith.mulf %get3A_97, %mul3A_98 : vector<16xf32>
        %swap3A_100 = arith.index_cast %scan3A_59 : i32 to index
        %swap3A_101 = arith.constant 48 : index
        %swap3A_102 = tpu.vector_load %arg8[%swap3A_100, %swap3A_101] {strides = array<i32>} : memref<384x128xf32, #tpu.memory_space<vmem>>, vector<1x16xf32>,
        %swap3A_103 = vector.shape_cast %swap3A_102 : vector<1x16xf32> to vector<16xf32>
        %swap3A_104 = vector.shape_cast %mul3A_99 : vector<16xf32> to vector<1x16xf32>
        tpu.vector_store %arg8[%swap3A_100, %swap3A_101], %swap3A_104 {strides = array<i32>} : memref<384x128xf32, #tpu.memory_space<vmem>>, vector<1x16xf32>,
        %get3A_105 = arith.index_cast %scan3A_59 : i32 to index
        %get3A_106 = arith.constant 64 : index
        %get3A_107 = tpu.vector_load %arg8[%get3A_105, %get3A_106] {strides = array<i32>} : memref<384x128xf32, #tpu.memory_space<vmem>>, vector<1x16xf32>,
        %get3A_108 = vector.shape_cast %get3A_107 : vector<1x16xf32> to vector<16xf32>
        %mul3A_109 = vector.broadcast %squeeze3A : f32 to vector<16xf32>
        %mul3A_110 = arith.mulf %get3A_108, %mul3A_109 : vector<16xf32>
        %swap3A_111 = arith.index_cast %scan3A_59 : i32 to index
        %swap3A_112 = arith.constant 64 : index
        %swap3A_113 = tpu.vector_load %arg8[%swap3A_111, %swap3A_112] {strides = array<i32>} : memref<384x128xf32, #tpu.memory_space<vmem>>, vector<1x16xf32>,
        %swap3A_114 = vector.shape_cast %swap3A_113 : vector<1x16xf32> to vector<16xf32>
        %swap3A_115 = vector.shape_cast %mul3A_110 : vector<16xf32> to vector<1x16xf32>
        tpu.vector_store %arg8[%swap3A_111, %swap3A_112], %swap3A_115 {strides = array<i32>} : memref<384x128xf32, #tpu.memory_space<vmem>>, vector<1x16xf32>,
        %get3A_116 = arith.index_cast %scan3A_59 : i32 to index
        %get3A_117 = arith.constant 80 : index
        %get3A_118 = tpu.vector_load %arg8[%get3A_116, %get3A_117] {strides = array<i32>} : memref<384x128xf32, #tpu.memory_space<vmem>>, vector<1x16xf32>,
        %get3A_119 = vector.shape_cast %get3A_118 : vector<1x16xf32> to vector<16xf32>
        %mul3A_120 = vector.broadcast %squeeze3A : f32 to vector<16xf32>
        %mul3A_121 = arith.mulf %get3A_119, %mul3A_120 : vector<16xf32>
        %swap3A_122 = arith.index_cast %scan3A_59 : i32 to index
        %swap3A_123 = arith.constant 80 : index
        %swap3A_124 = tpu.vector_load %arg8[%swap3A_122, %swap3A_123] {strides = array<i32>} : memref<384x128xf32, #tpu.memory_space<vmem>>, vector<1x16xf32>,
        %swap3A_125 = vector.shape_cast %swap3A_124 : vector<1x16xf32> to vector<16xf32>
        %swap3A_126 = vector.shape_cast %mul3A_121 : vector<16xf32> to vector<1x16xf32>
        tpu.vector_store %arg8[%swap3A_122, %swap3A_123], %swap3A_126 {strides = array<i32>} : memref<384x128xf32, #tpu.memory_space<vmem>>, vector<1x16xf32>,
        %get3A_127 = arith.index_cast %scan3A_59 : i32 to index
        %get3A_128 = arith.constant 96 : index
        %get3A_129 = tpu.vector_load %arg8[%get3A_127, %get3A_128] {strides = array<i32>} : memref<384x128xf32, #tpu.memory_space<vmem>>, vector<1x16xf32>,
        %get3A_130 = vector.shape_cast %get3A_129 : vector<1x16xf32> to vector<16xf32>
        %mul3A_131 = vector.broadcast %squeeze3A : f32 to vector<16xf32>
        %mul3A_132 = arith.mulf %get3A_130, %mul3A_131 : vector<16xf32>
        %swap3A_133 = arith.index_cast %scan3A_59 : i32 to index
        %swap3A_134 = arith.constant 96 : index
        %swap3A_135 = tpu.vector_load %arg8[%swap3A_133, %swap3A_134] {strides = array<i32>} : memref<384x128xf32, #tpu.memory_space<vmem>>, vector<1x16xf32>,
        %swap3A_136 = vector.shape_cast %swap3A_135 : vector<1x16xf32> to vector<16xf32>
        %swap3A_137 = vector.shape_cast %mul3A_132 : vector<16xf32> to vector<1x16xf32>
        tpu.vector_store %arg8[%swap3A_133, %swap3A_134], %swap3A_137 {strides = array<i32>} : memref<384x128xf32, #tpu.memory_space<vmem>>, vector<1x16xf32>,
        %get3A_138 = arith.index_cast %scan3A_59 : i32 to index
        %get3A_139 = arith.constant 112 : index
        %get3A_140 = tpu.vector_load %arg8[%get3A_138, %get3A_139] {strides = array<i32>} : memref<384x128xf32, #tpu.memory_space<vmem>>, vector<1x16xf32>,
        %get3A_141 = vector.shape_cast %get3A_140 : vector<1x16xf32> to vector<16xf32>
        %mul3A_142 = vector.broadcast %squeeze3A : f32 to vector<16xf32>
        %mul3A_143 = arith.mulf %get3A_141, %mul3A_142 : vector<16xf32>
        %swap3A_144 = arith.index_cast %scan3A_59 : i32 to index
        %swap3A_145 = arith.constant 112 : index
        %swap3A_146 = tpu.vector_load %arg8[%swap3A_144, %swap3A_145] {strides = array<i32>} : memref<384x128xf32, #tpu.memory_space<vmem>>, vector<1x16xf32>,
        %swap3A_147 = vector.shape_cast %swap3A_146 : vector<1x16xf32> to vector<16xf32>
        %swap3A_148 = vector.shape_cast %mul3A_143 : vector<16xf32> to vector<1x16xf32>
        tpu.vector_store %arg8[%swap3A_144, %swap3A_145], %swap3A_148 {strides = array<i32>} : memref<384x128xf32, #tpu.memory_space<vmem>>, vector<1x16xf32>,
      }
      %scan3A_58 = arith.constant 384 : i32
      "tpu.region"() ({
        %run_scoped3A = tpu.sem_alloc : memref<!tpu.dma_semaphore, #tpu.memory_space<semaphore_mem>>
        %dma_start3A = arith.constant 0 : i32
        %dma_start3A_59 = arith.constant 0 : i32
        %dma_start3A_60 = tpu.memref_slice %arg7[%dma_start3A, %dma_start3A_59] : memref<10000x128xf32, #tpu.memory_space<vmem_shared>> -> memref<10000x128xf32, #tpu.memory_space<vmem_shared>>
        tpu.enqueue_indirect_dma source(%arg8 : memref<384x128xf32, #tpu.memory_space<vmem>>) target(%dma_start3A_60 : memref<10000x128xf32, #tpu.memory_space<vmem_shared>>) offsets(%arg10 : memref<384xi32, #tpu.memory_space<vmem>>) semaphore(%run_scoped3A : memref<!tpu.dma_semaphore, #tpu.memory_space<semaphore_mem>>) {add = true}
        %dma_wait3A = arith.constant 0 : i32
        %dma_wait3A_61 = arith.constant 0 : i32
        %dma_wait3A_62 = tpu.memref_slice %arg7[%dma_wait3A, %dma_wait3A_61] : memref<10000x128xf32, #tpu.memory_space<vmem_shared>> -> memref<10000x128xf32, #tpu.memory_space<vmem_shared>>
        tpu.wait_indirect_dma semaphore(%run_scoped3A : memref<!tpu.dma_semaphore, #tpu.memory_space<semaphore_mem>>) src(%arg8 : memref<384x128xf32, #tpu.memory_space<vmem>>) dst(%dma_wait3A_62 : memref<10000x128xf32, #tpu.memory_space<vmem_shared>>)
        tpu.yield
      }) : () -> ()
    }
    %while3A_39 = arith.constant 1 : i32
    scf.for %while3A_51 = %while3A_37 to %while3A_33 step %while3A_39  : i32 {
      %add3A_52 = arith.addi %add3A_29, %while3A_51 : i32
      "tpu.region"() ({
        %run_scoped3A = tpu.sem_alloc : memref<!tpu.dma_semaphore, #tpu.memory_space<semaphore_mem>>
        %dma_start3A = arith.constant 0 : i32
        %dma_start3A_59 = tpu.memref_slice %arg3[%add3A_52, %dma_start3A] : memref<834x384xi32, #tpu.memory_space<hbm>> -> memref<1x384xi32, #tpu.memory_space<hbm>>
        %dma_start3A_60 = tpu.memref_squeeze %dma_start3A_59 : memref<1x384xi32, #tpu.memory_space<hbm>> -> memref<384xi32, #tpu.memory_space<hbm>>
        %dma_start3A_61 = arith.constant 0 : i32
        %dma_start3A_62 = tpu.memref_slice %arg3[%add3A_52, %dma_start3A_61] : memref<834x384xi32, #tpu.memory_space<hbm>> -> memref<1x384xi32, #tpu.memory_space<hbm>>
        %dma_start3A_63 = tpu.memref_squeeze %dma_start3A_62 : memref<1x384xi32, #tpu.memory_space<hbm>> -> memref<384xi32, #tpu.memory_space<hbm>>
        tpu.enqueue_dma source(%dma_start3A_63 : memref<384xi32, #tpu.memory_space<hbm>>) target(%arg9 : memref<384xi32, #tpu.memory_space<vmem>>) target_semaphore(%run_scoped3A : memref<!tpu.dma_semaphore, #tpu.memory_space<semaphore_mem>>)
        %dma_wait3A = arith.constant 0 : i32
        %dma_wait3A_64 = tpu.memref_slice %arg3[%add3A_52, %dma_wait3A] : memref<834x384xi32, #tpu.memory_space<hbm>> -> memref<1x384xi32, #tpu.memory_space<hbm>>
        %dma_wait3A_65 = tpu.memref_squeeze %dma_wait3A_64 : memref<1x384xi32, #tpu.memory_space<hbm>> -> memref<384xi32, #tpu.memory_space<hbm>>
        %dma_wait3A_66 = arith.constant 0 : i32
        %dma_wait3A_67 = tpu.memref_slice %arg3[%add3A_52, %dma_wait3A_66] : memref<834x384xi32, #tpu.memory_space<hbm>> -> memref<1x384xi32, #tpu.memory_space<hbm>>
        %dma_wait3A_68 = tpu.memref_squeeze %dma_wait3A_67 : memref<1x384xi32, #tpu.memory_space<hbm>> -> memref<384xi32, #tpu.memory_space<hbm>>
        tpu.wait_dma2 semaphore(%run_scoped3A : memref<!tpu.dma_semaphore, #tpu.memory_space<semaphore_mem>>) src(%dma_wait3A_68 : memref<384xi32, #tpu.memory_space<hbm>>) dst(%arg9 : memref<384xi32, #tpu.memory_space<vmem>>)
        tpu.yield
      }) : () -> ()
      "tpu.region"() ({
        %run_scoped3A = tpu.sem_alloc : memref<!tpu.dma_semaphore, #tpu.memory_space<semaphore_mem>>
        %dma_start3A = arith.constant 0 : i32
        %dma_start3A_59 = tpu.memref_slice %arg4[%add3A_52, %dma_start3A] : memref<834x384xi32, #tpu.memory_space<hbm>> -> memref<1x384xi32, #tpu.memory_space<hbm>>
        %dma_start3A_60 = tpu.memref_squeeze %dma_start3A_59 : memref<1x384xi32, #tpu.memory_space<hbm>> -> memref<384xi32, #tpu.memory_space<hbm>>
        %dma_start3A_61 = arith.constant 0 : i32
        %dma_start3A_62 = tpu.memref_slice %arg4[%add3A_52, %dma_start3A_61] : memref<834x384xi32, #tpu.memory_space<hbm>> -> memref<1x384xi32, #tpu.memory_space<hbm>>
        %dma_start3A_63 = tpu.memref_squeeze %dma_start3A_62 : memref<1x384xi32, #tpu.memory_space<hbm>> -> memref<384xi32, #tpu.memory_space<hbm>>
        tpu.enqueue_dma source(%dma_start3A_63 : memref<384xi32, #tpu.memory_space<hbm>>) target(%arg10 : memref<384xi32, #tpu.memory_space<vmem>>) target_semaphore(%run_scoped3A : memref<!tpu.dma_semaphore, #tpu.memory_space<semaphore_mem>>)
        %dma_wait3A = arith.constant 0 : i32
        %dma_wait3A_64 = tpu.memref_slice %arg4[%add3A_52, %dma_wait3A] : memref<834x384xi32, #tpu.memory_space<hbm>> -> memref<1x384xi32, #tpu.memory_space<hbm>>
        %dma_wait3A_65 = tpu.memref_squeeze %dma_wait3A_64 : memref<1x384xi32, #tpu.memory_space<hbm>> -> memref<384xi32, #tpu.memory_space<hbm>>
        %dma_wait3A_66 = arith.constant 0 : i32
        %dma_wait3A_67 = tpu.memref_slice %arg4[%add3A_52, %dma_wait3A_66] : memref<834x384xi32, #tpu.memory_space<hbm>> -> memref<1x384xi32, #tpu.memory_space<hbm>>
        %dma_wait3A_68 = tpu.memref_squeeze %dma_wait3A_67 : memref<1x384xi32, #tpu.memory_space<hbm>> -> memref<384xi32, #tpu.memory_space<hbm>>
        tpu.wait_dma2 semaphore(%run_scoped3A : memref<!tpu.dma_semaphore, #tpu.memory_space<semaphore_mem>>) src(%dma_wait3A_68 : memref<384xi32, #tpu.memory_space<hbm>>) dst(%arg10 : memref<384xi32, #tpu.memory_space<vmem>>)
        tpu.yield
      }) : () -> ()
      "tpu.region"() ({
        %run_scoped3A = tpu.sem_alloc : memref<!tpu.dma_semaphore, #tpu.memory_space<semaphore_mem>>
        %dma_start3A = arith.constant 0 : i32
        %dma_start3A_59 = tpu.memref_slice %arg11[%dma_start3A] : memref<400xf32, #tpu.memory_space<vmem>> -> memref<384xf32, #tpu.memory_space<vmem>>
        %dma_start3A_60 = arith.constant 0 : i32
        %dma_start3A_61 = tpu.memref_slice %arg5[%add3A_52, %dma_start3A_60] : memref<834x384xf32, #tpu.memory_space<hbm>> -> memref<1x384xf32, #tpu.memory_space<hbm>>
        %dma_start3A_62 = tpu.memref_squeeze %dma_start3A_61 : memref<1x384xf32, #tpu.memory_space<hbm>> -> memref<384xf32, #tpu.memory_space<hbm>>
        %dma_start3A_63 = arith.constant 0 : i32
        %dma_start3A_64 = tpu.memref_slice %arg11[%dma_start3A_63] : memref<400xf32, #tpu.memory_space<vmem>> -> memref<384xf32, #tpu.memory_space<vmem>>
        %dma_start3A_65 = arith.constant 0 : i32
        %dma_start3A_66 = tpu.memref_slice %arg5[%add3A_52, %dma_start3A_65] : memref<834x384xf32, #tpu.memory_space<hbm>> -> memref<1x384xf32, #tpu.memory_space<hbm>>
        %dma_start3A_67 = tpu.memref_squeeze %dma_start3A_66 : memref<1x384xf32, #tpu.memory_space<hbm>> -> memref<384xf32, #tpu.memory_space<hbm>>
        tpu.enqueue_dma source(%dma_start3A_67 : memref<384xf32, #tpu.memory_space<hbm>>) target(%dma_start3A_64 : memref<384xf32, #tpu.memory_space<vmem>>) target_semaphore(%run_scoped3A : memref<!tpu.dma_semaphore, #tpu.memory_space<semaphore_mem>>)
        %dma_wait3A = arith.constant 0 : i32
        %dma_wait3A_68 = tpu.memref_slice %arg11[%dma_wait3A] : memref<400xf32, #tpu.memory_space<vmem>> -> memref<384xf32, #tpu.memory_space<vmem>>
        %dma_wait3A_69 = arith.constant 0 : i32
        %dma_wait3A_70 = tpu.memref_slice %arg5[%add3A_52, %dma_wait3A_69] : memref<834x384xf32, #tpu.memory_space<hbm>> -> memref<1x384xf32, #tpu.memory_space<hbm>>
        %dma_wait3A_71 = tpu.memref_squeeze %dma_wait3A_70 : memref<1x384xf32, #tpu.memory_space<hbm>> -> memref<384xf32, #tpu.memory_space<hbm>>
        %dma_wait3A_72 = arith.constant 0 : i32
        %dma_wait3A_73 = tpu.memref_slice %arg11[%dma_wait3A_72] : memref<400xf32, #tpu.memory_space<vmem>> -> memref<384xf32, #tpu.memory_space<vmem>>
        %dma_wait3A_74 = arith.constant 0 : i32
        %dma_wait3A_75 = tpu.memref_slice %arg5[%add3A_52, %dma_wait3A_74] : memref<834x384xf32, #tpu.memory_space<hbm>> -> memref<1x384xf32, #tpu.memory_space<hbm>>
        %dma_wait3A_76 = tpu.memref_squeeze %dma_wait3A_75 : memref<1x384xf32, #tpu.memory_space<hbm>> -> memref<384xf32, #tpu.memory_space<hbm>>
        tpu.wait_dma2 semaphore(%run_scoped3A : memref<!tpu.dma_semaphore, #tpu.memory_space<semaphore_mem>>) src(%dma_wait3A_76 : memref<384xf32, #tpu.memory_space<hbm>>) dst(%dma_wait3A_73 : memref<384xf32, #tpu.memory_space<vmem>>)
        tpu.yield
      }) : () -> ()
      "tpu.region"() ({
        %run_scoped3A = tpu.sem_alloc : memref<!tpu.dma_semaphore, #tpu.memory_space<semaphore_mem>>
        %dma_start3A = arith.constant 0 : i32
        %dma_start3A_59 = arith.constant 0 : i32
        %dma_start3A_60 = tpu.memref_slice %arg2[%dma_start3A, %dma_start3A_59] : memref<10000x128xf32, #tpu.memory_space<hbm>> -> memref<10000x128xf32, #tpu.memory_space<hbm>>
        tpu.enqueue_indirect_dma source(%dma_start3A_60 : memref<10000x128xf32, #tpu.memory_space<hbm>>) target(%arg8 : memref<384x128xf32, #tpu.memory_space<vmem>>) offsets(%arg9 : memref<384xi32, #tpu.memory_space<vmem>>) semaphore(%run_scoped3A : memref<!tpu.dma_semaphore, #tpu.memory_space<semaphore_mem>>)
        %dma_wait3A = arith.constant 0 : i32
        %dma_wait3A_61 = arith.constant 0 : i32
        %dma_wait3A_62 = tpu.memref_slice %arg2[%dma_wait3A, %dma_wait3A_61] : memref<10000x128xf32, #tpu.memory_space<hbm>> -> memref<10000x128xf32, #tpu.memory_space<hbm>>
        tpu.wait_indirect_dma semaphore(%run_scoped3A : memref<!tpu.dma_semaphore, #tpu.memory_space<semaphore_mem>>) src(%dma_wait3A_62 : memref<10000x128xf32, #tpu.memory_space<hbm>>) dst(%arg8 : memref<384x128xf32, #tpu.memory_space<vmem>>)
        tpu.yield
      }) : () -> ()
      %scan3A_53 = arith.constant 0 : i32
      %scan3A_54 = arith.constant 0 : i32
      %scan3A_55 = arith.constant 384 : i32
      %scan3A_56 = arith.addi %scan3A_54, %scan3A_55 : i32
      %scan3A_57 = arith.constant 1 : i32
      scf.for %scan3A_59 = %scan3A_54 to %scan3A_56 step %scan3A_57  : i32 {
        %get3A = arith.index_cast %scan3A_59 : i32 to index
        %get3A_60 = tpu.vector_load %arg11[%get3A] {strides = array<i32>} : memref<400xf32, #tpu.memory_space<vmem>>, vector<16xf32>,
        %get3A_61 = vector.shape_cast %get3A_60 : vector<16xf32> to vector<16xf32>
        %slice3A = vector.extract_strided_slice %get3A_61 {offsets = [0], sizes = [1], strides = [1]} : vector<16xf32> to vector<1xf32>
        %squeeze3A = vector.extract %slice3A[0] : f32 from vector<1xf32>
        %get3A_62 = arith.index_cast %scan3A_59 : i32 to index
        %get3A_63 = arith.constant 0 : index
        %get3A_64 = tpu.vector_load %arg8[%get3A_62, %get3A_63] {strides = array<i32>} : memref<384x128xf32, #tpu.memory_space<vmem>>, vector<1x16xf32>,
        %get3A_65 = vector.shape_cast %get3A_64 : vector<1x16xf32> to vector<16xf32>
        %mul3A_66 = vector.broadcast %squeeze3A : f32 to vector<16xf32>
        %mul3A_67 = arith.mulf %get3A_65, %mul3A_66 : vector<16xf32>
        %swap3A = arith.index_cast %scan3A_59 : i32 to index
        %swap3A_68 = arith.constant 0 : index
        %swap3A_69 = tpu.vector_load %arg8[%swap3A, %swap3A_68] {strides = array<i32>} : memref<384x128xf32, #tpu.memory_space<vmem>>, vector<1x16xf32>,
        %swap3A_70 = vector.shape_cast %swap3A_69 : vector<1x16xf32> to vector<16xf32>
        %swap3A_71 = vector.shape_cast %mul3A_67 : vector<16xf32> to vector<1x16xf32>
        tpu.vector_store %arg8[%swap3A, %swap3A_68], %swap3A_71 {strides = array<i32>} : memref<384x128xf32, #tpu.memory_space<vmem>>, vector<1x16xf32>,
        %get3A_72 = arith.index_cast %scan3A_59 : i32 to index
        %get3A_73 = arith.constant 16 : index
        %get3A_74 = tpu.vector_load %arg8[%get3A_72, %get3A_73] {strides = array<i32>} : memref<384x128xf32, #tpu.memory_space<vmem>>, vector<1x16xf32>,
        %get3A_75 = vector.shape_cast %get3A_74 : vector<1x16xf32> to vector<16xf32>
        %mul3A_76 = vector.broadcast %squeeze3A : f32 to vector<16xf32>
        %mul3A_77 = arith.mulf %get3A_75, %mul3A_76 : vector<16xf32>
        %swap3A_78 = arith.index_cast %scan3A_59 : i32 to index
        %swap3A_79 = arith.constant 16 : index
        %swap3A_80 = tpu.vector_load %arg8[%swap3A_78, %swap3A_79] {strides = array<i32>} : memref<384x128xf32, #tpu.memory_space<vmem>>, vector<1x16xf32>,
        %swap3A_81 = vector.shape_cast %swap3A_80 : vector<1x16xf32> to vector<16xf32>
        %swap3A_82 = vector.shape_cast %mul3A_77 : vector<16xf32> to vector<1x16xf32>
        tpu.vector_store %arg8[%swap3A_78, %swap3A_79], %swap3A_82 {strides = array<i32>} : memref<384x128xf32, #tpu.memory_space<vmem>>, vector<1x16xf32>,
        %get3A_83 = arith.index_cast %scan3A_59 : i32 to index
        %get3A_84 = arith.constant 32 : index
        %get3A_85 = tpu.vector_load %arg8[%get3A_83, %get3A_84] {strides = array<i32>} : memref<384x128xf32, #tpu.memory_space<vmem>>, vector<1x16xf32>,
        %get3A_86 = vector.shape_cast %get3A_85 : vector<1x16xf32> to vector<16xf32>
        %mul3A_87 = vector.broadcast %squeeze3A : f32 to vector<16xf32>
        %mul3A_88 = arith.mulf %get3A_86, %mul3A_87 : vector<16xf32>
        %swap3A_89 = arith.index_cast %scan3A_59 : i32 to index
        %swap3A_90 = arith.constant 32 : index
        %swap3A_91 = tpu.vector_load %arg8[%swap3A_89, %swap3A_90] {strides = array<i32>} : memref<384x128xf32, #tpu.memory_space<vmem>>, vector<1x16xf32>,
        %swap3A_92 = vector.shape_cast %swap3A_91 : vector<1x16xf32> to vector<16xf32>
        %swap3A_93 = vector.shape_cast %mul3A_88 : vector<16xf32> to vector<1x16xf32>
        tpu.vector_store %arg8[%swap3A_89, %swap3A_90], %swap3A_93 {strides = array<i32>} : memref<384x128xf32, #tpu.memory_space<vmem>>, vector<1x16xf32>,
        %get3A_94 = arith.index_cast %scan3A_59 : i32 to index
        %get3A_95 = arith.constant 48 : index
        %get3A_96 = tpu.vector_load %arg8[%get3A_94, %get3A_95] {strides = array<i32>} : memref<384x128xf32, #tpu.memory_space<vmem>>, vector<1x16xf32>,
        %get3A_97 = vector.shape_cast %get3A_96 : vector<1x16xf32> to vector<16xf32>
        %mul3A_98 = vector.broadcast %squeeze3A : f32 to vector<16xf32>
        %mul3A_99 = arith.mulf %get3A_97, %mul3A_98 : vector<16xf32>
        %swap3A_100 = arith.index_cast %scan3A_59 : i32 to index
        %swap3A_101 = arith.constant 48 : index
        %swap3A_102 = tpu.vector_load %arg8[%swap3A_100, %swap3A_101] {strides = array<i32>} : memref<384x128xf32, #tpu.memory_space<vmem>>, vector<1x16xf32>,
        %swap3A_103 = vector.shape_cast %swap3A_102 : vector<1x16xf32> to vector<16xf32>
        %swap3A_104 = vector.shape_cast %mul3A_99 : vector<16xf32> to vector<1x16xf32>
        tpu.vector_store %arg8[%swap3A_100, %swap3A_101], %swap3A_104 {strides = array<i32>} : memref<384x128xf32, #tpu.memory_space<vmem>>, vector<1x16xf32>,
        %get3A_105 = arith.index_cast %scan3A_59 : i32 to index
        %get3A_106 = arith.constant 64 : index
        %get3A_107 = tpu.vector_load %arg8[%get3A_105, %get3A_106] {strides = array<i32>} : memref<384x128xf32, #tpu.memory_space<vmem>>, vector<1x16xf32>,
        %get3A_108 = vector.shape_cast %get3A_107 : vector<1x16xf32> to vector<16xf32>
        %mul3A_109 = vector.broadcast %squeeze3A : f32 to vector<16xf32>
        %mul3A_110 = arith.mulf %get3A_108, %mul3A_109 : vector<16xf32>
        %swap3A_111 = arith.index_cast %scan3A_59 : i32 to index
        %swap3A_112 = arith.constant 64 : index
        %swap3A_113 = tpu.vector_load %arg8[%swap3A_111, %swap3A_112] {strides = array<i32>} : memref<384x128xf32, #tpu.memory_space<vmem>>, vector<1x16xf32>,
        %swap3A_114 = vector.shape_cast %swap3A_113 : vector<1x16xf32> to vector<16xf32>
        %swap3A_115 = vector.shape_cast %mul3A_110 : vector<16xf32> to vector<1x16xf32>
        tpu.vector_store %arg8[%swap3A_111, %swap3A_112], %swap3A_115 {strides = array<i32>} : memref<384x128xf32, #tpu.memory_space<vmem>>, vector<1x16xf32>,
        %get3A_116 = arith.index_cast %scan3A_59 : i32 to index
        %get3A_117 = arith.constant 80 : index
        %get3A_118 = tpu.vector_load %arg8[%get3A_116, %get3A_117] {strides = array<i32>} : memref<384x128xf32, #tpu.memory_space<vmem>>, vector<1x16xf32>,
        %get3A_119 = vector.shape_cast %get3A_118 : vector<1x16xf32> to vector<16xf32>
        %mul3A_120 = vector.broadcast %squeeze3A : f32 to vector<16xf32>
        %mul3A_121 = arith.mulf %get3A_119, %mul3A_120 : vector<16xf32>
        %swap3A_122 = arith.index_cast %scan3A_59 : i32 to index
        %swap3A_123 = arith.constant 80 : index
        %swap3A_124 = tpu.vector_load %arg8[%swap3A_122, %swap3A_123] {strides = array<i32>} : memref<384x128xf32, #tpu.memory_space<vmem>>, vector<1x16xf32>,
        %swap3A_125 = vector.shape_cast %swap3A_124 : vector<1x16xf32> to vector<16xf32>
        %swap3A_126 = vector.shape_cast %mul3A_121 : vector<16xf32> to vector<1x16xf32>
        tpu.vector_store %arg8[%swap3A_122, %swap3A_123], %swap3A_126 {strides = array<i32>} : memref<384x128xf32, #tpu.memory_space<vmem>>, vector<1x16xf32>,
        %get3A_127 = arith.index_cast %scan3A_59 : i32 to index
        %get3A_128 = arith.constant 96 : index
        %get3A_129 = tpu.vector_load %arg8[%get3A_127, %get3A_128] {strides = array<i32>} : memref<384x128xf32, #tpu.memory_space<vmem>>, vector<1x16xf32>,
        %get3A_130 = vector.shape_cast %get3A_129 : vector<1x16xf32> to vector<16xf32>
        %mul3A_131 = vector.broadcast %squeeze3A : f32 to vector<16xf32>
        %mul3A_132 = arith.mulf %get3A_130, %mul3A_131 : vector<16xf32>
        %swap3A_133 = arith.index_cast %scan3A_59 : i32 to index
        %swap3A_134 = arith.constant 96 : index
        %swap3A_135 = tpu.vector_load %arg8[%swap3A_133, %swap3A_134] {strides = array<i32>} : memref<384x128xf32, #tpu.memory_space<vmem>>, vector<1x16xf32>,
        %swap3A_136 = vector.shape_cast %swap3A_135 : vector<1x16xf32> to vector<16xf32>
        %swap3A_137 = vector.shape_cast %mul3A_132 : vector<16xf32> to vector<1x16xf32>
        tpu.vector_store %arg8[%swap3A_133, %swap3A_134], %swap3A_137 {strides = array<i32>} : memref<384x128xf32, #tpu.memory_space<vmem>>, vector<1x16xf32>,
        %get3A_138 = arith.index_cast %scan3A_59 : i32 to index
        %get3A_139 = arith.constant 112 : index
        %get3A_140 = tpu.vector_load %arg8[%get3A_138, %get3A_139] {strides = array<i32>} : memref<384x128xf32, #tpu.memory_space<vmem>>, vector<1x16xf32>,
        %get3A_141 = vector.shape_cast %get3A_140 : vector<1x16xf32> to vector<16xf32>
        %mul3A_142 = vector.broadcast %squeeze3A : f32 to vector<16xf32>
        %mul3A_143 = arith.mulf %get3A_141, %mul3A_142 : vector<16xf32>
        %swap3A_144 = arith.index_cast %scan3A_59 : i32 to index
        %swap3A_145 = arith.constant 112 : index
        %swap3A_146 = tpu.vector_load %arg8[%swap3A_144, %swap3A_145] {strides = array<i32>} : memref<384x128xf32, #tpu.memory_space<vmem>>, vector<1x16xf32>,
        %swap3A_147 = vector.shape_cast %swap3A_146 : vector<1x16xf32> to vector<16xf32>
        %swap3A_148 = vector.shape_cast %mul3A_143 : vector<16xf32> to vector<1x16xf32>
        tpu.vector_store %arg8[%swap3A_144, %swap3A_145], %swap3A_148 {strides = array<i32>} : memref<384x128xf32, #tpu.memory_space<vmem>>, vector<1x16xf32>,
      }
      %scan3A_58 = arith.constant 384 : i32
      "tpu.region"() ({
        %run_scoped3A = tpu.sem_alloc : memref<!tpu.dma_semaphore, #tpu.memory_space<semaphore_mem>>
        %dma_start3A = arith.constant 0 : i32
        %dma_start3A_59 = arith.constant 0 : i32
        %dma_start3A_60 = tpu.memref_slice %arg7[%dma_start3A, %dma_start3A_59] : memref<10000x128xf32, #tpu.memory_space<vmem_shared>> -> memref<10000x128xf32, #tpu.memory_space<vmem_shared>>
        tpu.enqueue_indirect_dma source(%arg8 : memref<384x128xf32, #tpu.memory_space<vmem>>) target(%dma_start3A_60 : memref<10000x128xf32, #tpu.memory_space<vmem_shared>>) offsets(%arg10 : memref<384xi32, #tpu.memory_space<vmem>>) semaphore(%run_scoped3A : memref<!tpu.dma_semaphore, #tpu.memory_space<semaphore_mem>>) {add = true}
        %dma_wait3A = arith.constant 0 : i32
        %dma_wait3A_61 = arith.constant 0 : i32
        %dma_wait3A_62 = tpu.memref_slice %arg7[%dma_wait3A, %dma_wait3A_61] : memref<10000x128xf32, #tpu.memory_space<vmem_shared>> -> memref<10000x128xf32, #tpu.memory_space<vmem_shared>>
        tpu.wait_indirect_dma semaphore(%run_scoped3A : memref<!tpu.dma_semaphore, #tpu.memory_space<semaphore_mem>>) src(%arg8 : memref<384x128xf32, #tpu.memory_space<vmem>>) dst(%dma_wait3A_62 : memref<10000x128xf32, #tpu.memory_space<vmem_shared>>)
        tpu.yield
      }) : () -> ()
    }
    %barrier3A_40 = arith.constant 0 : index
    tpu.barrier barrier_id(%barrier3A_40)
    %while3A_41 = arith.constant 0 : i32
    %while3A_42 = arith.constant 0 : i32
    %while3A_43 = arith.subi %select_n3A, %while3A_42 : i32
    %while3A_44 = arith.addi %while3A_42, %while3A_43 : i32
    %while3A_45 = arith.constant 1 : i32
    %while3A_46 = arith.divsi %while3A_43, %while3A_45 : i32
    %while3A_47 = arith.muli %while3A_46, %while3A_45 : i32
    %while3A_48 = arith.addi %while3A_42, %while3A_47 : i32
    %while3A_49 = arith.constant 1 : i32
    scf.for %while3A_51 = %while3A_42 to %while3A_48 step %while3A_49  : i32 {
      %mul3A_52 = arith.constant 80 : i32
      %mul3A_53 = arith.muli %while3A_51, %mul3A_52 : i32
      %add3A_54 = arith.addi %mul3A_7, %mul3A_53 : i32
      "tpu.region"() ({
        %run_scoped3A = tpu.sem_alloc : memref<!tpu.dma_semaphore, #tpu.memory_space<semaphore_mem>>
        %dma_start3A = arith.constant 0 : i32
        %dma_start3A_55 = tpu.memref_slice %arg6[%arg0, %add3A_54, %dma_start3A] : memref<2x10000x128xf32, #tpu.memory_space<hbm>> -> memref<1x80x128xf32, #tpu.memory_space<hbm>>
        %dma_start3A_56 = tpu.memref_squeeze %dma_start3A_55 : memref<1x80x128xf32, #tpu.memory_space<hbm>> -> memref<80x128xf32, #tpu.memory_space<hbm>>
        %dma_start3A_57 = arith.constant 0 : i32
        %dma_start3A_58 = tpu.memref_slice %arg7[%add3A_54, %dma_start3A_57] : memref<10000x128xf32, #tpu.memory_space<vmem_shared>> -> memref<80x128xf32, #tpu.memory_space<vmem_shared>>
        tpu.enqueue_dma source(%dma_start3A_58 : memref<80x128xf32, #tpu.memory_space<vmem_shared>>) target(%dma_start3A_56 : memref<80x128xf32, #tpu.memory_space<hbm>>) target_semaphore(%run_scoped3A : memref<!tpu.dma_semaphore, #tpu.memory_space<semaphore_mem>>)
        %dma_wait3A = arith.constant 0 : i32
        %dma_wait3A_59 = tpu.memref_slice %arg6[%arg0, %add3A_54, %dma_wait3A] : memref<2x10000x128xf32, #tpu.memory_space<hbm>> -> memref<1x80x128xf32, #tpu.memory_space<hbm>>
        %dma_wait3A_60 = tpu.memref_squeeze %dma_wait3A_59 : memref<1x80x128xf32, #tpu.memory_space<hbm>> -> memref<80x128xf32, #tpu.memory_space<hbm>>
        %dma_wait3A_61 = arith.constant 0 : i32
        %dma_wait3A_62 = tpu.memref_slice %arg7[%add3A_54, %dma_wait3A_61] : memref<10000x128xf32, #tpu.memory_space<vmem_shared>> -> memref<80x128xf32, #tpu.memory_space<vmem_shared>>
        tpu.wait_dma2 semaphore(%run_scoped3A : memref<!tpu.dma_semaphore, #tpu.memory_space<semaphore_mem>>) src(%dma_wait3A_62 : memref<80x128xf32, #tpu.memory_space<vmem_shared>>) dst(%dma_wait3A_60 : memref<80x128xf32, #tpu.memory_space<hbm>>)
        tpu.yield
      }) : () -> ()
    }
    %while3A_50 = arith.constant 1 : i32
    scf.for %while3A_51 = %while3A_48 to %while3A_44 step %while3A_50  : i32 {
      %mul3A_52 = arith.constant 80 : i32
      %mul3A_53 = arith.muli %while3A_51, %mul3A_52 : i32
      %add3A_54 = arith.addi %mul3A_7, %mul3A_53 : i32
      "tpu.region"() ({
        %run_scoped3A = tpu.sem_alloc : memref<!tpu.dma_semaphore, #tpu.memory_space<semaphore_mem>>
        %dma_start3A = arith.constant 0 : i32
        %dma_start3A_55 = tpu.memref_slice %arg6[%arg0, %add3A_54, %dma_start3A] : memref<2x10000x128xf32, #tpu.memory_space<hbm>> -> memref<1x80x128xf32, #tpu.memory_space<hbm>>
        %dma_start3A_56 = tpu.memref_squeeze %dma_start3A_55 : memref<1x80x128xf32, #tpu.memory_space<hbm>> -> memref<80x128xf32, #tpu.memory_space<hbm>>
        %dma_start3A_57 = arith.constant 0 : i32
        %dma_start3A_58 = tpu.memref_slice %arg7[%add3A_54, %dma_start3A_57] : memref<10000x128xf32, #tpu.memory_space<vmem_shared>> -> memref<80x128xf32, #tpu.memory_space<vmem_shared>>
        tpu.enqueue_dma source(%dma_start3A_58 : memref<80x128xf32, #tpu.memory_space<vmem_shared>>) target(%dma_start3A_56 : memref<80x128xf32, #tpu.memory_space<hbm>>) target_semaphore(%run_scoped3A : memref<!tpu.dma_semaphore, #tpu.memory_space<semaphore_mem>>)
        %dma_wait3A = arith.constant 0 : i32
        %dma_wait3A_59 = tpu.memref_slice %arg6[%arg0, %add3A_54, %dma_wait3A] : memref<2x10000x128xf32, #tpu.memory_space<hbm>> -> memref<1x80x128xf32, #tpu.memory_space<hbm>>
        %dma_wait3A_60 = tpu.memref_squeeze %dma_wait3A_59 : memref<1x80x128xf32, #tpu.memory_space<hbm>> -> memref<80x128xf32, #tpu.memory_space<hbm>>
        %dma_wait3A_61 = arith.constant 0 : i32
        %dma_wait3A_62 = tpu.memref_slice %arg7[%add3A_54, %dma_wait3A_61] : memref<10000x128xf32, #tpu.memory_space<vmem_shared>> -> memref<80x128xf32, #tpu.memory_space<vmem_shared>>
        tpu.wait_dma2 semaphore(%run_scoped3A : memref<!tpu.dma_semaphore, #tpu.memory_space<semaphore_mem>>) src(%dma_wait3A_62 : memref<80x128xf32, #tpu.memory_space<vmem_shared>>) dst(%dma_wait3A_60 : memref<80x128xf32, #tpu.memory_space<hbm>>)
        tpu.yield
      }) : () -> ()
    }
    return
  }
}

</mosaic_0001>

<sc_bundles>
// kernel: _lgcn.11.cloned.1.call-start
scs
__scs_entry_jumppad:
0x0: {  	(pc) =	sbr.rel $0x88, $3  }
0x1: {  	(tag) =	ssettag $0x0;
	lr =	simm.s32 $0x1  }
0x2: {  	[smem:$0x3F9D] =	sst lr;
	_ =	strace $0xD0000000  }
0x3: {  	_ = 	snop  }
0x4: {  	_ = 	snop  }
0x5: {  	_ = 	snop  }
0x6: {  	_ = 	snop  }
0x7: {  	_ = 	snop  }
__scs_overlays_trampoline_lowered:
0x8: {  	[smem:$0x3FAC] =	sst s0  }
0x9: {  	[smem:$0x3FAD] =	sst s1  }
0xa: {  	[smem:$0x3FAE] =	sst s2  }
0xb: {  	[smem:$0x3FAF] =	sst s3  }
0xc: {  	[smem:$0x3FB0] =	sst s4  }
0xd: {  	[smem:$0x3FB1] =	sst s5  }
0xe: {  	[smem:$0x3FB2] =	sst s6  }
0xf: {  	[smem:$0x3FB3] =	sst s7  }
0x10: {  	[smem:$0x3FB4] =	sst s8  }
0x11: {  	[smem:$0x3FB5] =	sst s9;
	s0 =	simm.s32 @!p0 $0x0  }
0x12: {  	s1 =	sld [smem:$0x3F9B];
	s0 =	simm.s32 @p0 $0x1  }
0x13: {  	[smem:$0x3FB6] =	sst s0;
	s0 =	simm.s32 @!p1 $0x0  }
0x14: {  	s2 =	sld [smem:$0x3F9A];
	s0 =	simm.s32 @p1 $0x1  }
0x15: {  	[smem:$0x3FB7] =	sst s0;
	s0 =	simm.s32 @!p2 $0x0  }
0x16: {  	s3 =	sld [smem:$0x3FDB];
	s0 =	simm.s32 @p2 $0x1  }
0x17: {  	s4 =	simm.s32 $0x1BF5;
	[smem:$0x3FB9] =	sst s0  }
0x18: {  	s0 =	sld [smem:$0x3F9C];
	_ =	swait.ge [sflag:s4], $0x0  }
0x19: {  	s7 =	sld [smem:$0x3F9D]  }
0x1a: {  	s8 =	sadd.s32 $0xFFFFE003, lr  }
0x1b: {  	s9 =	sadd.s32 $0xFFFFFEF7, lr;
	s5 =	simm.s32 $0xFFFFFFFF;
	p2 =	slt.u32 s8, $0xFFFFF086  }
0x1c: {  	p1 =	slt.u32 s9, $0xF7A;
	s5 =	simm.s32 @!p2 $0x0  }
0x1d: {  	s5 =	simm.s32 @p1 $0x1;
	p0 =	seq.s32 s7, s2  }
0x1e: {  	s7 =	smul.u32 @!p0 $0xF7A, s2;
	p2 =	seq.s32 @!p0 s5, $0x0  }
0x1f: {  	s9 =	smul.u32 $0xF7A, s1;
	s8 =	simm.s32 @!p0 $0x1BF5;
	p2 =	por !p2, p0  }
0x20: {  	[sflag:s8] =	ssyncset.s32 @!p0 $0xFFFFF086;
	s6 =	sadd.s32 @!p0 s3, s7;
	s7 =	simm.s32 @!p0 $0x108  }
0x21: {  	s3 =	sadd.s32 s3, s9;
	s6 =	sadd.s32 @!p0 $0x88, s6;
	s7 =	simm.s32 @p2 $0x1082  }
0x22: {  	[simem:s7], [sflag:s8] =	dma.local @!p0 [hbm:s6], $0xF7A  }
0x23: {  	s9 =	sor.u32 $0xD0000000, s2;
	s6 =	simm.s32 $0x108;
	_ =	swait.ge @!p0 [sflag:s8], $0x0  }
0x24: {  	s3 =	sadd.s32 $0x88, s3;
	s6 =	simm.s32 @!p1 $0x1082;
	[sflag:s4] =	ssyncset.s32 $0xFFFFF086  }
0x25: {  	[simem:s6], [sflag:s4] =	dma.local [hbm:s3], $0xF7A  }
0x26: {  	[smem:$0x3F9D] =	sst s1;
	(tag) =	ssettag s2;
	_ =	strace s9  }
0x27: {  	s1 =	sld [smem:$0x3FAD]  }
0x28: {  	s2 =	sld [smem:$0x3FAE]  }
0x29: {  	s4 =	sld [smem:$0x3FB0]  }
0x2a: {  	p0 =	seq.s32 s5, $0x0;
	s5 =	sld [smem:$0x3FB1]  }
0x2b: {  	s6 =	sld [smem:$0x3FB2]  }
0x2c: {  	s7 =	sld [smem:$0x3FB3]  }
0x2d: {  	s3 =	simm.s32 $0x108;
	s8 =	sld [smem:$0x3FB4]  }
0x2e: {  	s3 =	simm.s32 @!p0 $0x1082;
	s9 =	sld [smem:$0x3FB5]  }
0x2f: {  	lr =	sadd.s32 s0, s3;
	s0 =	sld [smem:$0x3FAC]  }
0x30: {  	s3 =	sld [smem:$0x3FAF]  }
0x31: {  	[smem:$0x3FB8] =	sst s10  }
0x32: {  	s10 =	sld [smem:$0x3FB6];
	_ =	sdelay $0x3  }
0x33: {  	p0 =	seq.s32 s10, $0x1;
	s10 =	sld [smem:$0x3FB8];
	_ =	sdelay $0x3  }
0x34: {  	[smem:$0x3FB8] =	sst s10  }
0x35: {  	s10 =	sld [smem:$0x3FB7];
	_ =	sdelay $0x3  }
0x36: {  	p1 =	seq.s32 s10, $0x1;
	s10 =	sld [smem:$0x3FB8];
	_ =	sdelay $0x3  }
0x37: {  	[smem:$0x3FB8] =	sst s10  }
0x38: {  	s10 =	sld [smem:$0x3FB9]  }
0x39: {  	_ = 	snop;
	(pc) =	sbr.ind lr, $3  }
0x3a: {  	_ = 	snop  }
0x3b: {  	_ = 	snop  }
0x3c: {  	p2 =	seq.s32 s10, $0x1;
	s10 =	sld [smem:$0x3FB8]  }
0x3d: {  	_ =	shalt  }
0x3e: {  	_ =	shalt  }
0x3f: {  	_ =	shalt  }
0x40: {  	_ =	shalt  }
0x41: {  	_ =	shalt  }
0x42: {  	_ =	shalt  }
0x43: {  	_ =	shalt  }
0x44: {  	_ =	shalt  }
0x45: {  	_ =	shalt  }
0x46: {  	_ =	shalt  }
0x47: {  	_ =	shalt  }
0x48: {  	_ =	shalt  }
0x49: {  	_ =	shalt  }
0x4a: {  	_ =	shalt  }
0x4b: {  	_ =	shalt  }
0x4c: {  	_ =	shalt  }
0x4d: {  	_ =	shalt  }
0x4e: {  	_ =	shalt  }
0x4f: {  	_ =	shalt  }
0x50: {  	_ =	shalt  }
0x51: {  	_ =	shalt  }
0x52: {  	_ =	shalt  }
0x53: {  	_ =	shalt  }
0x54: {  	_ =	shalt  }
0x55: {  	_ =	shalt  }
0x56: {  	_ =	shalt  }
0x57: {  	_ =	shalt  }
0x58: {  	_ =	shalt  }
0x59: {  	_ =	shalt  }
0x5a: {  	_ =	shalt  }
0x5b: {  	_ =	shalt  }
0x5c: {  	_ =	shalt  }
0x5d: {  	_ =	shalt  }
0x5e: {  	_ =	shalt  }
0x5f: {  	_ =	shalt  }
0x60: {  	_ =	shalt  }
0x61: {  	_ =	shalt  }
0x62: {  	_ =	shalt  }
0x63: {  	_ =	shalt  }
0x64: {  	_ =	shalt  }
0x65: {  	_ =	shalt  }
0x66: {  	_ =	shalt  }
0x67: {  	_ =	shalt  }
0x68: {  	_ =	shalt  }
0x69: {  	_ =	shalt  }
0x6a: {  	_ =	shalt  }
0x6b: {  	_ =	shalt  }
0x6c: {  	_ =	shalt  }
0x6d: {  	_ =	shalt  }
0x6e: {  	_ =	shalt  }
0x6f: {  	_ =	shalt  }
0x70: {  	_ =	shalt  }
0x71: {  	_ =	shalt  }
0x72: {  	_ =	shalt  }
0x73: {  	_ =	shalt  }
0x74: {  	_ =	shalt  }
0x75: {  	_ =	shalt  }
0x76: {  	_ =	shalt  }
0x77: {  	_ =	shalt  }
0x78: {  	_ =	shalt  }
0x79: {  	_ =	shalt  }
0x7a: {  	_ =	shalt  }
0x7b: {  	_ =	shalt  }
0x7c: {  	_ =	shalt  }
0x7d: {  	_ =	shalt  }
0x7e: {  	_ =	shalt  }
0x7f: {  	_ =	shalt  }
0x80: {  	_ =	shalt  }
0x81: {  	_ =	shalt  }
0x82: {  	_ =	shalt  }
0x83: {  	_ =	shalt  }
0x84: {  	_ =	shalt  }
0x85: {  	_ =	shalt  }
0x86: {  	_ =	shalt  }
0x87: {  	_ =	shalt  }
.Lfunc_end0:
.L_simem_size_0:
called_computation.2_lowered:
.L_overlay_start_0:
0x88: {  	s2 =	sld [smem:$0x3FD9]  }
0x89: {  	s3 =	sld [smem:$0x3FFE];
	_ =	sdelay $0x1  }
0x8a: {  	s1 =	srdreg.scid  }
0x8b: {  	s0 =	sand.u32 $0x1, s1  }
0x8c: {  	s17 =	sshll.u32 s0, $0xA;
	s2 =	sadd.s32 s3, s2  }
0x8d: {  	s2 =	sadd.s32 s2, s17  }
0x8e: {  	[smem:$0x3FC4] =	sst s2  }
0x8f: {  	_ = 	snop  }
0x90: {  	s2 =	sld [smem:$0x3FC8]  }
0x91: {  	s18 =	sld [smem:$0x3FC7]  }
0x92: {  	s4 =	sld [smem:$0x3FC6]  }
0x93: {  	s5 =	sld [smem:$0x3FD0];
	(tm) =	ssettm $0x1  }
0x94: {  	s6 =	sld [smem:$0x3FFB];
	_ =	sdelay $0x3  }
0x95: {  	_ =	strace s6  }
0x96: {  	s6 =	sld [smem:$0x3FFC];
	_ =	sdelay $0x3  }
0x97: {  	_ =	strace s6  }
0x98: {  	s6 =	sld [smem:$0x3FFD];
	_ =	sdelay $0x3  }
0x99: {  	_ =	strace s6  }
0x9a: {  	_ =	strace $0x8FFFFFFF  }
0x9b: {  	s19 =	sld [smem:$0x3FDB];
	_ =	sdelay $0x1  }
0x9c: {  	s7 =	simm.s32 $_scs_section_size  }
0x9d: {  	s8 =	simm.s32 $_size__tile_overlayer_lowered;
	s9 =	simm.s32 $_tile_overlayer_lowered  }
0x9e: {  	s22 =	simm.s32 $0x1BFF;
	s21 =	sshll.u32 s9, $0x1;
	s6 =	sadd.s32 s7, s19  }
0x9f: {  	s10 =	simm.s32 $0x0;
	s20 =	sshll.u32 s8, $0x1;
	s8 =	sadd.s32 s21, s6  }
0xa0: {  	[timem:s10], [sflag:s22] =	dma.local [hbm:s8], s20  }
0xa1: {  	_ =	swait.ge [sflag:s22], s20  }
0xa2: {  	s7 =	ssub.s32 $0x0, s20;
	[sflag:s22] =	ssyncset.done $0x0  }
0xa3: {  	[sflag:s22] =	ssyncadd.s32 s7;
	_ =	sdelay $0x1  }
0xa4: {  	s23 =	simm.s32 $0x1B8B  }
0xa5: {  	_ =	swait.ge [sflag:s23], $0x1  }
0xa6: {  	[sflag:s23] =	ssyncset.done $0x0  }
0xa7: {  	s25 =	simm.s32 $0x1B8E;
	s24 =	sld [smem:$0x3FFE];
	[sflag:s23] =	ssyncadd.s32 $0xFFFFFFFF  }
0xa8: {  	s26 =	simm.s32 $execute0_lowered;
	[smem:$0x3FD2] =	sst s25  }
0xa9: {  	s8 =	sshll.u32 s26, $0x1;
	_ =	strace $0x8000004C;
	[dreg:$0x1] =	wrdreg $0xFFFFFFFF  }
0xaa: {  	s28 =	simm.s32 $_size_execute0_lowered;
	s6 =	sadd.s32 s6, s8;
	[dreg:$0x0] =	wrdreg $0x0  }
0xab: {  	s8 =	sshll.u32 s28, $0x1;
	[dreg:$0x2] =	wrdreg s6  }
0xac: {  	[dreg:$0x3] =	wrdreg s8  }
0xad: {  	[dreg:$0x4] =	wrdreg $0xC0  }
0xae: {  	_ =	task [dreg:s10], $0x5FFFF  }
0xaf: {  	[dreg:$0x1] =	wrdreg $0xFFFFFFFF  }
0xb0: {  	[dreg:$0x0] =	wrdreg $0x60  }
0xb1: {  	[dreg:$0x2] =	wrdreg s24  }
0xb2: {  	[dreg:$0x3] =	wrdreg s2  }
0xb3: {  	[dreg:$0x4] =	wrdreg s18  }
0xb4: {  	[dreg:$0x5] =	wrdreg s4  }
0xb5: {  	[dreg:$0x6] =	wrdreg s5  }
0xb6: {  	[dreg:$0x7] =	wrdreg $0x0  }
0xb7: {  	[dreg:$0x8] =	wrdreg $0x9  }
0xb8: {  	_ =	task.clear_ibuf [dreg:s10], $0x9FFFF;
	_ =	strace $0x9000004C  }
0xb9: {  	s29 =	simm.s32 $0x9;
	_ =	strace $0x8000004E  }
0xba: {  	_ =	swait.ge [sflag:s29], $0x1  }
0xbb: {  	[sflag:s29] =	ssyncadd.s32 $0xFFFFFFFF  }
0xbc: {  	_ =	strace $0x9000004E  }
0xbd: {  	_ =	sfence  }
0xbe: {  	s30 =	sld [smem:$0x0];
	_ =	sdelay $0x2  }
0xbf: {  	s31 =	sshll.u32 s1, $0xD;
	s1 =	sshrl.u32 s1, $0x2  }
0xc0: {  	s3 =	sand.u32 $0x4000, s31;
	s1 =	sadd.s32 s1, s30  }
0xc1: {  	s0 =	sor.u32 s3, s0;
	s1 =	sshll.u32 s1, $0x11  }
0xc2: {  	s0 =	sor.u32 s1, s0  }
0xc3: {  	s0 =	sadd.s32 $0x8F2B, s0  }
0xc4: {  	[sflag:s0] =	ssyncadd.remote.s32 $0x1  }
0xc5: {  	_ =	sfence.sel $0xFFFF  }
0xc6: {  	[dreg:$0x0] =	wrdreg $0xFFFFFFFF;
	(pc) =	sbr.abs _section_cstart, $3  }
0xc7: {  	[dreg:$0x1] =	wrdreg $0xFFFFFFFF  }
0xc8: {  	_ =	task.clear_ibuf [dreg:s10], $0x2FFFF;
	_ =	strace $0x9FFFFFFF  }
0xc9: {  	(tm) =	ssettm $0x7FFFFFFF  }
tec
execute0_lowered:
.L_overlay_start_1:
0x0: {  	(tag) =	ssettag $0x1  }
0x1: {  	s8 =	rddreg [dreg:$0x0]  }
0x2: {  	s1 =	rddreg [dreg:$0x1]  }
0x3: {  	s2 =	rddreg [dreg:$0x2]  }
0x4: {  	s3 =	rddreg [dreg:$0x3]  }
0x5: {  	s4 =	rddreg [dreg:$0x4]  }
0x6: {  	s5 =	rddreg [dreg:$0x5]  }
0x7: {  	s0 =	rddreg [dreg:$0x6]  }
0x8: {  	s6 =	simm.s32 $0x0;
	s9 =	srdreg.scid;
	s7 =	stileid.u32  }
0x9: {  	s10 =	simm.s32 $0x1B;
	s17 =	simm.s32 $0x80;
	s18 =	simm.s32 $0x400  }
0xa: {  	s19 =	simm.s32 $0x1F880;
	s20 =	simm.s32 $0x1FA00;
	s21 =	simm.s32 $0x1FB80  }
0xb: {  	s22 =	simm.s32 $0x180;
	[smem:$0x7FF] =	sst s6;
	s11 =	sand.u32 $0x1, s9  }
0xc: {  	s8 =	sadd.s32 $0x29000, s8;
	s26 =	sshll.u32 s7, $0x1;
	s16 =	smul.u32 $0x50000, s7  }
0xd: {  	p0 =	seq.s32 s7, $0xF;
	s9 =	simm.s32 $0x5;
	s31 =	smul.u32 $0x14000, s7  }
0xe: {  	_ =	strace $0x8000004D;
	s12 =	ssub.s32 $0x2, s11;
	s13 =	sor.u32 s11, s26  }
0xf: {  	s9 =	simm.s32 @!p0 $0x8;
	p0 =	seq.s32 s7, $0x0;
	s28 =	smul.u32 $0x138800, s11  }
0x10: {  	s14 =	sshrl.u32 s12, $0x1;
	s15 =	smul.u32 $0x1A, s13;
	s10 =	simm.s32 @!p0 $0x1A  }
0x11: {  	s29 =	smin.u32 s13, $0x2;
	s30 =	sshrl.u32 s16, $0x2;
	s16 =	simm.s32 $0x1  }
0x12: {  	s12 =	ssub.s32 s12, s14;
	s13 =	sadd.s32 s30, s5;
	s14 =	sadd.s32 s31, s28  }
0x13: {  	v0 =	vimm.f32 $0.0e+00;
	s11 =	sadd.s32 s29, s15;
	s12 =	smax.u32 s12, $0x1;
	s15 =	simm.s32 $0x13880  }
.LBB2_1:
0x14: {  	s23 =	simm.s32 $0x0;
	s24 =	simm.s32 $0x200  }
.LBB2_2:
0x15: {  	p0 =	sne.s32 s24, $0x9E00;
	[tilespmem:s23+$0x138F0] =	vst v0  }
0x16: {  	[tilespmem:s23+$0x13880] =	vst v0  }
0x17: {  	[tilespmem:s23+$0x13890] =	vst v0  }
.Ltmp0:
0x18: {  	[tilespmem:s23+$0x138A0] =	vst v0;
	(pc) =	sbr.rel @p0 .LBB2_2-.Ltmp0, $4  }
0x19: {  	[tilespmem:s23+$0x138B0] =	vst v0  }
0x1a: {  	[tilespmem:s23+$0x138C0] =	vst v0  }
0x1b: {  	[tilespmem:s23+$0x138D0] =	vst v0  }
0x1c: {  	[tilespmem:s23+$0x138E0] =	vst v0;
	s23 =	sshra.s32 s24, $0x2;
	s24 =	sadd.s32 $0x200, s24  }
0x1d: {  	[tilespmem:s23+$0x138F0] =	vst v0  }
0x1e: {  	[tilespmem:s23+$0x13880] =	vst v0  }
0x1f: {  	[tilespmem:s23+$0x13890] =	vst v0  }
0x20: {  	[tilespmem:s23+$0x138A0] =	vst v0  }
0x21: {  	[tilespmem:s23+$0x138B0] =	vst v0  }
0x22: {  	[tilespmem:s23+$0x138C0] =	vst v0;
	p0 =	sne.s32 s9, $0x1  }
.Ltmp1:
0x23: {  	[tilespmem:s23+$0x138D0] =	vst v0;
	(pc) =	sbr.rel @!p0 .LBB2_5-.Ltmp1, $4  }
0x24: {  	[tilespmem:s23+$0x138E0] =	vst v0  }
0x25: {  	[spmem:s13] =	stream.linear.scatter [tilespmem:s15], [sflag:$0x1], $0x2800, $0x38;
	[tilespmem:$0x1FD80] =	vst v63  }
0x26: {  	_ =	swait.ge [sflag:s16], $0x2800  }
0x27: {  	s23 =	sadd.s32 $0xFFFFFFFF, s9;
	s24 =	smov.u32 s13;
	[sflag:s16] =	ssyncset.done $0x0  }
.LBB2_4:
0x28: {  	p1 =	sne.s32 s23, $0x1;
	[sflag:s16] =	ssyncadd.s32 $0xFFFFD800;
	s24 =	sadd.s32 $0x2800, s24  }
.Ltmp2:
0x29: {  	s23 =	sadd.s32 $0xFFFFFFFF, s23;
	(pc) =	sbr.rel @p1 .LBB2_4-.Ltmp2, $4  }
0x2a: {  	_ = 	snop  }
0x2b: {  	[spmem:s24] =	stream.linear.scatter [tilespmem:s15], [sflag:$0x1], $0x2800, $0x38;
	[tilespmem:$0x1FD80] =	vst v63  }
0x2c: {  	_ =	swait.ge [sflag:s16], $0x2800  }
0x2d: {  	[sflag:s16] =	ssyncset.done $0x0  }
.LBB2_5:
0x2e: {  	[sflag:s16] =	ssyncadd.s32 $0xFFFFD800  }
0x2f: {  	s23 =	simm.s32 $0x0;
	[bflag:$0x0] =	sbarrier.arrive $0xFFFF  }
.LBB2_6:
0x30: {  	s24 =	sadd.s32 s23, s11  }
0x31: {  	s25 =	sshrl.u32 s24, $0x3  }
0x32: {  	s24 =	sshll.u32 s24, $0x7;
	s25 =	smul.u32 $0xC00, s25  }
0x33: {  	s24 =	sand.u32 $0x380, s24  }
0x34: {  	s24 =	sor.u32 s24, s25  }
0x35: {  	s24 =	sshrl.u32 s24, $0x3  }
0x36: {  	s29 =	sadd.s32 s1, s24  }
0x37: {  	[tilespmem:s19], [sflag:$0x1] =	stream.strided.gather [hbm4b:s29+s17], $0x180, s18, s17, $0x38;
	[tilespmem:$0x1FD80] =	vst v63  }
0x38: {  	_ =	swait.ge [sflag:s16], $0x180  }
0x39: {  	[sflag:s16] =	ssyncset.done $0x0  }
0x3a: {  	s30 =	sadd.s32 s2, s24;
	[sflag:s16] =	ssyncadd.s32 $0xFFFFFE80  }
0x3b: {  	[tilespmem:s20], [sflag:$0x1] =	stream.strided.gather [hbm4b:s30+s17], $0x180, s18, s17, $0x38;
	[tilespmem:$0x1FD80] =	vst v63  }
0x3c: {  	_ =	swait.ge [sflag:s16], $0x180  }
0x3d: {  	[sflag:s16] =	ssyncset.done $0x0  }
0x3e: {  	s24 =	sadd.s32 s3, s24;
	[sflag:s16] =	ssyncadd.s32 $0xFFFFFE80  }
0x3f: {  	[tilespmem:s21], [sflag:$0x1] =	stream.strided.gather [hbm4b:s24+s17], $0x180, s18, s17, $0x38;
	[tilespmem:$0x1FD80] =	vst v63  }
0x40: {  	_ =	swait.ge [sflag:s16], $0x180  }
0x41: {  	[sflag:s16] =	ssyncset.done $0x0  }
0x42: {  	[sflag:s16] =	ssyncadd.s32 $0xFFFFFE80  }
0x43: {  	[tilespmem:s15], [sflag:$0x1] =	stream.indirect.gather [hbm4b:s8+s22], $0x80, s19, s22, $0xb8;
	[tilespmem:$0x1FD80] =	vst v63  }
0x44: {  	_ =	swait.ge [sflag:s16], $0xC000  }
0x45: {  	[sflag:s16] =	ssyncset.done $0x0  }
0x46: {  	s24 =	simm.s32 $0x138C0;
	[sflag:s16] =	ssyncadd.s32 $0xFFFF4000  }
0x47: {  	v5 =	vld [tilespmem:s24+$0x30]  }
0x48: {  	v8 =	vld [tilespmem:s24+$0x10]  }
0x49: {  	s31 =	simm.s32 $0x0;
	v6 =	vld [tilespmem:s24+$0xFFFFFFC0]  }
0x4a: {  	v2 =	vld.msk [tilespmem:s31+$0x1FB80 ss:$0x0], $0xffff  }
0x4b: {  	v10 =	vld [tilespmem:s24+$0xFFFFFFE0]  }
0x4c: {  	v1 =	vld [tilespmem:s24+$0xFFFFFFF0]  }
0x4d: {  	v3 =	vld [tilespmem:s24+$0x20]  }
0x4e: {  	v4 =	vld [tilespmem:s24+$0xFFFFFFD0]  }
0x4f: {  	v9 =	vmul.f32 v5, v2;
	v5 =	vld [tilespmem:s24+$0x0]  }
0x50: {  	v7 =	vmul.f32 v2, v6  }
0x51: {  	s26 =	simm.s32 $0x138C0;
	s25 =	simm.s32 $0x4;
	v6 =	vmul.f32 v10, v2;
	v8 =	vmul.f32 v8, v2  }
.LBB2_7:
0x52: {  	p1 =	sne.s32 s25, $0x5FC  }
0x53: {  	v4 =	vmul.f32 v4, v2;
	v3 =	vmul.f32 v3, v2;
	[tilespmem:s24+$0x30] =	vst v9;
	s26 =	sadd.s32 $0x80, s26;
	s28 =	smov.u32 s25;
	s25 =	sadd.s32 $0x4, s25  }
0x54: {  	[tilespmem:s24+$0xFFFFFFC0] =	vst v7;
	v7 =	vmul.f32 v1, v2;
	v2 =	vmul.f32 v5, v2  }
0x55: {  	[tilespmem:s24+$0x10] =	vst v8  }
0x56: {  	[tilespmem:s24+$0xFFFFFFE0] =	vst v6  }
0x57: {  	v1 =	vld [tilespmem:s26+$0xFFFFFFF0];
	[tilespmem:s24+$0xFFFFFFF0] =	vst v7  }
0x58: {  	v6 =	vld [tilespmem:s26+$0x30];
	[tilespmem:s24+$0x0] =	vst v2  }
0x59: {  	v8 =	vld [tilespmem:s26+$0x10];
	[tilespmem:s24+$0x20] =	vst v3  }
0x5a: {  	s28 =	sshra.s32 s28, $0x2;
	v7 =	vld [tilespmem:s26+$0xFFFFFFC0];
	[tilespmem:s24+$0xFFFFFFD0] =	vst v4;
	s24 =	smov.u32 s26  }
0x5b: {  	v2 =	vld.msk [tilespmem:s28+$0x1FB80 ss:$0x0], $0xffff  }
0x5c: {  	v10 =	vld [tilespmem:s26+$0xFFFFFFE0]  }
0x5d: {  	v3 =	vld [tilespmem:s26+$0x20]  }
.Ltmp3:
0x5e: {  	v4 =	vld [tilespmem:s26+$0xFFFFFFD0];
	(pc) =	sbr.rel @p1 .LBB2_7-.Ltmp3, $3  }
0x5f: {  	v5 =	vld [tilespmem:s26+$0x0];
	_ =	sdelay $0x1  }
0x60: {  	v7 =	vmul.f32 v2, v7;
	v9 =	vmul.f32 v6, v2  }
0x61: {  	v8 =	vmul.f32 v8, v2;
	v6 =	vmul.f32 v10, v2  }
0x62: {  	[tilespmem:s24+$0x30] =	vst v9  }
0x63: {  	[tilespmem:s24+$0xFFFFFFC0] =	vst v7  }
0x64: {  	v1 =	vmul.f32 v1, v2;
	[tilespmem:s24+$0x10] =	vst v8  }
0x65: {  	v3 =	vmul.f32 v3, v2;
	[tilespmem:s24+$0xFFFFFFE0] =	vst v6  }
0x66: {  	v5 =	vmul.f32 v5, v2;
	[tilespmem:s24+$0xFFFFFFF0] =	vst v1  }
0x67: {  	s23 =	sadd.s32 $0x1, s23;
	v1 =	vmul.f32 v4, v2;
	[tilespmem:s24+$0x20] =	vst v3  }
0x68: {  	p1 =	sne.s32 s23, s10;
	[tilespmem:s24+$0x0] =	vst v5  }
.Ltmp4:
0x69: {  	[tilespmem:s24+$0xFFFFFFD0] =	vst v1;
	(pc) =	sbr.rel @p1 .LBB2_6-.Ltmp4, $4  }
0x6a: {  	[spmem:s5] =	stream.indirect.scatter.add.f32 [tilespmem:s15], [sflag:$0x1], $0x80, s20, s22, $0xb8;
	[tilespmem:$0x1FD80] =	vst v63  }
0x6b: {  	_ =	swait.ge [sflag:s16], $0xC000  }
0x6c: {  	[sflag:s16] =	ssyncset.done $0x0  }
0x6d: {  	[sflag:s16] =	ssyncadd.s32 $0xFFFF4000  }
.Ltmp5:
0x6e: {  	(pc) =	sbr.rel @!p0 .LBB2_11-.Ltmp5, $4  }
0x6f: {  	[bflag:$0x0] =	sbarrier.arrive $0xFFFF;
	s23 =	sshll.u32 s7, $0x6;
	s24 =	sshrl.u32 s14, $0x3  }
0x70: {  	s25 =	sshrl.u32 s13, $0x3;
	s24 =	sadd.s32 s4, s24;
	s23 =	sor.u32 $0x1C01, s23  }
0x71: {  	[hbm:s24], [sflag:s23] =	dma.local [spmem:s25], $0x500  }
0x72: {  	s26 =	smov.u32 s13;
	s24 =	sadd.s32 $0xFFFFFFFF, s9;
	s25 =	sadd.s32 $0x2800, s14  }
.LBB2_10:
0x73: {  	_ =	swait.ge [sflag:s16], $0x500  }
0x74: {  	s26 =	sadd.s32 $0x2800, s26;
	s28 =	sshrl.u32 s25, $0x3;
	p0 =	sne.s32 s24, $0x1  }
.Ltmp6:
0x75: {  	s29 =	sshrl.u32 s26, $0x3;
	[sflag:s16] =	ssyncset.done $0x0;
	(pc) =	sbr.rel @p0 .LBB2_10-.Ltmp6, $4  }
0x76: {  	s28 =	sadd.s32 s4, s28;
	[sflag:s16] =	ssyncadd.s32 $0xFFFFFB00  }
0x77: {  	[hbm:s28], [sflag:s23] =	dma.local [spmem:s29], $0x500  }
0x78: {  	s24 =	sadd.s32 $0xFFFFFFFF, s24  }
0x79: {  	s25 =	sadd.s32 $0x2800, s25  }
.LBB2_11:
0x7a: {  	s6 =	sadd.s32 $0x1, s6  }
0x7b: {  	p0 =	sne.s32 s6, s12  }
.Ltmp7:
0x7c: {  	_ = 	snop;
	(pc) =	sbr.rel @p0 .LBB2_1-.Ltmp7, $4  }
0x7d: {  	_ = 	snop  }
0x7e: {  	_ =	swait.ge [sflag:s16], $0x500  }
0x7f: {  	[sflag:s16] =	ssyncset.done $0x0  }
0x80: {  	[sflag:s16] =	ssyncadd.s32 $0xFFFFFB00  }
0x81: {  	_ =	sfence.sel $0x180000  }
0x82: {  	[bflag:$0x0] =	sbarrier.arrive $0xFFFF  }
0x83: {  	p0 =	sne.s32 s7, $0x0;
	_ =	strace $0x9000004D  }
0x84: {  	s0 =	sadd.s32 @!p0 $0x100000, s0;
	[bflag:$0x2] =	sbarrier.arrive $0xFFFF  }
0x85: {  	[sflag:s0] =	ssyncadd.tile.s32 @!p0 $0x1;
	_ =	shalt  }
.Lfunc_end2:
_tile_overlayer_lowered:
.L_overlay_start_2:
0x86: {  	(tag) =	ssettag $0x2  }
0x87: {  	s0 =	rddreg [dreg:$0x0];
	s2 =	stileid.u32  }
0x88: {  	s1 =	rddreg [dreg:$0x1];
	p0 =	sne.s32 s2, $0x0  }
0x89: {  	s3 =	rddreg [dreg:$0x2];
	[bflag:$0x3] =	sbarrier.arrive $0xFFFF;
	s2 =	simm.s32 @!p0 $0x1C01  }
0x8a: {  	[timem:s3], [sflag:s2] =	dma.local @!p0 [hbm:s0], s1  }
0x8b: {  	s0 =	simm.s32 @!p0 $0x1  }
0x8c: {  	_ =	swait.ge @!p0 [sflag:s0], s1  }
0x8d: {  	s1 =	ssub.s32 @!p0 $0x0, s1;
	[sflag:s0] =	ssyncset.done @!p0 $0x0  }
0x8e: {  	[sflag:s0] =	ssyncadd.s32 @!p0 s1  }
0x8f: {  	[bflag:$0x3] =	sbarrier.arrive $0xFFFF  }
0x90: {  	_ =	shalt  }

// kernel: _lgcn.5.cloned.1.call-start
scs
__scs_entry_jumppad:
0x0: {  	(pc) =	sbr.rel $0x88, $3  }
0x1: {  	(tag) =	ssettag $0x0;
	lr =	simm.s32 $0x1  }
0x2: {  	[smem:$0x3F9D] =	sst lr;
	_ =	strace $0xD0000000  }
0x3: {  	_ = 	snop  }
0x4: {  	_ = 	snop  }
0x5: {  	_ = 	snop  }
0x6: {  	_ = 	snop  }
0x7: {  	_ = 	snop  }
__scs_overlays_trampoline_lowered:
0x8: {  	[smem:$0x3FAC] =	sst s0  }
0x9: {  	[smem:$0x3FAD] =	sst s1  }
0xa: {  	[smem:$0x3FAE] =	sst s2  }
0xb: {  	[smem:$0x3FAF] =	sst s3  }
0xc: {  	[smem:$0x3FB0] =	sst s4  }
0xd: {  	[smem:$0x3FB1] =	sst s5  }
0xe: {  	[smem:$0x3FB2] =	sst s6  }
0xf: {  	[smem:$0x3FB3] =	sst s7  }
0x10: {  	[smem:$0x3FB4] =	sst s8  }
0x11: {  	[smem:$0x3FB5] =	sst s9;
	s0 =	simm.s32 @!p0 $0x0  }
0x12: {  	s1 =	sld [smem:$0x3F9B];
	s0 =	simm.s32 @p0 $0x1  }
0x13: {  	[smem:$0x3FB6] =	sst s0;
	s0 =	simm.s32 @!p1 $0x0  }
0x14: {  	s2 =	sld [smem:$0x3F9A];
	s0 =	simm.s32 @p1 $0x1  }
0x15: {  	[smem:$0x3FB7] =	sst s0;
	s0 =	simm.s32 @!p2 $0x0  }
0x16: {  	s3 =	sld [smem:$0x3FDB];
	s0 =	simm.s32 @p2 $0x1  }
0x17: {  	s4 =	simm.s32 $0x1BF5;
	[smem:$0x3FB9] =	sst s0  }
0x18: {  	s0 =	sld [smem:$0x3F9C];
	_ =	swait.ge [sflag:s4], $0x0  }
0x19: {  	s7 =	sld [smem:$0x3F9D]  }
0x1a: {  	s8 =	sadd.s32 $0xFFFFE003, lr  }
0x1b: {  	s9 =	sadd.s32 $0xFFFFFEF7, lr;
	s5 =	simm.s32 $0xFFFFFFFF;
	p2 =	slt.u32 s8, $0xFFFFF086  }
0x1c: {  	p1 =	slt.u32 s9, $0xF7A;
	s5 =	simm.s32 @!p2 $0x0  }
0x1d: {  	s5 =	simm.s32 @p1 $0x1;
	p0 =	seq.s32 s7, s2  }
0x1e: {  	s7 =	smul.u32 @!p0 $0xF7A, s2;
	p2 =	seq.s32 @!p0 s5, $0x0  }
0x1f: {  	s9 =	smul.u32 $0xF7A, s1;
	s8 =	simm.s32 @!p0 $0x1BF5;
	p2 =	por !p2, p0  }
0x20: {  	[sflag:s8] =	ssyncset.s32 @!p0 $0xFFFFF086;
	s6 =	sadd.s32 @!p0 s3, s7;
	s7 =	simm.s32 @!p0 $0x108  }
0x21: {  	s3 =	sadd.s32 s3, s9;
	s6 =	sadd.s32 @!p0 $0x88, s6;
	s7 =	simm.s32 @p2 $0x1082  }
0x22: {  	[simem:s7], [sflag:s8] =	dma.local @!p0 [hbm:s6], $0xF7A  }
0x23: {  	s9 =	sor.u32 $0xD0000000, s2;
	s6 =	simm.s32 $0x108;
	_ =	swait.ge @!p0 [sflag:s8], $0x0  }
0x24: {  	s3 =	sadd.s32 $0x88, s3;
	s6 =	simm.s32 @!p1 $0x1082;
	[sflag:s4] =	ssyncset.s32 $0xFFFFF086  }
0x25: {  	[simem:s6], [sflag:s4] =	dma.local [hbm:s3], $0xF7A  }
0x26: {  	[smem:$0x3F9D] =	sst s1;
	(tag) =	ssettag s2;
	_ =	strace s9  }
0x27: {  	s1 =	sld [smem:$0x3FAD]  }
0x28: {  	s2 =	sld [smem:$0x3FAE]  }
0x29: {  	s4 =	sld [smem:$0x3FB0]  }
0x2a: {  	p0 =	seq.s32 s5, $0x0;
	s5 =	sld [smem:$0x3FB1]  }
0x2b: {  	s6 =	sld [smem:$0x3FB2]  }
0x2c: {  	s7 =	sld [smem:$0x3FB3]  }
0x2d: {  	s3 =	simm.s32 $0x108;
	s8 =	sld [smem:$0x3FB4]  }
0x2e: {  	s3 =	simm.s32 @!p0 $0x1082;
	s9 =	sld [smem:$0x3FB5]  }
0x2f: {  	lr =	sadd.s32 s0, s3;
	s0 =	sld [smem:$0x3FAC]  }
0x30: {  	s3 =	sld [smem:$0x3FAF]  }
0x31: {  	[smem:$0x3FB8] =	sst s10  }
0x32: {  	s10 =	sld [smem:$0x3FB6];
	_ =	sdelay $0x3  }
0x33: {  	p0 =	seq.s32 s10, $0x1;
	s10 =	sld [smem:$0x3FB8];
	_ =	sdelay $0x3  }
0x34: {  	[smem:$0x3FB8] =	sst s10  }
0x35: {  	s10 =	sld [smem:$0x3FB7];
	_ =	sdelay $0x3  }
0x36: {  	p1 =	seq.s32 s10, $0x1;
	s10 =	sld [smem:$0x3FB8];
	_ =	sdelay $0x3  }
0x37: {  	[smem:$0x3FB8] =	sst s10  }
0x38: {  	s10 =	sld [smem:$0x3FB9]  }
0x39: {  	_ = 	snop;
	(pc) =	sbr.ind lr, $3  }
0x3a: {  	_ = 	snop  }
0x3b: {  	_ = 	snop  }
0x3c: {  	p2 =	seq.s32 s10, $0x1;
	s10 =	sld [smem:$0x3FB8]  }
0x3d: {  	_ =	shalt  }
0x3e: {  	_ =	shalt  }
0x3f: {  	_ =	shalt  }
0x40: {  	_ =	shalt  }
0x41: {  	_ =	shalt  }
0x42: {  	_ =	shalt  }
0x43: {  	_ =	shalt  }
0x44: {  	_ =	shalt  }
0x45: {  	_ =	shalt  }
0x46: {  	_ =	shalt  }
0x47: {  	_ =	shalt  }
0x48: {  	_ =	shalt  }
0x49: {  	_ =	shalt  }
0x4a: {  	_ =	shalt  }
0x4b: {  	_ =	shalt  }
0x4c: {  	_ =	shalt  }
0x4d: {  	_ =	shalt  }
0x4e: {  	_ =	shalt  }
0x4f: {  	_ =	shalt  }
0x50: {  	_ =	shalt  }
0x51: {  	_ =	shalt  }
0x52: {  	_ =	shalt  }
0x53: {  	_ =	shalt  }
0x54: {  	_ =	shalt  }
0x55: {  	_ =	shalt  }
0x56: {  	_ =	shalt  }
0x57: {  	_ =	shalt  }
0x58: {  	_ =	shalt  }
0x59: {  	_ =	shalt  }
0x5a: {  	_ =	shalt  }
0x5b: {  	_ =	shalt  }
0x5c: {  	_ =	shalt  }
0x5d: {  	_ =	shalt  }
0x5e: {  	_ =	shalt  }
0x5f: {  	_ =	shalt  }
0x60: {  	_ =	shalt  }
0x61: {  	_ =	shalt  }
0x62: {  	_ =	shalt  }
0x63: {  	_ =	shalt  }
0x64: {  	_ =	shalt  }
0x65: {  	_ =	shalt  }
0x66: {  	_ =	shalt  }
0x67: {  	_ =	shalt  }
0x68: {  	_ =	shalt  }
0x69: {  	_ =	shalt  }
0x6a: {  	_ =	shalt  }
0x6b: {  	_ =	shalt  }
0x6c: {  	_ =	shalt  }
0x6d: {  	_ =	shalt  }
0x6e: {  	_ =	shalt  }
0x6f: {  	_ =	shalt  }
0x70: {  	_ =	shalt  }
0x71: {  	_ =	shalt  }
0x72: {  	_ =	shalt  }
0x73: {  	_ =	shalt  }
0x74: {  	_ =	shalt  }
0x75: {  	_ =	shalt  }
0x76: {  	_ =	shalt  }
0x77: {  	_ =	shalt  }
0x78: {  	_ =	shalt  }
0x79: {  	_ =	shalt  }
0x7a: {  	_ =	shalt  }
0x7b: {  	_ =	shalt  }
0x7c: {  	_ =	shalt  }
0x7d: {  	_ =	shalt  }
0x7e: {  	_ =	shalt  }
0x7f: {  	_ =	shalt  }
0x80: {  	_ =	shalt  }
0x81: {  	_ =	shalt  }
0x82: {  	_ =	shalt  }
0x83: {  	_ =	shalt  }
0x84: {  	_ =	shalt  }
0x85: {  	_ =	shalt  }
0x86: {  	_ =	shalt  }
0x87: {  	_ =	shalt  }
.Lfunc_end0:
.L_simem_size_0:
called_computation_lowered:
.L_overlay_start_0:
0x88: {  	s2 =	sld [smem:$0x3FD9]  }
0x89: {  	s3 =	sld [smem:$0x3FFE];
	_ =	sdelay $0x1  }
0x8a: {  	s1 =	srdreg.scid  }
0x8b: {  	s0 =	sand.u32 $0x1, s1  }
0x8c: {  	s18 =	sshll.u32 s0, $0xA;
	s2 =	sadd.s32 s3, s2  }
0x8d: {  	s2 =	sadd.s32 s2, s18  }
0x8e: {  	[smem:$0x3FC4] =	sst s2  }
0x8f: {  	_ = 	snop  }
0x90: {  	s2 =	sld [smem:$0x3FC9]  }
0x91: {  	s19 =	sld [smem:$0x3FC8]  }
0x92: {  	s4 =	sld [smem:$0x3FC7]  }
0x93: {  	s5 =	sld [smem:$0x3FC6]  }
0x94: {  	s6 =	sld [smem:$0x3FD0];
	(tm) =	ssettm $0x1  }
0x95: {  	s7 =	sld [smem:$0x3FFB];
	_ =	sdelay $0x3  }
0x96: {  	_ =	strace s7  }
0x97: {  	s7 =	sld [smem:$0x3FFC];
	_ =	sdelay $0x3  }
0x98: {  	_ =	strace s7  }
0x99: {  	s7 =	sld [smem:$0x3FFD];
	_ =	sdelay $0x3  }
0x9a: {  	_ =	strace s7  }
0x9b: {  	_ =	strace $0x8FFFFFFF  }
0x9c: {  	s20 =	sld [smem:$0x3FDB];
	_ =	sdelay $0x1  }
0x9d: {  	s8 =	simm.s32 $_scs_section_size  }
0x9e: {  	s9 =	simm.s32 $_size__tile_overlayer_lowered;
	s10 =	simm.s32 $_tile_overlayer_lowered  }
0x9f: {  	s23 =	simm.s32 $0x1BFF;
	s22 =	sshll.u32 s10, $0x1;
	s7 =	sadd.s32 s8, s20  }
0xa0: {  	s11 =	simm.s32 $0x0;
	s21 =	sshll.u32 s9, $0x1;
	s9 =	sadd.s32 s22, s7  }
0xa1: {  	[timem:s11], [sflag:s23] =	dma.local [hbm:s9], s21  }
0xa2: {  	_ =	swait.ge [sflag:s23], s21  }
0xa3: {  	s8 =	ssub.s32 $0x0, s21;
	[sflag:s23] =	ssyncset.done $0x0  }
0xa4: {  	[sflag:s23] =	ssyncadd.s32 s8;
	_ =	sdelay $0x1  }
0xa5: {  	s24 =	simm.s32 $0x1B8B  }
0xa6: {  	_ =	swait.ge [sflag:s24], $0x1  }
0xa7: {  	[sflag:s24] =	ssyncset.done $0x0  }
0xa8: {  	s25 =	simm.s32 $0x1B8E;
	[sflag:s24] =	ssyncadd.s32 $0xFFFFFFFF  }
0xa9: {  	s26 =	simm.s32 $execute0_lowered;
	[smem:$0x3FD2] =	sst s25  }
0xaa: {  	s8 =	sshll.u32 s26, $0x1;
	_ =	strace $0x80000046;
	[dreg:$0x1] =	wrdreg $0xFFFFFFFF  }
0xab: {  	s28 =	simm.s32 $_size_execute0_lowered;
	s7 =	sadd.s32 s7, s8;
	[dreg:$0x0] =	wrdreg $0x0  }
0xac: {  	s8 =	sshll.u32 s28, $0x1;
	[dreg:$0x2] =	wrdreg s7  }
0xad: {  	[dreg:$0x3] =	wrdreg s8  }
0xae: {  	[dreg:$0x4] =	wrdreg $0xC0  }
0xaf: {  	_ =	task [dreg:s11], $0x5FFFF  }
0xb0: {  	[dreg:$0x1] =	wrdreg $0xFFFFFFFF  }
0xb1: {  	[dreg:$0x0] =	wrdreg $0x60  }
0xb2: {  	[dreg:$0x2] =	wrdreg s2  }
0xb3: {  	[dreg:$0x3] =	wrdreg s19  }
0xb4: {  	[dreg:$0x4] =	wrdreg s4  }
0xb5: {  	[dreg:$0x5] =	wrdreg s5  }
0xb6: {  	[dreg:$0x6] =	wrdreg s6  }
0xb7: {  	[dreg:$0x7] =	wrdreg $0x0  }
0xb8: {  	[dreg:$0x8] =	wrdreg $0x9  }
0xb9: {  	_ =	task.clear_ibuf [dreg:s11], $0x9FFFF;
	_ =	strace $0x90000046  }
0xba: {  	s29 =	simm.s32 $0x9;
	_ =	strace $0x80000048  }
0xbb: {  	_ =	swait.ge [sflag:s29], $0x1  }
0xbc: {  	[sflag:s29] =	ssyncadd.s32 $0xFFFFFFFF  }
0xbd: {  	_ =	strace $0x90000048  }
0xbe: {  	_ =	sfence  }
0xbf: {  	s30 =	sld [smem:$0x0];
	_ =	sdelay $0x2  }
0xc0: {  	s31 =	sshll.u32 s1, $0xD;
	s1 =	sshrl.u32 s1, $0x2  }
0xc1: {  	s3 =	sand.u32 $0x4000, s31;
	s1 =	sadd.s32 s1, s30  }
0xc2: {  	s0 =	sor.u32 s3, s0;
	s1 =	sshll.u32 s1, $0x11  }
0xc3: {  	s0 =	sor.u32 s1, s0  }
0xc4: {  	s0 =	sadd.s32 $0x8F2B, s0  }
0xc5: {  	[sflag:s0] =	ssyncadd.remote.s32 $0x1  }
0xc6: {  	_ =	sfence.sel $0xFFFF  }
0xc7: {  	[dreg:$0x0] =	wrdreg $0xFFFFFFFF;
	(pc) =	sbr.abs _section_cstart, $3  }
0xc8: {  	[dreg:$0x1] =	wrdreg $0xFFFFFFFF  }
0xc9: {  	_ =	task.clear_ibuf [dreg:s11], $0x2FFFF;
	_ =	strace $0x9FFFFFFF  }
0xca: {  	(tm) =	ssettm $0x7FFFFFFF  }
0xcb: {  	_ =	shalt  }
tec
execute0_lowered:
.L_overlay_start_1:
0x0: {  	(tag) =	ssettag $0x1  }
0x1: {  	s1 =	rddreg [dreg:$0x0]  }
0x2: {  	s2 =	rddreg [dreg:$0x1]  }
0x3: {  	s3 =	rddreg [dreg:$0x2]  }
0x4: {  	s4 =	rddreg [dreg:$0x3]  }
0x5: {  	s5 =	rddreg [dreg:$0x4]  }
0x6: {  	s6 =	rddreg [dreg:$0x5]  }
0x7: {  	s0 =	rddreg [dreg:$0x6];
	s8 =	simm.s32 $0x0;
	s9 =	srdreg.scid  }
0x8: {  	s7 =	stileid.u32;
	s10 =	simm.s32 $0x1B;
	s17 =	simm.s32 $0x80  }
0x9: {  	s18 =	simm.s32 $0x400;
	s19 =	simm.s32 $0x1F880;
	s20 =	simm.s32 $0x1FA00  }
0xa: {  	s21 =	simm.s32 $0x1FB80;
	s22 =	simm.s32 $0x180;
	[smem:$0x7FF] =	sst s8  }
0xb: {  	s11 =	sand.u32 $0x1, s9;
	s26 =	sshll.u32 s7, $0x1;
	s16 =	smul.u32 $0x50000, s7  }
0xc: {  	p0 =	seq.s32 s7, $0xF;
	s9 =	simm.s32 $0x5;
	s31 =	smul.u32 $0x14000, s7  }
0xd: {  	_ =	strace $0x80000047;
	s12 =	ssub.s32 $0x2, s11;
	s13 =	sor.u32 s11, s26  }
0xe: {  	s9 =	simm.s32 @!p0 $0x8;
	p0 =	seq.s32 s7, $0x0;
	s28 =	smul.u32 $0x138800, s11  }
0xf: {  	s14 =	sshrl.u32 s12, $0x1;
	s15 =	smul.u32 $0x1A, s13;
	s10 =	simm.s32 @!p0 $0x1A  }
0x10: {  	s29 =	smin.u32 s13, $0x2;
	s30 =	sshrl.u32 s16, $0x2;
	s16 =	simm.s32 $0x1  }
0x11: {  	s12 =	ssub.s32 s12, s14;
	s13 =	sadd.s32 s30, s6;
	s14 =	sadd.s32 s31, s28  }
0x12: {  	v0 =	vimm.f32 $0.0e+00;
	s11 =	sadd.s32 s29, s15;
	s12 =	smax.u32 s12, $0x1;
	s15 =	simm.s32 $0x13880  }
.LBB2_1:
0x13: {  	s23 =	simm.s32 $0x0;
	s24 =	simm.s32 $0x200  }
.LBB2_2:
0x14: {  	p0 =	sne.s32 s24, $0x9E00;
	[tilespmem:s23+$0x138F0] =	vst v0  }
0x15: {  	[tilespmem:s23+$0x13880] =	vst v0  }
0x16: {  	[tilespmem:s23+$0x13890] =	vst v0  }
.Ltmp0:
0x17: {  	[tilespmem:s23+$0x138A0] =	vst v0;
	(pc) =	sbr.rel @p0 .LBB2_2-.Ltmp0, $4  }
0x18: {  	[tilespmem:s23+$0x138B0] =	vst v0  }
0x19: {  	[tilespmem:s23+$0x138C0] =	vst v0  }
0x1a: {  	[tilespmem:s23+$0x138D0] =	vst v0  }
0x1b: {  	[tilespmem:s23+$0x138E0] =	vst v0;
	s23 =	sshra.s32 s24, $0x2;
	s24 =	sadd.s32 $0x200, s24  }
0x1c: {  	[tilespmem:s23+$0x138F0] =	vst v0  }
0x1d: {  	[tilespmem:s23+$0x13880] =	vst v0  }
0x1e: {  	[tilespmem:s23+$0x13890] =	vst v0  }
0x1f: {  	[tilespmem:s23+$0x138A0] =	vst v0  }
0x20: {  	[tilespmem:s23+$0x138B0] =	vst v0  }
0x21: {  	[tilespmem:s23+$0x138C0] =	vst v0;
	p0 =	sne.s32 s9, $0x1  }
.Ltmp1:
0x22: {  	[tilespmem:s23+$0x138D0] =	vst v0;
	(pc) =	sbr.rel @!p0 .LBB2_5-.Ltmp1, $4  }
0x23: {  	[tilespmem:s23+$0x138E0] =	vst v0  }
0x24: {  	[spmem:s13] =	stream.linear.scatter [tilespmem:s15], [sflag:$0x1], $0x2800, $0x38;
	[tilespmem:$0x1FD80] =	vst v63  }
0x25: {  	_ =	swait.ge [sflag:s16], $0x2800  }
0x26: {  	s23 =	sadd.s32 $0xFFFFFFFF, s9;
	s24 =	smov.u32 s13;
	[sflag:s16] =	ssyncset.done $0x0  }
.LBB2_4:
0x27: {  	p1 =	sne.s32 s23, $0x1;
	[sflag:s16] =	ssyncadd.s32 $0xFFFFD800;
	s24 =	sadd.s32 $0x2800, s24  }
.Ltmp2:
0x28: {  	s23 =	sadd.s32 $0xFFFFFFFF, s23;
	(pc) =	sbr.rel @p1 .LBB2_4-.Ltmp2, $4  }
0x29: {  	_ = 	snop  }
0x2a: {  	[spmem:s24] =	stream.linear.scatter [tilespmem:s15], [sflag:$0x1], $0x2800, $0x38;
	[tilespmem:$0x1FD80] =	vst v63  }
0x2b: {  	_ =	swait.ge [sflag:s16], $0x2800  }
0x2c: {  	[sflag:s16] =	ssyncset.done $0x0  }
.LBB2_5:
0x2d: {  	[sflag:s16] =	ssyncadd.s32 $0xFFFFD800  }
0x2e: {  	s23 =	simm.s32 $0x0;
	[bflag:$0x0] =	sbarrier.arrive $0xFFFF  }
.LBB2_6:
0x2f: {  	s24 =	sadd.s32 s23, s11  }
0x30: {  	s25 =	sshrl.u32 s24, $0x3  }
0x31: {  	s24 =	sshll.u32 s24, $0x7;
	s25 =	smul.u32 $0xC00, s25  }
0x32: {  	s24 =	sand.u32 $0x380, s24  }
0x33: {  	s24 =	sor.u32 s24, s25  }
0x34: {  	s24 =	sshrl.u32 s24, $0x3  }
0x35: {  	s29 =	sadd.s32 s2, s24  }
0x36: {  	[tilespmem:s19], [sflag:$0x1] =	stream.strided.gather [hbm4b:s29+s17], $0x180, s18, s17, $0x38;
	[tilespmem:$0x1FD80] =	vst v63  }
0x37: {  	_ =	swait.ge [sflag:s16], $0x180  }
0x38: {  	[sflag:s16] =	ssyncset.done $0x0  }
0x39: {  	s30 =	sadd.s32 s3, s24;
	[sflag:s16] =	ssyncadd.s32 $0xFFFFFE80  }
0x3a: {  	[tilespmem:s20], [sflag:$0x1] =	stream.strided.gather [hbm4b:s30+s17], $0x180, s18, s17, $0x38;
	[tilespmem:$0x1FD80] =	vst v63  }
0x3b: {  	_ =	swait.ge [sflag:s16], $0x180  }
0x3c: {  	[sflag:s16] =	ssyncset.done $0x0  }
0x3d: {  	s24 =	sadd.s32 s4, s24;
	[sflag:s16] =	ssyncadd.s32 $0xFFFFFE80  }
0x3e: {  	[tilespmem:s21], [sflag:$0x1] =	stream.strided.gather [hbm4b:s24+s17], $0x180, s18, s17, $0x38;
	[tilespmem:$0x1FD80] =	vst v63  }
0x3f: {  	_ =	swait.ge [sflag:s16], $0x180  }
0x40: {  	[sflag:s16] =	ssyncset.done $0x0  }
0x41: {  	[sflag:s16] =	ssyncadd.s32 $0xFFFFFE80  }
0x42: {  	[tilespmem:s15], [sflag:$0x1] =	stream.indirect.gather [hbm4b:s1+s22], $0x80, s19, s22, $0xb8;
	[tilespmem:$0x1FD80] =	vst v63  }
0x43: {  	_ =	swait.ge [sflag:s16], $0xC000  }
0x44: {  	[sflag:s16] =	ssyncset.done $0x0  }
0x45: {  	s24 =	simm.s32 $0x138C0;
	[sflag:s16] =	ssyncadd.s32 $0xFFFF4000  }
0x46: {  	v5 =	vld [tilespmem:s24+$0x30]  }
0x47: {  	v8 =	vld [tilespmem:s24+$0x10]  }
0x48: {  	s31 =	simm.s32 $0x0;
	v6 =	vld [tilespmem:s24+$0xFFFFFFC0]  }
0x49: {  	v2 =	vld.msk [tilespmem:s31+$0x1FB80 ss:$0x0], $0xffff  }
0x4a: {  	v10 =	vld [tilespmem:s24+$0xFFFFFFE0]  }
0x4b: {  	v1 =	vld [tilespmem:s24+$0xFFFFFFF0]  }
0x4c: {  	v3 =	vld [tilespmem:s24+$0x20]  }
0x4d: {  	v4 =	vld [tilespmem:s24+$0xFFFFFFD0]  }
0x4e: {  	v9 =	vmul.f32 v5, v2;
	v5 =	vld [tilespmem:s24+$0x0]  }
0x4f: {  	v7 =	vmul.f32 v2, v6  }
0x50: {  	s26 =	simm.s32 $0x138C0;
	s25 =	simm.s32 $0x4;
	v6 =	vmul.f32 v10, v2;
	v8 =	vmul.f32 v8, v2  }
.LBB2_7:
0x51: {  	p1 =	sne.s32 s25, $0x5FC  }
0x52: {  	v4 =	vmul.f32 v4, v2;
	v3 =	vmul.f32 v3, v2;
	[tilespmem:s24+$0x30] =	vst v9;
	s26 =	sadd.s32 $0x80, s26;
	s28 =	smov.u32 s25;
	s25 =	sadd.s32 $0x4, s25  }
0x53: {  	[tilespmem:s24+$0xFFFFFFC0] =	vst v7;
	v7 =	vmul.f32 v1, v2;
	v2 =	vmul.f32 v5, v2  }
0x54: {  	[tilespmem:s24+$0x10] =	vst v8  }
0x55: {  	[tilespmem:s24+$0xFFFFFFE0] =	vst v6  }
0x56: {  	v1 =	vld [tilespmem:s26+$0xFFFFFFF0];
	[tilespmem:s24+$0xFFFFFFF0] =	vst v7  }
0x57: {  	v6 =	vld [tilespmem:s26+$0x30];
	[tilespmem:s24+$0x0] =	vst v2  }
0x58: {  	v8 =	vld [tilespmem:s26+$0x10];
	[tilespmem:s24+$0x20] =	vst v3  }
0x59: {  	s28 =	sshra.s32 s28, $0x2;
	v7 =	vld [tilespmem:s26+$0xFFFFFFC0];
	[tilespmem:s24+$0xFFFFFFD0] =	vst v4;
	s24 =	smov.u32 s26  }
0x5a: {  	v2 =	vld.msk [tilespmem:s28+$0x1FB80 ss:$0x0], $0xffff  }
0x5b: {  	v10 =	vld [tilespmem:s26+$0xFFFFFFE0]  }
0x5c: {  	v3 =	vld [tilespmem:s26+$0x20]  }
.Ltmp3:
0x5d: {  	v4 =	vld [tilespmem:s26+$0xFFFFFFD0];
	(pc) =	sbr.rel @p1 .LBB2_7-.Ltmp3, $3  }
0x5e: {  	v5 =	vld [tilespmem:s26+$0x0];
	_ =	sdelay $0x1  }
0x5f: {  	v7 =	vmul.f32 v2, v7;
	v9 =	vmul.f32 v6, v2  }
0x60: {  	v8 =	vmul.f32 v8, v2;
	v6 =	vmul.f32 v10, v2  }
0x61: {  	[tilespmem:s24+$0x30] =	vst v9  }
0x62: {  	[tilespmem:s24+$0xFFFFFFC0] =	vst v7  }
0x63: {  	v1 =	vmul.f32 v1, v2;
	[tilespmem:s24+$0x10] =	vst v8  }
0x64: {  	v3 =	vmul.f32 v3, v2;
	[tilespmem:s24+$0xFFFFFFE0] =	vst v6  }
0x65: {  	v5 =	vmul.f32 v5, v2;
	[tilespmem:s24+$0xFFFFFFF0] =	vst v1  }
0x66: {  	s23 =	sadd.s32 $0x1, s23;
	v1 =	vmul.f32 v4, v2;
	[tilespmem:s24+$0x20] =	vst v3  }
0x67: {  	p1 =	sne.s32 s23, s10;
	[tilespmem:s24+$0x0] =	vst v5  }
.Ltmp4:
0x68: {  	[tilespmem:s24+$0xFFFFFFD0] =	vst v1;
	(pc) =	sbr.rel @p1 .LBB2_6-.Ltmp4, $4  }
0x69: {  	[spmem:s6] =	stream.indirect.scatter.add.f32 [tilespmem:s15], [sflag:$0x1], $0x80, s20, s22, $0xb8;
	[tilespmem:$0x1FD80] =	vst v63  }
0x6a: {  	_ =	swait.ge [sflag:s16], $0xC000  }
0x6b: {  	[sflag:s16] =	ssyncset.done $0x0  }
0x6c: {  	[sflag:s16] =	ssyncadd.s32 $0xFFFF4000  }
.Ltmp5:
0x6d: {  	(pc) =	sbr.rel @!p0 .LBB2_11-.Ltmp5, $4  }
0x6e: {  	[bflag:$0x0] =	sbarrier.arrive $0xFFFF;
	s23 =	sshll.u32 s7, $0x6;
	s24 =	sshrl.u32 s14, $0x3  }
0x6f: {  	s25 =	sshrl.u32 s13, $0x3;
	s24 =	sadd.s32 s5, s24;
	s23 =	sor.u32 $0x1C01, s23  }
0x70: {  	[hbm:s24], [sflag:s23] =	dma.local [spmem:s25], $0x500  }
0x71: {  	s26 =	smov.u32 s13;
	s24 =	sadd.s32 $0xFFFFFFFF, s9;
	s25 =	sadd.s32 $0x2800, s14  }
.LBB2_10:
0x72: {  	_ =	swait.ge [sflag:s16], $0x500  }
0x73: {  	s26 =	sadd.s32 $0x2800, s26;
	s28 =	sshrl.u32 s25, $0x3;
	p0 =	sne.s32 s24, $0x1  }
.Ltmp6:
0x74: {  	s29 =	sshrl.u32 s26, $0x3;
	[sflag:s16] =	ssyncset.done $0x0;
	(pc) =	sbr.rel @p0 .LBB2_10-.Ltmp6, $4  }
0x75: {  	s28 =	sadd.s32 s5, s28;
	[sflag:s16] =	ssyncadd.s32 $0xFFFFFB00  }
0x76: {  	[hbm:s28], [sflag:s23] =	dma.local [spmem:s29], $0x500  }
0x77: {  	s24 =	sadd.s32 $0xFFFFFFFF, s24  }
0x78: {  	s25 =	sadd.s32 $0x2800, s25  }
.LBB2_11:
0x79: {  	s8 =	sadd.s32 $0x1, s8  }
0x7a: {  	p0 =	sne.s32 s8, s12  }
.Ltmp7:
0x7b: {  	_ = 	snop;
	(pc) =	sbr.rel @p0 .LBB2_1-.Ltmp7, $4  }
0x7c: {  	_ = 	snop  }
0x7d: {  	_ =	swait.ge [sflag:s16], $0x500  }
0x7e: {  	[sflag:s16] =	ssyncset.done $0x0  }
0x7f: {  	[sflag:s16] =	ssyncadd.s32 $0xFFFFFB00  }
0x80: {  	_ =	sfence.sel $0x180000  }
0x81: {  	[bflag:$0x0] =	sbarrier.arrive $0xFFFF  }
0x82: {  	p0 =	sne.s32 s7, $0x0;
	_ =	strace $0x90000047  }
0x83: {  	s0 =	sadd.s32 @!p0 $0x100000, s0;
	[bflag:$0x2] =	sbarrier.arrive $0xFFFF  }
0x84: {  	[sflag:s0] =	ssyncadd.tile.s32 @!p0 $0x1;
	_ =	shalt  }
.Lfunc_end2:
_tile_overlayer_lowered:
.L_overlay_start_2:
0x85: {  	(tag) =	ssettag $0x2  }
0x86: {  	s0 =	rddreg [dreg:$0x0];
	s2 =	stileid.u32  }
0x87: {  	s1 =	rddreg [dreg:$0x1];
	p0 =	sne.s32 s2, $0x0  }
0x88: {  	s3 =	rddreg [dreg:$0x2];
	[bflag:$0x3] =	sbarrier.arrive $0xFFFF;
	s2 =	simm.s32 @!p0 $0x1C01  }
0x89: {  	[timem:s3], [sflag:s2] =	dma.local @!p0 [hbm:s0], s1  }
0x8a: {  	s0 =	simm.s32 @!p0 $0x1  }
0x8b: {  	_ =	swait.ge @!p0 [sflag:s0], s1  }
0x8c: {  	s1 =	ssub.s32 @!p0 $0x0, s1;
	[sflag:s0] =	ssyncset.done @!p0 $0x0  }
0x8d: {  	[sflag:s0] =	ssyncadd.s32 @!p0 s1  }
0x8e: {  	[bflag:$0x3] =	sbarrier.arrive $0xFFFF  }
0x8f: {  	_ =	shalt  }

// kernel: _lgcn.8.cloned.1.call-start
scs
__scs_entry_jumppad:
0x0: {  	(pc) =	sbr.rel $0x88, $3  }
0x1: {  	(tag) =	ssettag $0x0;
	lr =	simm.s32 $0x1  }
0x2: {  	[smem:$0x3F9D] =	sst lr;
	_ =	strace $0xD0000000  }
0x3: {  	_ = 	snop  }
0x4: {  	_ = 	snop  }
0x5: {  	_ = 	snop  }
0x6: {  	_ = 	snop  }
0x7: {  	_ = 	snop  }
__scs_overlays_trampoline_lowered:
0x8: {  	[smem:$0x3FAC] =	sst s0  }
0x9: {  	[smem:$0x3FAD] =	sst s1  }
0xa: {  	[smem:$0x3FAE] =	sst s2  }
0xb: {  	[smem:$0x3FAF] =	sst s3  }
0xc: {  	[smem:$0x3FB0] =	sst s4  }
0xd: {  	[smem:$0x3FB1] =	sst s5  }
0xe: {  	[smem:$0x3FB2] =	sst s6  }
0xf: {  	[smem:$0x3FB3] =	sst s7  }
0x10: {  	[smem:$0x3FB4] =	sst s8  }
0x11: {  	[smem:$0x3FB5] =	sst s9;
	s0 =	simm.s32 @!p0 $0x0  }
0x12: {  	s1 =	sld [smem:$0x3F9B];
	s0 =	simm.s32 @p0 $0x1  }
0x13: {  	[smem:$0x3FB6] =	sst s0;
	s0 =	simm.s32 @!p1 $0x0  }
0x14: {  	s2 =	sld [smem:$0x3F9A];
	s0 =	simm.s32 @p1 $0x1  }
0x15: {  	[smem:$0x3FB7] =	sst s0;
	s0 =	simm.s32 @!p2 $0x0  }
0x16: {  	s3 =	sld [smem:$0x3FDB];
	s0 =	simm.s32 @p2 $0x1  }
0x17: {  	s4 =	simm.s32 $0x1BF5;
	[smem:$0x3FB9] =	sst s0  }
0x18: {  	s0 =	sld [smem:$0x3F9C];
	_ =	swait.ge [sflag:s4], $0x0  }
0x19: {  	s7 =	sld [smem:$0x3F9D]  }
0x1a: {  	s8 =	sadd.s32 $0xFFFFE003, lr  }
0x1b: {  	s9 =	sadd.s32 $0xFFFFFEF7, lr;
	s5 =	simm.s32 $0xFFFFFFFF;
	p2 =	slt.u32 s8, $0xFFFFF086  }
0x1c: {  	p1 =	slt.u32 s9, $0xF7A;
	s5 =	simm.s32 @!p2 $0x0  }
0x1d: {  	s5 =	simm.s32 @p1 $0x1;
	p0 =	seq.s32 s7, s2  }
0x1e: {  	s7 =	smul.u32 @!p0 $0xF7A, s2;
	p2 =	seq.s32 @!p0 s5, $0x0  }
0x1f: {  	s9 =	smul.u32 $0xF7A, s1;
	s8 =	simm.s32 @!p0 $0x1BF5;
	p2 =	por !p2, p0  }
0x20: {  	[sflag:s8] =	ssyncset.s32 @!p0 $0xFFFFF086;
	s6 =	sadd.s32 @!p0 s3, s7;
	s7 =	simm.s32 @!p0 $0x108  }
0x21: {  	s3 =	sadd.s32 s3, s9;
	s6 =	sadd.s32 @!p0 $0x88, s6;
	s7 =	simm.s32 @p2 $0x1082  }
0x22: {  	[simem:s7], [sflag:s8] =	dma.local @!p0 [hbm:s6], $0xF7A  }
0x23: {  	s9 =	sor.u32 $0xD0000000, s2;
	s6 =	simm.s32 $0x108;
	_ =	swait.ge @!p0 [sflag:s8], $0x0  }
0x24: {  	s3 =	sadd.s32 $0x88, s3;
	s6 =	simm.s32 @!p1 $0x1082;
	[sflag:s4] =	ssyncset.s32 $0xFFFFF086  }
0x25: {  	[simem:s6], [sflag:s4] =	dma.local [hbm:s3], $0xF7A  }
0x26: {  	[smem:$0x3F9D] =	sst s1;
	(tag) =	ssettag s2;
	_ =	strace s9  }
0x27: {  	s1 =	sld [smem:$0x3FAD]  }
0x28: {  	s2 =	sld [smem:$0x3FAE]  }
0x29: {  	s4 =	sld [smem:$0x3FB0]  }
0x2a: {  	p0 =	seq.s32 s5, $0x0;
	s5 =	sld [smem:$0x3FB1]  }
0x2b: {  	s6 =	sld [smem:$0x3FB2]  }
0x2c: {  	s7 =	sld [smem:$0x3FB3]  }
0x2d: {  	s3 =	simm.s32 $0x108;
	s8 =	sld [smem:$0x3FB4]  }
0x2e: {  	s3 =	simm.s32 @!p0 $0x1082;
	s9 =	sld [smem:$0x3FB5]  }
0x2f: {  	lr =	sadd.s32 s0, s3;
	s0 =	sld [smem:$0x3FAC]  }
0x30: {  	s3 =	sld [smem:$0x3FAF]  }
0x31: {  	[smem:$0x3FB8] =	sst s10  }
0x32: {  	s10 =	sld [smem:$0x3FB6];
	_ =	sdelay $0x3  }
0x33: {  	p0 =	seq.s32 s10, $0x1;
	s10 =	sld [smem:$0x3FB8];
	_ =	sdelay $0x3  }
0x34: {  	[smem:$0x3FB8] =	sst s10  }
0x35: {  	s10 =	sld [smem:$0x3FB7];
	_ =	sdelay $0x3  }
0x36: {  	p1 =	seq.s32 s10, $0x1;
	s10 =	sld [smem:$0x3FB8];
	_ =	sdelay $0x3  }
0x37: {  	[smem:$0x3FB8] =	sst s10  }
0x38: {  	s10 =	sld [smem:$0x3FB9]  }
0x39: {  	_ = 	snop;
	(pc) =	sbr.ind lr, $3  }
0x3a: {  	_ = 	snop  }
0x3b: {  	_ = 	snop  }
0x3c: {  	p2 =	seq.s32 s10, $0x1;
	s10 =	sld [smem:$0x3FB8]  }
0x3d: {  	_ =	shalt  }
0x3e: {  	_ =	shalt  }
0x3f: {  	_ =	shalt  }
0x40: {  	_ =	shalt  }
0x41: {  	_ =	shalt  }
0x42: {  	_ =	shalt  }
0x43: {  	_ =	shalt  }
0x44: {  	_ =	shalt  }
0x45: {  	_ =	shalt  }
0x46: {  	_ =	shalt  }
0x47: {  	_ =	shalt  }
0x48: {  	_ =	shalt  }
0x49: {  	_ =	shalt  }
0x4a: {  	_ =	shalt  }
0x4b: {  	_ =	shalt  }
0x4c: {  	_ =	shalt  }
0x4d: {  	_ =	shalt  }
0x4e: {  	_ =	shalt  }
0x4f: {  	_ =	shalt  }
0x50: {  	_ =	shalt  }
0x51: {  	_ =	shalt  }
0x52: {  	_ =	shalt  }
0x53: {  	_ =	shalt  }
0x54: {  	_ =	shalt  }
0x55: {  	_ =	shalt  }
0x56: {  	_ =	shalt  }
0x57: {  	_ =	shalt  }
0x58: {  	_ =	shalt  }
0x59: {  	_ =	shalt  }
0x5a: {  	_ =	shalt  }
0x5b: {  	_ =	shalt  }
0x5c: {  	_ =	shalt  }
0x5d: {  	_ =	shalt  }
0x5e: {  	_ =	shalt  }
0x5f: {  	_ =	shalt  }
0x60: {  	_ =	shalt  }
0x61: {  	_ =	shalt  }
0x62: {  	_ =	shalt  }
0x63: {  	_ =	shalt  }
0x64: {  	_ =	shalt  }
0x65: {  	_ =	shalt  }
0x66: {  	_ =	shalt  }
0x67: {  	_ =	shalt  }
0x68: {  	_ =	shalt  }
0x69: {  	_ =	shalt  }
0x6a: {  	_ =	shalt  }
0x6b: {  	_ =	shalt  }
0x6c: {  	_ =	shalt  }
0x6d: {  	_ =	shalt  }
0x6e: {  	_ =	shalt  }
0x6f: {  	_ =	shalt  }
0x70: {  	_ =	shalt  }
0x71: {  	_ =	shalt  }
0x72: {  	_ =	shalt  }
0x73: {  	_ =	shalt  }
0x74: {  	_ =	shalt  }
0x75: {  	_ =	shalt  }
0x76: {  	_ =	shalt  }
0x77: {  	_ =	shalt  }
0x78: {  	_ =	shalt  }
0x79: {  	_ =	shalt  }
0x7a: {  	_ =	shalt  }
0x7b: {  	_ =	shalt  }
0x7c: {  	_ =	shalt  }
0x7d: {  	_ =	shalt  }
0x7e: {  	_ =	shalt  }
0x7f: {  	_ =	shalt  }
0x80: {  	_ =	shalt  }
0x81: {  	_ =	shalt  }
0x82: {  	_ =	shalt  }
0x83: {  	_ =	shalt  }
0x84: {  	_ =	shalt  }
0x85: {  	_ =	shalt  }
0x86: {  	_ =	shalt  }
0x87: {  	_ =	shalt  }
.Lfunc_end0:
.L_simem_size_0:
called_computation.1_lowered:
.L_overlay_start_0:
0x88: {  	s2 =	sld [smem:$0x3FD9]  }
0x89: {  	s3 =	sld [smem:$0x3FFE];
	_ =	sdelay $0x1  }
0x8a: {  	s1 =	srdreg.scid  }
0x8b: {  	s0 =	sand.u32 $0x1, s1  }
0x8c: {  	s17 =	sshll.u32 s0, $0xA;
	s2 =	sadd.s32 s3, s2  }
0x8d: {  	s2 =	sadd.s32 s2, s17  }
0x8e: {  	[smem:$0x3FC4] =	sst s2  }
0x8f: {  	_ = 	snop  }
0x90: {  	s2 =	sld [smem:$0x3FC8]  }
0x91: {  	s18 =	sld [smem:$0x3FC7]  }
0x92: {  	s4 =	sld [smem:$0x3FC6]  }
0x93: {  	s5 =	sld [smem:$0x3FD0];
	(tm) =	ssettm $0x1  }
0x94: {  	s6 =	sld [smem:$0x3FFB];
	_ =	sdelay $0x3  }
0x95: {  	_ =	strace s6  }
0x96: {  	s6 =	sld [smem:$0x3FFC];
	_ =	sdelay $0x3  }
0x97: {  	_ =	strace s6  }
0x98: {  	s6 =	sld [smem:$0x3FFD];
	_ =	sdelay $0x3  }
0x99: {  	_ =	strace s6  }
0x9a: {  	_ =	strace $0x8FFFFFFF  }
0x9b: {  	s19 =	sld [smem:$0x3FDB];
	_ =	sdelay $0x1  }
0x9c: {  	s7 =	simm.s32 $_scs_section_size  }
0x9d: {  	s8 =	simm.s32 $_size__tile_overlayer_lowered;
	s9 =	simm.s32 $_tile_overlayer_lowered  }
0x9e: {  	s22 =	simm.s32 $0x1BFF;
	s21 =	sshll.u32 s9, $0x1;
	s6 =	sadd.s32 s7, s19  }
0x9f: {  	s10 =	simm.s32 $0x0;
	s20 =	sshll.u32 s8, $0x1;
	s8 =	sadd.s32 s21, s6  }
0xa0: {  	[timem:s10], [sflag:s22] =	dma.local [hbm:s8], s20  }
0xa1: {  	_ =	swait.ge [sflag:s22], s20  }
0xa2: {  	s7 =	ssub.s32 $0x0, s20;
	[sflag:s22] =	ssyncset.done $0x0  }
0xa3: {  	[sflag:s22] =	ssyncadd.s32 s7;
	_ =	sdelay $0x1  }
0xa4: {  	s23 =	simm.s32 $0x1B8B  }
0xa5: {  	_ =	swait.ge [sflag:s23], $0x1  }
0xa6: {  	[sflag:s23] =	ssyncset.done $0x0  }
0xa7: {  	s25 =	simm.s32 $0x1B8E;
	s24 =	sld [smem:$0x3FFE];
	[sflag:s23] =	ssyncadd.s32 $0xFFFFFFFF  }
0xa8: {  	s26 =	simm.s32 $execute0_lowered;
	[smem:$0x3FD2] =	sst s25  }
0xa9: {  	s8 =	sshll.u32 s26, $0x1;
	_ =	strace $0x80000049;
	[dreg:$0x1] =	wrdreg $0xFFFFFFFF  }
0xaa: {  	s28 =	simm.s32 $_size_execute0_lowered;
	s6 =	sadd.s32 s6, s8;
	[dreg:$0x0] =	wrdreg $0x0  }
0xab: {  	s8 =	sshll.u32 s28, $0x1;
	[dreg:$0x2] =	wrdreg s6  }
0xac: {  	[dreg:$0x3] =	wrdreg s8  }
0xad: {  	[dreg:$0x4] =	wrdreg $0xC0  }
0xae: {  	_ =	task [dreg:s10], $0x5FFFF  }
0xaf: {  	[dreg:$0x1] =	wrdreg $0xFFFFFFFF  }
0xb0: {  	[dreg:$0x0] =	wrdreg $0x60  }
0xb1: {  	[dreg:$0x2] =	wrdreg s24  }
0xb2: {  	[dreg:$0x3] =	wrdreg s2  }
0xb3: {  	[dreg:$0x4] =	wrdreg s18  }
0xb4: {  	[dreg:$0x5] =	wrdreg s4  }
0xb5: {  	[dreg:$0x6] =	wrdreg s5  }
0xb6: {  	[dreg:$0x7] =	wrdreg $0x0  }
0xb7: {  	[dreg:$0x8] =	wrdreg $0x9  }
0xb8: {  	_ =	task.clear_ibuf [dreg:s10], $0x9FFFF;
	_ =	strace $0x90000049  }
0xb9: {  	s29 =	simm.s32 $0x9;
	_ =	strace $0x8000004B  }
0xba: {  	_ =	swait.ge [sflag:s29], $0x1  }
0xbb: {  	[sflag:s29] =	ssyncadd.s32 $0xFFFFFFFF  }
0xbc: {  	_ =	strace $0x9000004B  }
0xbd: {  	_ =	sfence  }
0xbe: {  	s30 =	sld [smem:$0x0];
	_ =	sdelay $0x2  }
0xbf: {  	s31 =	sshll.u32 s1, $0xD;
	s1 =	sshrl.u32 s1, $0x2  }
0xc0: {  	s3 =	sand.u32 $0x4000, s31;
	s1 =	sadd.s32 s1, s30  }
0xc1: {  	s0 =	sor.u32 s3, s0;
	s1 =	sshll.u32 s1, $0x11  }
0xc2: {  	s0 =	sor.u32 s1, s0  }
0xc3: {  	s0 =	sadd.s32 $0x8F2B, s0  }
0xc4: {  	[sflag:s0] =	ssyncadd.remote.s32 $0x1  }
0xc5: {  	_ =	sfence.sel $0xFFFF  }
0xc6: {  	[dreg:$0x0] =	wrdreg $0xFFFFFFFF;
	(pc) =	sbr.abs _section_cstart, $3  }
0xc7: {  	[dreg:$0x1] =	wrdreg $0xFFFFFFFF  }
0xc8: {  	_ =	task.clear_ibuf [dreg:s10], $0x2FFFF;
	_ =	strace $0x9FFFFFFF  }
0xc9: {  	(tm) =	ssettm $0x7FFFFFFF  }
tec
execute0_lowered:
.L_overlay_start_1:
0x0: {  	(tag) =	ssettag $0x1  }
0x1: {  	s8 =	rddreg [dreg:$0x0]  }
0x2: {  	s1 =	rddreg [dreg:$0x1]  }
0x3: {  	s2 =	rddreg [dreg:$0x2]  }
0x4: {  	s3 =	rddreg [dreg:$0x3]  }
0x5: {  	s4 =	rddreg [dreg:$0x4]  }
0x6: {  	s5 =	rddreg [dreg:$0x5]  }
0x7: {  	s0 =	rddreg [dreg:$0x6]  }
0x8: {  	s6 =	simm.s32 $0x0;
	s9 =	srdreg.scid;
	s7 =	stileid.u32  }
0x9: {  	s10 =	simm.s32 $0x1B;
	s17 =	simm.s32 $0x80;
	s18 =	simm.s32 $0x400  }
0xa: {  	s19 =	simm.s32 $0x1F880;
	s20 =	simm.s32 $0x1FA00;
	s21 =	simm.s32 $0x1FB80  }
0xb: {  	s22 =	simm.s32 $0x180;
	[smem:$0x7FF] =	sst s6;
	s11 =	sand.u32 $0x1, s9  }
0xc: {  	s8 =	sadd.s32 $0x1E00, s8;
	s26 =	sshll.u32 s7, $0x1;
	s16 =	smul.u32 $0x50000, s7  }
0xd: {  	p0 =	seq.s32 s7, $0xF;
	s9 =	simm.s32 $0x5;
	s31 =	smul.u32 $0x14000, s7  }
0xe: {  	_ =	strace $0x8000004A;
	s12 =	ssub.s32 $0x2, s11;
	s13 =	sor.u32 s11, s26  }
0xf: {  	s9 =	simm.s32 @!p0 $0x8;
	p0 =	seq.s32 s7, $0x0;
	s28 =	smul.u32 $0x138800, s11  }
0x10: {  	s14 =	sshrl.u32 s12, $0x1;
	s15 =	smul.u32 $0x1A, s13;
	s10 =	simm.s32 @!p0 $0x1A  }
0x11: {  	s29 =	smin.u32 s13, $0x2;
	s30 =	sshrl.u32 s16, $0x2;
	s16 =	simm.s32 $0x1  }
0x12: {  	s12 =	ssub.s32 s12, s14;
	s13 =	sadd.s32 s30, s5;
	s14 =	sadd.s32 s31, s28  }
0x13: {  	v0 =	vimm.f32 $0.0e+00;
	s11 =	sadd.s32 s29, s15;
	s12 =	smax.u32 s12, $0x1;
	s15 =	simm.s32 $0x13880  }
.LBB2_1:
0x14: {  	s23 =	simm.s32 $0x0;
	s24 =	simm.s32 $0x200  }
.LBB2_2:
0x15: {  	p0 =	sne.s32 s24, $0x9E00;
	[tilespmem:s23+$0x138F0] =	vst v0  }
0x16: {  	[tilespmem:s23+$0x13880] =	vst v0  }
0x17: {  	[tilespmem:s23+$0x13890] =	vst v0  }
.Ltmp0:
0x18: {  	[tilespmem:s23+$0x138A0] =	vst v0;
	(pc) =	sbr.rel @p0 .LBB2_2-.Ltmp0, $4  }
0x19: {  	[tilespmem:s23+$0x138B0] =	vst v0  }
0x1a: {  	[tilespmem:s23+$0x138C0] =	vst v0  }
0x1b: {  	[tilespmem:s23+$0x138D0] =	vst v0  }
0x1c: {  	[tilespmem:s23+$0x138E0] =	vst v0;
	s23 =	sshra.s32 s24, $0x2;
	s24 =	sadd.s32 $0x200, s24  }
0x1d: {  	[tilespmem:s23+$0x138F0] =	vst v0  }
0x1e: {  	[tilespmem:s23+$0x13880] =	vst v0  }
0x1f: {  	[tilespmem:s23+$0x13890] =	vst v0  }
0x20: {  	[tilespmem:s23+$0x138A0] =	vst v0  }
0x21: {  	[tilespmem:s23+$0x138B0] =	vst v0  }
0x22: {  	[tilespmem:s23+$0x138C0] =	vst v0;
	p0 =	sne.s32 s9, $0x1  }
.Ltmp1:
0x23: {  	[tilespmem:s23+$0x138D0] =	vst v0;
	(pc) =	sbr.rel @!p0 .LBB2_5-.Ltmp1, $4  }
0x24: {  	[tilespmem:s23+$0x138E0] =	vst v0  }
0x25: {  	[spmem:s13] =	stream.linear.scatter [tilespmem:s15], [sflag:$0x1], $0x2800, $0x38;
	[tilespmem:$0x1FD80] =	vst v63  }
0x26: {  	_ =	swait.ge [sflag:s16], $0x2800  }
0x27: {  	s23 =	sadd.s32 $0xFFFFFFFF, s9;
	s24 =	smov.u32 s13;
	[sflag:s16] =	ssyncset.done $0x0  }
.LBB2_4:
0x28: {  	p1 =	sne.s32 s23, $0x1;
	[sflag:s16] =	ssyncadd.s32 $0xFFFFD800;
	s24 =	sadd.s32 $0x2800, s24  }
.Ltmp2:
0x29: {  	s23 =	sadd.s32 $0xFFFFFFFF, s23;
	(pc) =	sbr.rel @p1 .LBB2_4-.Ltmp2, $4  }
0x2a: {  	_ = 	snop  }
0x2b: {  	[spmem:s24] =	stream.linear.scatter [tilespmem:s15], [sflag:$0x1], $0x2800, $0x38;
	[tilespmem:$0x1FD80] =	vst v63  }
0x2c: {  	_ =	swait.ge [sflag:s16], $0x2800  }
0x2d: {  	[sflag:s16] =	ssyncset.done $0x0  }
.LBB2_5:
0x2e: {  	[sflag:s16] =	ssyncadd.s32 $0xFFFFD800  }
0x2f: {  	s23 =	simm.s32 $0x0;
	[bflag:$0x0] =	sbarrier.arrive $0xFFFF  }
.LBB2_6:
0x30: {  	s24 =	sadd.s32 s23, s11  }
0x31: {  	s25 =	sshrl.u32 s24, $0x3  }
0x32: {  	s24 =	sshll.u32 s24, $0x7;
	s25 =	smul.u32 $0xC00, s25  }
0x33: {  	s24 =	sand.u32 $0x380, s24  }
0x34: {  	s24 =	sor.u32 s24, s25  }
0x35: {  	s24 =	sshrl.u32 s24, $0x3  }
0x36: {  	s29 =	sadd.s32 s1, s24  }
0x37: {  	[tilespmem:s19], [sflag:$0x1] =	stream.strided.gather [hbm4b:s29+s17], $0x180, s18, s17, $0x38;
	[tilespmem:$0x1FD80] =	vst v63  }
0x38: {  	_ =	swait.ge [sflag:s16], $0x180  }
0x39: {  	[sflag:s16] =	ssyncset.done $0x0  }
0x3a: {  	s30 =	sadd.s32 s2, s24;
	[sflag:s16] =	ssyncadd.s32 $0xFFFFFE80  }
0x3b: {  	[tilespmem:s20], [sflag:$0x1] =	stream.strided.gather [hbm4b:s30+s17], $0x180, s18, s17, $0x38;
	[tilespmem:$0x1FD80] =	vst v63  }
0x3c: {  	_ =	swait.ge [sflag:s16], $0x180  }
0x3d: {  	[sflag:s16] =	ssyncset.done $0x0  }
0x3e: {  	s24 =	sadd.s32 s3, s24;
	[sflag:s16] =	ssyncadd.s32 $0xFFFFFE80  }
0x3f: {  	[tilespmem:s21], [sflag:$0x1] =	stream.strided.gather [hbm4b:s24+s17], $0x180, s18, s17, $0x38;
	[tilespmem:$0x1FD80] =	vst v63  }
0x40: {  	_ =	swait.ge [sflag:s16], $0x180  }
0x41: {  	[sflag:s16] =	ssyncset.done $0x0  }
0x42: {  	[sflag:s16] =	ssyncadd.s32 $0xFFFFFE80  }
0x43: {  	[tilespmem:s15], [sflag:$0x1] =	stream.indirect.gather [hbm4b:s8+s22], $0x80, s19, s22, $0xb8;
	[tilespmem:$0x1FD80] =	vst v63  }
0x44: {  	_ =	swait.ge [sflag:s16], $0xC000  }
0x45: {  	[sflag:s16] =	ssyncset.done $0x0  }
0x46: {  	s24 =	simm.s32 $0x138C0;
	[sflag:s16] =	ssyncadd.s32 $0xFFFF4000  }
0x47: {  	v5 =	vld [tilespmem:s24+$0x30]  }
0x48: {  	v8 =	vld [tilespmem:s24+$0x10]  }
0x49: {  	s31 =	simm.s32 $0x0;
	v6 =	vld [tilespmem:s24+$0xFFFFFFC0]  }
0x4a: {  	v2 =	vld.msk [tilespmem:s31+$0x1FB80 ss:$0x0], $0xffff  }
0x4b: {  	v10 =	vld [tilespmem:s24+$0xFFFFFFE0]  }
0x4c: {  	v1 =	vld [tilespmem:s24+$0xFFFFFFF0]  }
0x4d: {  	v3 =	vld [tilespmem:s24+$0x20]  }
0x4e: {  	v4 =	vld [tilespmem:s24+$0xFFFFFFD0]  }
0x4f: {  	v9 =	vmul.f32 v5, v2;
	v5 =	vld [tilespmem:s24+$0x0]  }
0x50: {  	v7 =	vmul.f32 v2, v6  }
0x51: {  	s26 =	simm.s32 $0x138C0;
	s25 =	simm.s32 $0x4;
	v6 =	vmul.f32 v10, v2;
	v8 =	vmul.f32 v8, v2  }
.LBB2_7:
0x52: {  	p1 =	sne.s32 s25, $0x5FC  }
0x53: {  	v4 =	vmul.f32 v4, v2;
	v3 =	vmul.f32 v3, v2;
	[tilespmem:s24+$0x30] =	vst v9;
	s26 =	sadd.s32 $0x80, s26;
	s28 =	smov.u32 s25;
	s25 =	sadd.s32 $0x4, s25  }
0x54: {  	[tilespmem:s24+$0xFFFFFFC0] =	vst v7;
	v7 =	vmul.f32 v1, v2;
	v2 =	vmul.f32 v5, v2  }
0x55: {  	[tilespmem:s24+$0x10] =	vst v8  }
0x56: {  	[tilespmem:s24+$0xFFFFFFE0] =	vst v6  }
0x57: {  	v1 =	vld [tilespmem:s26+$0xFFFFFFF0];
	[tilespmem:s24+$0xFFFFFFF0] =	vst v7  }
0x58: {  	v6 =	vld [tilespmem:s26+$0x30];
	[tilespmem:s24+$0x0] =	vst v2  }
0x59: {  	v8 =	vld [tilespmem:s26+$0x10];
	[tilespmem:s24+$0x20] =	vst v3  }
0x5a: {  	s28 =	sshra.s32 s28, $0x2;
	v7 =	vld [tilespmem:s26+$0xFFFFFFC0];
	[tilespmem:s24+$0xFFFFFFD0] =	vst v4;
	s24 =	smov.u32 s26  }
0x5b: {  	v2 =	vld.msk [tilespmem:s28+$0x1FB80 ss:$0x0], $0xffff  }
0x5c: {  	v10 =	vld [tilespmem:s26+$0xFFFFFFE0]  }
0x5d: {  	v3 =	vld [tilespmem:s26+$0x20]  }
.Ltmp3:
0x5e: {  	v4 =	vld [tilespmem:s26+$0xFFFFFFD0];
	(pc) =	sbr.rel @p1 .LBB2_7-.Ltmp3, $3  }
0x5f: {  	v5 =	vld [tilespmem:s26+$0x0];
	_ =	sdelay $0x1  }
0x60: {  	v7 =	vmul.f32 v2, v7;
	v9 =	vmul.f32 v6, v2  }
0x61: {  	v8 =	vmul.f32 v8, v2;
	v6 =	vmul.f32 v10, v2  }
0x62: {  	[tilespmem:s24+$0x30] =	vst v9  }
0x63: {  	[tilespmem:s24+$0xFFFFFFC0] =	vst v7  }
0x64: {  	v1 =	vmul.f32 v1, v2;
	[tilespmem:s24+$0x10] =	vst v8  }
0x65: {  	v3 =	vmul.f32 v3, v2;
	[tilespmem:s24+$0xFFFFFFE0] =	vst v6  }
0x66: {  	v5 =	vmul.f32 v5, v2;
	[tilespmem:s24+$0xFFFFFFF0] =	vst v1  }
0x67: {  	s23 =	sadd.s32 $0x1, s23;
	v1 =	vmul.f32 v4, v2;
	[tilespmem:s24+$0x20] =	vst v3  }
0x68: {  	p1 =	sne.s32 s23, s10;
	[tilespmem:s24+$0x0] =	vst v5  }
.Ltmp4:
0x69: {  	[tilespmem:s24+$0xFFFFFFD0] =	vst v1;
	(pc) =	sbr.rel @p1 .LBB2_6-.Ltmp4, $4  }
0x6a: {  	[spmem:s5] =	stream.indirect.scatter.add.f32 [tilespmem:s15], [sflag:$0x1], $0x80, s20, s22, $0xb8;
	[tilespmem:$0x1FD80] =	vst v63  }
0x6b: {  	_ =	swait.ge [sflag:s16], $0xC000  }
0x6c: {  	[sflag:s16] =	ssyncset.done $0x0  }
0x6d: {  	[sflag:s16] =	ssyncadd.s32 $0xFFFF4000  }
.Ltmp5:
0x6e: {  	(pc) =	sbr.rel @!p0 .LBB2_11-.Ltmp5, $4  }
0x6f: {  	[bflag:$0x0] =	sbarrier.arrive $0xFFFF;
	s23 =	sshll.u32 s7, $0x6;
	s24 =	sshrl.u32 s14, $0x3  }
0x70: {  	s25 =	sshrl.u32 s13, $0x3;
	s24 =	sadd.s32 s4, s24;
	s23 =	sor.u32 $0x1C01, s23  }
0x71: {  	[hbm:s24], [sflag:s23] =	dma.local [spmem:s25], $0x500  }
0x72: {  	s26 =	smov.u32 s13;
	s24 =	sadd.s32 $0xFFFFFFFF, s9;
	s25 =	sadd.s32 $0x2800, s14  }
.LBB2_10:
0x73: {  	_ =	swait.ge [sflag:s16], $0x500  }
0x74: {  	s26 =	sadd.s32 $0x2800, s26;
	s28 =	sshrl.u32 s25, $0x3;
	p0 =	sne.s32 s24, $0x1  }
.Ltmp6:
0x75: {  	s29 =	sshrl.u32 s26, $0x3;
	[sflag:s16] =	ssyncset.done $0x0;
	(pc) =	sbr.rel @p0 .LBB2_10-.Ltmp6, $4  }
0x76: {  	s28 =	sadd.s32 s4, s28;
	[sflag:s16] =	ssyncadd.s32 $0xFFFFFB00  }
0x77: {  	[hbm:s28], [sflag:s23] =	dma.local [spmem:s29], $0x500  }
0x78: {  	s24 =	sadd.s32 $0xFFFFFFFF, s24  }
0x79: {  	s25 =	sadd.s32 $0x2800, s25  }
.LBB2_11:
0x7a: {  	s6 =	sadd.s32 $0x1, s6  }
0x7b: {  	p0 =	sne.s32 s6, s12  }
.Ltmp7:
0x7c: {  	_ = 	snop;
	(pc) =	sbr.rel @p0 .LBB2_1-.Ltmp7, $4  }
0x7d: {  	_ = 	snop  }
0x7e: {  	_ =	swait.ge [sflag:s16], $0x500  }
0x7f: {  	[sflag:s16] =	ssyncset.done $0x0  }
0x80: {  	[sflag:s16] =	ssyncadd.s32 $0xFFFFFB00  }
0x81: {  	_ =	sfence.sel $0x180000  }
0x82: {  	[bflag:$0x0] =	sbarrier.arrive $0xFFFF  }
0x83: {  	p0 =	sne.s32 s7, $0x0;
	_ =	strace $0x9000004A  }
0x84: {  	s0 =	sadd.s32 @!p0 $0x100000, s0;
	[bflag:$0x2] =	sbarrier.arrive $0xFFFF  }
0x85: {  	[sflag:s0] =	ssyncadd.tile.s32 @!p0 $0x1;
	_ =	shalt  }
.Lfunc_end2:
_tile_overlayer_lowered:
.L_overlay_start_2:
0x86: {  	(tag) =	ssettag $0x2  }
0x87: {  	s0 =	rddreg [dreg:$0x0];
	s2 =	stileid.u32  }
0x88: {  	s1 =	rddreg [dreg:$0x1];
	p0 =	sne.s32 s2, $0x0  }
0x89: {  	s3 =	rddreg [dreg:$0x2];
	[bflag:$0x3] =	sbarrier.arrive $0xFFFF;
	s2 =	simm.s32 @!p0 $0x1C01  }
0x8a: {  	[timem:s3], [sflag:s2] =	dma.local @!p0 [hbm:s0], s1  }
0x8b: {  	s0 =	simm.s32 @!p0 $0x1  }
0x8c: {  	_ =	swait.ge @!p0 [sflag:s0], s1  }
0x8d: {  	s1 =	ssub.s32 @!p0 $0x0, s1;
	[sflag:s0] =	ssyncset.done @!p0 $0x0  }
0x8e: {  	[sflag:s0] =	ssyncadd.s32 @!p0 s1  }
0x8f: {  	[bflag:$0x3] =	sbarrier.arrive $0xFFFF  }
0x90: {  	_ =	shalt  }

</sc_bundles>
